<compile_context>
chip_gen: v7x
topology: tpu7x:2x2x1
jax: 0.10.2.dev20260603
libtpu: 0.0.44.dev20260713+nightly
codegen_flags: <defaults>
</compile_context>

<pallas_src>
import functools

import jax
import jax.numpy as jnp
from jax import lax
from jax.experimental import pallas as pl
from jax.experimental.pallas import tpu as pltpu
from jax.experimental.pallas import tpu_sc as plsc

EMBED = 4096
EXPERTS = 64
EPAD = 128
K = 8
TOKENS = 16384


_BT = 512


def _logits_body(x_ref, w_ref, b_ref, o_ref):
    res = (
        jnp.dot(x_ref[...], w_ref[...], preferred_element_type=jnp.float32)
        + b_ref[...]
    )
    o_ref[...] = jnp.concatenate(
        [res, jnp.full((_BT, EPAD - EXPERTS), -1e30, jnp.float32)], axis=1
    )


def _logits(x2d, Wp, bp):
    nt = x2d.shape[0]
    return pl.pallas_call(
        _logits_body,
        grid=(nt // _BT,),
        in_specs=[
            pl.BlockSpec((_BT, EMBED), lambda i: (i, 0)),
            pl.BlockSpec((EMBED, EXPERTS), lambda i: (0, 0)),
            pl.BlockSpec((1, EXPERTS), lambda i: (0, 0)),
        ],
        out_specs=pl.BlockSpec((_BT, EPAD), lambda i: (i, 0)),
        out_shape=jax.ShapeDtypeStruct((nt, EPAD), jnp.float32),
    )(x2d, Wp, bp)



_NCORES = 2
_NW = 16 * _NCORES
_TPW = TOKENS // _NW
_TB = 128


def _sc_topk_body(lg_hbm, ov_hbm, oi_hbm, lg, ov, oi, sem):
    wid = lax.axis_index("s") * _NCORES + lax.axis_index("c")
    base_tok = wid * _TPW

    lane = lax.iota(jnp.int32, 16)
    lo8 = lane < 8
    lane_st = jnp.where(lo8, lane, 0)
    pay = [lane + 16 * q for q in range(4)]

    def merge(ak, ap, bk, bp):
        ck = jnp.where(lo8, ak, lax.rev(bk, (0,)))
        cp = jnp.where(lo8, ap, lax.rev(bp, (0,)))
        return plsc.sort_key_val(ck, cp, descending=True)

    for blk in range(_TPW // _TB):
        pltpu.sync_copy(lg_hbm.at[pl.ds(base_tok + blk * _TB, _TB), :], lg)
        out0 = blk * _TB

        @plsc.parallel_loop(0, _TB, 1, unroll=4)
        def token(t):
            s0, q0 = plsc.sort_key_val(
                lg[t, pl.ds(0, 16)], pay[0], descending=True
            )
            s1, q1 = plsc.sort_key_val(
                lg[t, pl.ds(16, 16)], pay[1], descending=True
            )
            s2, q2 = plsc.sort_key_val(
                lg[t, pl.ds(32, 16)], pay[2], descending=True
            )
            s3, q3 = plsc.sort_key_val(
                lg[t, pl.ds(48, 16)], pay[3], descending=True
            )
            ka, qa = merge(s0, q0, s1, q1)
            kb, qb = merge(s2, q2, s3, q3)
            kf, qf = merge(ka, qa, kb, qb)
            ex = jnp.exp(jnp.minimum(kf, 80.0))
            em = jnp.where(lo8, ex, 0.0)
            r = em / jnp.broadcast_to(jnp.sum(em), (16,))
            idxs = (out0 + t) * K + lane_st
            plsc.store_scatter(ov, [idxs], r, mask=lo8)
            plsc.store_scatter(oi, [idxs], qf, mask=lo8)

    pltpu.sync_copy(ov, ov_hbm.at[pl.ds(base_tok * K, _TPW * K)])
    pltpu.sync_copy(oi, oi_hbm.at[pl.ds(base_tok * K, _TPW * K)])


@functools.partial(
    pl.kernel,
    mesh=plsc.VectorSubcoreMesh(
        core_axis_name="c", subcore_axis_name="s", num_cores=_NCORES
    ),
    out_type=[
        jax.ShapeDtypeStruct((TOKENS * K,), jnp.float32),
        jax.ShapeDtypeStruct((TOKENS * K,), jnp.int32),
    ],
    scratch_types=[
        pltpu.VMEM((_TB, EPAD), jnp.float32),
        pltpu.VMEM((_TPW * K,), jnp.float32),
        pltpu.VMEM((_TPW * K,), jnp.int32),
        pltpu.SemaphoreType.DMA,
    ],
    compiler_params=pltpu.CompilerParams(needs_layout_passes=False),
)
def _sc_topk(lg_hbm, ov_hbm, oi_hbm, lg, ov, oi, sem):
    _sc_topk_body(lg_hbm, ov_hbm, oi_hbm, lg, ov, oi, sem)




def kernel(inputs, W, b):
    B, S, E = inputs.shape
    x2d = inputs.reshape(B * S, E)
    logits = _logits(x2d, W, b.reshape(1, EXPERTS))
    vals, idx = _sc_topk(logits)
    return vals.reshape(B, S, K), idx.reshape(B, S, K)

# --- scband reference (transcript-rebuilt; emitter-appended) ---
"""Pipeline reference for scband-topk-router-29188597743838 (READ-ONLY COPY).

The authoritative reference and input builder live on the scoring server;
editing this copy changes nothing except your own understanding.
"""

import jax, jax.numpy as jnp
import numpy as np

EMBED_SIZE = 4096
NUM_EXPERTS = 64
ACTIVE_EXPERTS = 8
BATCH = 4
SEQ_LEN = 4096


def setup_inputs(seed: int = 0) -> dict:
    key = jax.random.key(seed)
    k1, k2, k3 = jax.random.split(key, 3)
    inputs = jax.random.normal(k1, (BATCH, SEQ_LEN, EMBED_SIZE), dtype=jnp.float32)
    # nn.Linear(embed_size, num_experts): weight [num_experts, embed_size], bias [num_experts]
    # store transposed W [embed_size, num_experts] for x @ W
    W = jax.random.normal(k2, (EMBED_SIZE, NUM_EXPERTS), dtype=jnp.float32) * (1.0 / np.sqrt(EMBED_SIZE))
    b = jax.random.normal(k3, (NUM_EXPERTS,), dtype=jnp.float32) * 0.01
    return {"inputs": inputs, "W": W, "b": b}


def reference(inputs, W, b):
    # logits = Linear(inputs)
    logits = jnp.einsum('bse,en->bsn', inputs, W) + b
    router_output = jax.nn.softmax(logits, axis=-1)
    topk_values, indices = jax.lax.top_k(router_output, ACTIVE_EXPERTS)
    topk_normalized = topk_values / jnp.sum(topk_values, axis=-1, keepdims=True)
    return (topk_normalized, indices)

if __name__ == "__main__":
    import jax
    _d = setup_inputs()
    print(jax.jit(kernel)(*tuple(_d.values())))

</pallas_src>

<mosaic_0001>
#map = affine_map<(d0, d1) -> (0, 0)>
#map1 = affine_map<(d0, d1) -> (0)>
module attributes {stable_mosaic.version = 14 : i64} {
  func.func @_sc_topk(%arg0: i32, %arg1: i32, %arg2: memref<16384x128xf32, #tpu.memory_space<hbm>>, %arg3: memref<131072xf32, #tpu.memory_space<hbm>>, %arg4: memref<131072xi32, #tpu.memory_space<hbm>>, %arg5: memref<128x128xf32, #tpu.memory_space<vmem>>, %arg6: memref<4096xf32, #tpu.memory_space<vmem>>, %arg7: memref<4096xi32, #tpu.memory_space<vmem>>, %arg8: memref<!tpu.dma_semaphore, #tpu.memory_space<semaphore_mem>>) attributes {dimension_semantics = [#tpu.dimension_semantics<core_parallel>, #tpu.dimension_semantics<subcore_parallel>], iteration_bounds = array<i64: 2, 16>, scalar_prefetch = 0 : i64, scratch_operands = 4 : i64, tpu.core_type = #tpu.core_type<sc_vector_subcore>, window_params = [{transform_indices = #map}, {transform_indices = #map1}, {transform_indices = #map1}]} {
    %mul3A = arith.constant 2 : i32
    %mul3A_0 = arith.muli %arg1, %mul3A : i32
    %add3A = arith.addi %mul3A_0, %arg0 : i32
    %mul3A_1 = arith.constant 512 : i32
    %mul3A_2 = arith.muli %add3A, %mul3A_1 : i32
    %iota3A = tpu.iota {dimensions = array<i32: 0>} : vector<16xi32>
    %lt3A = arith.constant 8 : i32
    %lt3A_3 = vector.broadcast %lt3A : i32 to vector<16xi32>
    %lt3A_4 = arith.cmpi slt, %iota3A, %lt3A_3 : vector<16xi32>
    %jit3A = arith.constant 0 : i32
    %broadcast_in_dim3A = vector.broadcast %jit3A : i32 to vector<16xi32>
    %select_n3A = arith.select %lt3A_4, %iota3A, %broadcast_in_dim3A : vector<16xi1>, vector<16xi32>
    %add3A_5 = arith.constant 0 : i32
    %add3A_6 = vector.broadcast %add3A_5 : i32 to vector<16xi32>
    %add3A_7 = arith.addi %iota3A, %add3A_6 : vector<16xi32>
    %add3A_8 = arith.constant 16 : i32
    %add3A_9 = vector.broadcast %add3A_8 : i32 to vector<16xi32>
    %add3A_10 = arith.addi %iota3A, %add3A_9 : vector<16xi32>
    %add3A_11 = arith.constant 32 : i32
    %add3A_12 = vector.broadcast %add3A_11 : i32 to vector<16xi32>
    %add3A_13 = arith.addi %iota3A, %add3A_12 : vector<16xi32>
    %add3A_14 = arith.constant 48 : i32
    %add3A_15 = vector.broadcast %add3A_14 : i32 to vector<16xi32>
    %add3A_16 = arith.addi %iota3A, %add3A_15 : vector<16xi32>
    %add3A_17 = arith.constant 0 : i32
    %add3A_18 = arith.addi %mul3A_2, %add3A_17 : i32
    "tpu.region"() ({
      %run_scoped3A = tpu.sem_alloc : memref<!tpu.dma_semaphore, #tpu.memory_space<semaphore_mem>>
      %dma_start3A = arith.constant 0 : i32
      %dma_start3A_40 = tpu.memref_slice %arg2[%add3A_18, %dma_start3A] : memref<16384x128xf32, #tpu.memory_space<hbm>> -> memref<128x128xf32, #tpu.memory_space<hbm>>
      %dma_start3A_41 = arith.constant 0 : i32
      %dma_start3A_42 = tpu.memref_slice %arg2[%add3A_18, %dma_start3A_41] : memref<16384x128xf32, #tpu.memory_space<hbm>> -> memref<128x128xf32, #tpu.memory_space<hbm>>
      tpu.enqueue_dma source(%dma_start3A_42 : memref<128x128xf32, #tpu.memory_space<hbm>>) target(%arg5 : memref<128x128xf32, #tpu.memory_space<vmem>>) target_semaphore(%run_scoped3A : memref<!tpu.dma_semaphore, #tpu.memory_space<semaphore_mem>>)
      %dma_wait3A = arith.constant 0 : i32
      %dma_wait3A_43 = tpu.memref_slice %arg2[%add3A_18, %dma_wait3A] : memref<16384x128xf32, #tpu.memory_space<hbm>> -> memref<128x128xf32, #tpu.memory_space<hbm>>
      %dma_wait3A_44 = arith.constant 0 : i32
      %dma_wait3A_45 = tpu.memref_slice %arg2[%add3A_18, %dma_wait3A_44] : memref<16384x128xf32, #tpu.memory_space<hbm>> -> memref<128x128xf32, #tpu.memory_space<hbm>>
      tpu.wait_dma2 semaphore(%run_scoped3A : memref<!tpu.dma_semaphore, #tpu.memory_space<semaphore_mem>>) src(%dma_wait3A_45 : memref<128x128xf32, #tpu.memory_space<hbm>>) dst(%arg5 : memref<128x128xf32, #tpu.memory_space<vmem>>)
      tpu.yield
    }) : () -> ()
    %parallel_loop3A = arith.constant 0 : i32
    %parallel_loop3A_19 = arith.constant 128 : i32
    %parallel_loop3A_20 = arith.constant 1 : i32
    scf.for %parallel_loop3A_40 = %parallel_loop3A to %parallel_loop3A_19 step %parallel_loop3A_20  : i32 {
      %parallel_loop3A_41 = arith.index_cast %parallel_loop3A_40 : i32 to index
      %parallel_loop3A_42 = arith.constant 0 : index
      %parallel_loop3A_43 = tpu.vector_load %arg5[%parallel_loop3A_41, %parallel_loop3A_42] {strides = array<i32>} : memref<128x128xf32, #tpu.memory_space<vmem>>, vector<16xf32>,
      %parallel_loop3A_44 = arith.constant dense<true> : vector<16xi1>
      %parallel_loop3A_45, %parallel_loop3A_46, %parallel_loop3A_47 = tpu.sort %parallel_loop3A_43, %add3A_7 masked %parallel_loop3A_44 {descending = true} : (vector<16xf32>, vector<16xi32>, vector<16xi1>) -> (vector<16xi1>, vector<16xf32>, vector<16xi32>)
      %parallel_loop3A_48 = arith.index_cast %parallel_loop3A_40 : i32 to index
      %parallel_loop3A_49 = arith.constant 16 : index
      %parallel_loop3A_50 = tpu.vector_load %arg5[%parallel_loop3A_48, %parallel_loop3A_49] {strides = array<i32>} : memref<128x128xf32, #tpu.memory_space<vmem>>, vector<16xf32>,
      %parallel_loop3A_51 = arith.constant dense<true> : vector<16xi1>
      %parallel_loop3A_52, %parallel_loop3A_53, %parallel_loop3A_54 = tpu.sort %parallel_loop3A_50, %add3A_10 masked %parallel_loop3A_51 {descending = true} : (vector<16xf32>, vector<16xi32>, vector<16xi1>) -> (vector<16xi1>, vector<16xf32>, vector<16xi32>)
      %parallel_loop3A_55 = arith.index_cast %parallel_loop3A_40 : i32 to index
      %parallel_loop3A_56 = arith.constant 32 : index
      %parallel_loop3A_57 = tpu.vector_load %arg5[%parallel_loop3A_55, %parallel_loop3A_56] {strides = array<i32>} : memref<128x128xf32, #tpu.memory_space<vmem>>, vector<16xf32>,
      %parallel_loop3A_58 = arith.constant dense<true> : vector<16xi1>
      %parallel_loop3A_59, %parallel_loop3A_60, %parallel_loop3A_61 = tpu.sort %parallel_loop3A_57, %add3A_13 masked %parallel_loop3A_58 {descending = true} : (vector<16xf32>, vector<16xi32>, vector<16xi1>) -> (vector<16xi1>, vector<16xf32>, vector<16xi32>)
      %parallel_loop3A_62 = arith.index_cast %parallel_loop3A_40 : i32 to index
      %parallel_loop3A_63 = arith.constant 48 : index
      %parallel_loop3A_64 = tpu.vector_load %arg5[%parallel_loop3A_62, %parallel_loop3A_63] {strides = array<i32>} : memref<128x128xf32, #tpu.memory_space<vmem>>, vector<16xf32>,
      %parallel_loop3A_65 = arith.constant dense<true> : vector<16xi1>
      %parallel_loop3A_66, %parallel_loop3A_67, %parallel_loop3A_68 = tpu.sort %parallel_loop3A_64, %add3A_16 masked %parallel_loop3A_65 {descending = true} : (vector<16xf32>, vector<16xi32>, vector<16xi1>) -> (vector<16xi1>, vector<16xf32>, vector<16xi32>)
      %parallel_loop3A_69 = arith.constant 15 : i32
      %parallel_loop3A_70 = vector.broadcast %parallel_loop3A_69 : i32 to vector<16xi32>
      %parallel_loop3A_71 = tpu.iota {dimensions = array<i32: 0>} : vector<16xi32>
      %parallel_loop3A_72 = arith.subi %parallel_loop3A_70, %parallel_loop3A_71 : vector<16xi32>
      %parallel_loop3A_73 = tpu.dynamic_gather %parallel_loop3A_53[%parallel_loop3A_72] in [0] : vector<16xf32>, vector<16xi32> -> vector<16xf32>
      %parallel_loop3A_74 = arith.select %lt3A_4, %parallel_loop3A_46, %parallel_loop3A_73 : vector<16xi1>, vector<16xf32>
      %parallel_loop3A_75 = arith.constant 15 : i32
      %parallel_loop3A_76 = vector.broadcast %parallel_loop3A_75 : i32 to vector<16xi32>
      %parallel_loop3A_77 = tpu.iota {dimensions = array<i32: 0>} : vector<16xi32>
      %parallel_loop3A_78 = arith.subi %parallel_loop3A_76, %parallel_loop3A_77 : vector<16xi32>
      %parallel_loop3A_79 = tpu.dynamic_gather %parallel_loop3A_54[%parallel_loop3A_78] in [0] : vector<16xi32>, vector<16xi32> -> vector<16xi32>
      %parallel_loop3A_80 = arith.select %lt3A_4, %parallel_loop3A_47, %parallel_loop3A_79 : vector<16xi1>, vector<16xi32>
      %parallel_loop3A_81 = arith.constant dense<true> : vector<16xi1>
      %parallel_loop3A_82, %parallel_loop3A_83, %parallel_loop3A_84 = tpu.sort %parallel_loop3A_74, %parallel_loop3A_80 masked %parallel_loop3A_81 {descending = true} : (vector<16xf32>, vector<16xi32>, vector<16xi1>) -> (vector<16xi1>, vector<16xf32>, vector<16xi32>)
      %parallel_loop3A_85 = arith.constant 15 : i32
      %parallel_loop3A_86 = vector.broadcast %parallel_loop3A_85 : i32 to vector<16xi32>
      %parallel_loop3A_87 = tpu.iota {dimensions = array<i32: 0>} : vector<16xi32>
      %parallel_loop3A_88 = arith.subi %parallel_loop3A_86, %parallel_loop3A_87 : vector<16xi32>
      %parallel_loop3A_89 = tpu.dynamic_gather %parallel_loop3A_67[%parallel_loop3A_88] in [0] : vector<16xf32>, vector<16xi32> -> vector<16xf32>
      %parallel_loop3A_90 = arith.select %lt3A_4, %parallel_loop3A_60, %parallel_loop3A_89 : vector<16xi1>, vector<16xf32>
      %parallel_loop3A_91 = arith.constant 15 : i32
      %parallel_loop3A_92 = vector.broadcast %parallel_loop3A_91 : i32 to vector<16xi32>
      %parallel_loop3A_93 = tpu.iota {dimensions = array<i32: 0>} : vector<16xi32>
      %parallel_loop3A_94 = arith.subi %parallel_loop3A_92, %parallel_loop3A_93 : vector<16xi32>
      %parallel_loop3A_95 = tpu.dynamic_gather %parallel_loop3A_68[%parallel_loop3A_94] in [0] : vector<16xi32>, vector<16xi32> -> vector<16xi32>
      %parallel_loop3A_96 = arith.select %lt3A_4, %parallel_loop3A_61, %parallel_loop3A_95 : vector<16xi1>, vector<16xi32>
      %parallel_loop3A_97 = arith.constant dense<true> : vector<16xi1>
      %parallel_loop3A_98, %parallel_loop3A_99, %parallel_loop3A_100 = tpu.sort %parallel_loop3A_90, %parallel_loop3A_96 masked %parallel_loop3A_97 {descending = true} : (vector<16xf32>, vector<16xi32>, vector<16xi1>) -> (vector<16xi1>, vector<16xf32>, vector<16xi32>)
      %parallel_loop3A_101 = arith.constant 15 : i32
      %parallel_loop3A_102 = vector.broadcast %parallel_loop3A_101 : i32 to vector<16xi32>
      %parallel_loop3A_103 = tpu.iota {dimensions = array<i32: 0>} : vector<16xi32>
      %parallel_loop3A_104 = arith.subi %parallel_loop3A_102, %parallel_loop3A_103 : vector<16xi32>
      %parallel_loop3A_105 = tpu.dynamic_gather %parallel_loop3A_99[%parallel_loop3A_104] in [0] : vector<16xf32>, vector<16xi32> -> vector<16xf32>
      %parallel_loop3A_106 = arith.select %lt3A_4, %parallel_loop3A_83, %parallel_loop3A_105 : vector<16xi1>, vector<16xf32>
      %parallel_loop3A_107 = arith.constant 15 : i32
      %parallel_loop3A_108 = vector.broadcast %parallel_loop3A_107 : i32 to vector<16xi32>
      %parallel_loop3A_109 = tpu.iota {dimensions = array<i32: 0>} : vector<16xi32>
      %parallel_loop3A_110 = arith.subi %parallel_loop3A_108, %parallel_loop3A_109 : vector<16xi32>
      %parallel_loop3A_111 = tpu.dynamic_gather %parallel_loop3A_100[%parallel_loop3A_110] in [0] : vector<16xi32>, vector<16xi32> -> vector<16xi32>
      %parallel_loop3A_112 = arith.select %lt3A_4, %parallel_loop3A_84, %parallel_loop3A_111 : vector<16xi1>, vector<16xi32>
      %parallel_loop3A_113 = arith.constant dense<true> : vector<16xi1>
      %parallel_loop3A_114, %parallel_loop3A_115, %parallel_loop3A_116 = tpu.sort %parallel_loop3A_106, %parallel_loop3A_112 masked %parallel_loop3A_113 {descending = true} : (vector<16xf32>, vector<16xi32>, vector<16xi1>) -> (vector<16xi1>, vector<16xf32>, vector<16xi32>)
      %parallel_loop3A_117 = arith.constant 8.000000e+01 : f32
      %parallel_loop3A_118 = vector.broadcast %parallel_loop3A_117 : f32 to vector<16xf32>
      %parallel_loop3A_119 = arith.minimumf %parallel_loop3A_115, %parallel_loop3A_118 : vector<16xf32>
      %parallel_loop3A_120 = math.exp %parallel_loop3A_119 : vector<16xf32>
      %parallel_loop3A_121 = arith.constant 0.000000e+00 : f32
      %parallel_loop3A_122 = vector.broadcast %parallel_loop3A_121 : f32 to vector<16xf32>
      %parallel_loop3A_123 = arith.select %lt3A_4, %parallel_loop3A_120, %parallel_loop3A_122 : vector<16xi1>, vector<16xf32>
      %parallel_loop3A_124 = arith.constant true
      %parallel_loop3A_125 = vector.broadcast %parallel_loop3A_124 : i1 to vector<16xi1>
      %parallel_loop3A_126 = tpu.scan <sum>, %parallel_loop3A_123 masked %parallel_loop3A_125 : vector<16xf32>, vector<16xi1> -> vector<16xf32>
      %parallel_loop3A_127 = vector.extract %parallel_loop3A_126[15] : f32 from vector<16xf32>
      %parallel_loop3A_128 = vector.broadcast %parallel_loop3A_127 : f32 to vector<16xf32>
      %parallel_loop3A_129 = arith.divf %parallel_loop3A_123, %parallel_loop3A_128 : vector<16xf32>
      %parallel_loop3A_130 = arith.constant 0 : i32
      %parallel_loop3A_131 = arith.addi %parallel_loop3A_130, %parallel_loop3A_40 : i32
      %parallel_loop3A_132 = arith.constant 8 : i32
      %parallel_loop3A_133 = arith.muli %parallel_loop3A_131, %parallel_loop3A_132 : i32
      %parallel_loop3A_134 = vector.broadcast %parallel_loop3A_133 : i32 to vector<16xi32>
      %parallel_loop3A_135 = arith.addi %parallel_loop3A_134, %select_n3A : vector<16xi32>
      tpu.vector_store_idx %arg6[%parallel_loop3A_135], %parallel_loop3A_129 masked %lt3A_4 : memref<4096xf32, #tpu.memory_space<vmem>>[vector<16xi32>], vector<16xf32>, vector<16xi1>
      tpu.vector_store_idx %arg7[%parallel_loop3A_135], %parallel_loop3A_116 masked %lt3A_4 : memref<4096xi32, #tpu.memory_space<vmem>>[vector<16xi32>], vector<16xi32>, vector<16xi1>
    } {sc.loop_unroll_factor = 4 : i64, sc.parallel_access}
    %add3A_21 = arith.constant 128 : i32
    %add3A_22 = arith.addi %mul3A_2, %add3A_21 : i32
    "tpu.region"() ({
      %run_scoped3A = tpu.sem_alloc : memref<!tpu.dma_semaphore, #tpu.memory_space<semaphore_mem>>
      %dma_start3A = arith.constant 0 : i32
      %dma_start3A_40 = tpu.memref_slice %arg2[%add3A_22, %dma_start3A] : memref<16384x128xf32, #tpu.memory_space<hbm>> -> memref<128x128xf32, #tpu.memory_space<hbm>>
      %dma_start3A_41 = arith.constant 0 : i32
      %dma_start3A_42 = tpu.memref_slice %arg2[%add3A_22, %dma_start3A_41] : memref<16384x128xf32, #tpu.memory_space<hbm>> -> memref<128x128xf32, #tpu.memory_space<hbm>>
      tpu.enqueue_dma source(%dma_start3A_42 : memref<128x128xf32, #tpu.memory_space<hbm>>) target(%arg5 : memref<128x128xf32, #tpu.memory_space<vmem>>) target_semaphore(%run_scoped3A : memref<!tpu.dma_semaphore, #tpu.memory_space<semaphore_mem>>)
      %dma_wait3A = arith.constant 0 : i32
      %dma_wait3A_43 = tpu.memref_slice %arg2[%add3A_22, %dma_wait3A] : memref<16384x128xf32, #tpu.memory_space<hbm>> -> memref<128x128xf32, #tpu.memory_space<hbm>>
      %dma_wait3A_44 = arith.constant 0 : i32
      %dma_wait3A_45 = tpu.memref_slice %arg2[%add3A_22, %dma_wait3A_44] : memref<16384x128xf32, #tpu.memory_space<hbm>> -> memref<128x128xf32, #tpu.memory_space<hbm>>
      tpu.wait_dma2 semaphore(%run_scoped3A : memref<!tpu.dma_semaphore, #tpu.memory_space<semaphore_mem>>) src(%dma_wait3A_45 : memref<128x128xf32, #tpu.memory_space<hbm>>) dst(%arg5 : memref<128x128xf32, #tpu.memory_space<vmem>>)
      tpu.yield
    }) : () -> ()
    %parallel_loop3A_23 = arith.constant 0 : i32
    %parallel_loop3A_24 = arith.constant 128 : i32
    %parallel_loop3A_25 = arith.constant 1 : i32
    scf.for %parallel_loop3A_40 = %parallel_loop3A_23 to %parallel_loop3A_24 step %parallel_loop3A_25  : i32 {
      %parallel_loop3A_41 = arith.index_cast %parallel_loop3A_40 : i32 to index
      %parallel_loop3A_42 = arith.constant 0 : index
      %parallel_loop3A_43 = tpu.vector_load %arg5[%parallel_loop3A_41, %parallel_loop3A_42] {strides = array<i32>} : memref<128x128xf32, #tpu.memory_space<vmem>>, vector<16xf32>,
      %parallel_loop3A_44 = arith.constant dense<true> : vector<16xi1>
      %parallel_loop3A_45, %parallel_loop3A_46, %parallel_loop3A_47 = tpu.sort %parallel_loop3A_43, %add3A_7 masked %parallel_loop3A_44 {descending = true} : (vector<16xf32>, vector<16xi32>, vector<16xi1>) -> (vector<16xi1>, vector<16xf32>, vector<16xi32>)
      %parallel_loop3A_48 = arith.index_cast %parallel_loop3A_40 : i32 to index
      %parallel_loop3A_49 = arith.constant 16 : index
      %parallel_loop3A_50 = tpu.vector_load %arg5[%parallel_loop3A_48, %parallel_loop3A_49] {strides = array<i32>} : memref<128x128xf32, #tpu.memory_space<vmem>>, vector<16xf32>,
      %parallel_loop3A_51 = arith.constant dense<true> : vector<16xi1>
      %parallel_loop3A_52, %parallel_loop3A_53, %parallel_loop3A_54 = tpu.sort %parallel_loop3A_50, %add3A_10 masked %parallel_loop3A_51 {descending = true} : (vector<16xf32>, vector<16xi32>, vector<16xi1>) -> (vector<16xi1>, vector<16xf32>, vector<16xi32>)
      %parallel_loop3A_55 = arith.index_cast %parallel_loop3A_40 : i32 to index
      %parallel_loop3A_56 = arith.constant 32 : index
      %parallel_loop3A_57 = tpu.vector_load %arg5[%parallel_loop3A_55, %parallel_loop3A_56] {strides = array<i32>} : memref<128x128xf32, #tpu.memory_space<vmem>>, vector<16xf32>,
      %parallel_loop3A_58 = arith.constant dense<true> : vector<16xi1>
      %parallel_loop3A_59, %parallel_loop3A_60, %parallel_loop3A_61 = tpu.sort %parallel_loop3A_57, %add3A_13 masked %parallel_loop3A_58 {descending = true} : (vector<16xf32>, vector<16xi32>, vector<16xi1>) -> (vector<16xi1>, vector<16xf32>, vector<16xi32>)
      %parallel_loop3A_62 = arith.index_cast %parallel_loop3A_40 : i32 to index
      %parallel_loop3A_63 = arith.constant 48 : index
      %parallel_loop3A_64 = tpu.vector_load %arg5[%parallel_loop3A_62, %parallel_loop3A_63] {strides = array<i32>} : memref<128x128xf32, #tpu.memory_space<vmem>>, vector<16xf32>,
      %parallel_loop3A_65 = arith.constant dense<true> : vector<16xi1>
      %parallel_loop3A_66, %parallel_loop3A_67, %parallel_loop3A_68 = tpu.sort %parallel_loop3A_64, %add3A_16 masked %parallel_loop3A_65 {descending = true} : (vector<16xf32>, vector<16xi32>, vector<16xi1>) -> (vector<16xi1>, vector<16xf32>, vector<16xi32>)
      %parallel_loop3A_69 = arith.constant 15 : i32
      %parallel_loop3A_70 = vector.broadcast %parallel_loop3A_69 : i32 to vector<16xi32>
      %parallel_loop3A_71 = tpu.iota {dimensions = array<i32: 0>} : vector<16xi32>
      %parallel_loop3A_72 = arith.subi %parallel_loop3A_70, %parallel_loop3A_71 : vector<16xi32>
      %parallel_loop3A_73 = tpu.dynamic_gather %parallel_loop3A_53[%parallel_loop3A_72] in [0] : vector<16xf32>, vector<16xi32> -> vector<16xf32>
      %parallel_loop3A_74 = arith.select %lt3A_4, %parallel_loop3A_46, %parallel_loop3A_73 : vector<16xi1>, vector<16xf32>
      %parallel_loop3A_75 = arith.constant 15 : i32
      %parallel_loop3A_76 = vector.broadcast %parallel_loop3A_75 : i32 to vector<16xi32>
      %parallel_loop3A_77 = tpu.iota {dimensions = array<i32: 0>} : vector<16xi32>
      %parallel_loop3A_78 = arith.subi %parallel_loop3A_76, %parallel_loop3A_77 : vector<16xi32>
      %parallel_loop3A_79 = tpu.dynamic_gather %parallel_loop3A_54[%parallel_loop3A_78] in [0] : vector<16xi32>, vector<16xi32> -> vector<16xi32>
      %parallel_loop3A_80 = arith.select %lt3A_4, %parallel_loop3A_47, %parallel_loop3A_79 : vector<16xi1>, vector<16xi32>
      %parallel_loop3A_81 = arith.constant dense<true> : vector<16xi1>
      %parallel_loop3A_82, %parallel_loop3A_83, %parallel_loop3A_84 = tpu.sort %parallel_loop3A_74, %parallel_loop3A_80 masked %parallel_loop3A_81 {descending = true} : (vector<16xf32>, vector<16xi32>, vector<16xi1>) -> (vector<16xi1>, vector<16xf32>, vector<16xi32>)
      %parallel_loop3A_85 = arith.constant 15 : i32
      %parallel_loop3A_86 = vector.broadcast %parallel_loop3A_85 : i32 to vector<16xi32>
      %parallel_loop3A_87 = tpu.iota {dimensions = array<i32: 0>} : vector<16xi32>
      %parallel_loop3A_88 = arith.subi %parallel_loop3A_86, %parallel_loop3A_87 : vector<16xi32>
      %parallel_loop3A_89 = tpu.dynamic_gather %parallel_loop3A_67[%parallel_loop3A_88] in [0] : vector<16xf32>, vector<16xi32> -> vector<16xf32>
      %parallel_loop3A_90 = arith.select %lt3A_4, %parallel_loop3A_60, %parallel_loop3A_89 : vector<16xi1>, vector<16xf32>
      %parallel_loop3A_91 = arith.constant 15 : i32
      %parallel_loop3A_92 = vector.broadcast %parallel_loop3A_91 : i32 to vector<16xi32>
      %parallel_loop3A_93 = tpu.iota {dimensions = array<i32: 0>} : vector<16xi32>
      %parallel_loop3A_94 = arith.subi %parallel_loop3A_92, %parallel_loop3A_93 : vector<16xi32>
      %parallel_loop3A_95 = tpu.dynamic_gather %parallel_loop3A_68[%parallel_loop3A_94] in [0] : vector<16xi32>, vector<16xi32> -> vector<16xi32>
      %parallel_loop3A_96 = arith.select %lt3A_4, %parallel_loop3A_61, %parallel_loop3A_95 : vector<16xi1>, vector<16xi32>
      %parallel_loop3A_97 = arith.constant dense<true> : vector<16xi1>
      %parallel_loop3A_98, %parallel_loop3A_99, %parallel_loop3A_100 = tpu.sort %parallel_loop3A_90, %parallel_loop3A_96 masked %parallel_loop3A_97 {descending = true} : (vector<16xf32>, vector<16xi32>, vector<16xi1>) -> (vector<16xi1>, vector<16xf32>, vector<16xi32>)
      %parallel_loop3A_101 = arith.constant 15 : i32
      %parallel_loop3A_102 = vector.broadcast %parallel_loop3A_101 : i32 to vector<16xi32>
      %parallel_loop3A_103 = tpu.iota {dimensions = array<i32: 0>} : vector<16xi32>
      %parallel_loop3A_104 = arith.subi %parallel_loop3A_102, %parallel_loop3A_103 : vector<16xi32>
      %parallel_loop3A_105 = tpu.dynamic_gather %parallel_loop3A_99[%parallel_loop3A_104] in [0] : vector<16xf32>, vector<16xi32> -> vector<16xf32>
      %parallel_loop3A_106 = arith.select %lt3A_4, %parallel_loop3A_83, %parallel_loop3A_105 : vector<16xi1>, vector<16xf32>
      %parallel_loop3A_107 = arith.constant 15 : i32
      %parallel_loop3A_108 = vector.broadcast %parallel_loop3A_107 : i32 to vector<16xi32>
      %parallel_loop3A_109 = tpu.iota {dimensions = array<i32: 0>} : vector<16xi32>
      %parallel_loop3A_110 = arith.subi %parallel_loop3A_108, %parallel_loop3A_109 : vector<16xi32>
      %parallel_loop3A_111 = tpu.dynamic_gather %parallel_loop3A_100[%parallel_loop3A_110] in [0] : vector<16xi32>, vector<16xi32> -> vector<16xi32>
      %parallel_loop3A_112 = arith.select %lt3A_4, %parallel_loop3A_84, %parallel_loop3A_111 : vector<16xi1>, vector<16xi32>
      %parallel_loop3A_113 = arith.constant dense<true> : vector<16xi1>
      %parallel_loop3A_114, %parallel_loop3A_115, %parallel_loop3A_116 = tpu.sort %parallel_loop3A_106, %parallel_loop3A_112 masked %parallel_loop3A_113 {descending = true} : (vector<16xf32>, vector<16xi32>, vector<16xi1>) -> (vector<16xi1>, vector<16xf32>, vector<16xi32>)
      %parallel_loop3A_117 = arith.constant 8.000000e+01 : f32
      %parallel_loop3A_118 = vector.broadcast %parallel_loop3A_117 : f32 to vector<16xf32>
      %parallel_loop3A_119 = arith.minimumf %parallel_loop3A_115, %parallel_loop3A_118 : vector<16xf32>
      %parallel_loop3A_120 = math.exp %parallel_loop3A_119 : vector<16xf32>
      %parallel_loop3A_121 = arith.constant 0.000000e+00 : f32
      %parallel_loop3A_122 = vector.broadcast %parallel_loop3A_121 : f32 to vector<16xf32>
      %parallel_loop3A_123 = arith.select %lt3A_4, %parallel_loop3A_120, %parallel_loop3A_122 : vector<16xi1>, vector<16xf32>
      %parallel_loop3A_124 = arith.constant true
      %parallel_loop3A_125 = vector.broadcast %parallel_loop3A_124 : i1 to vector<16xi1>
      %parallel_loop3A_126 = tpu.scan <sum>, %parallel_loop3A_123 masked %parallel_loop3A_125 : vector<16xf32>, vector<16xi1> -> vector<16xf32>
      %parallel_loop3A_127 = vector.extract %parallel_loop3A_126[15] : f32 from vector<16xf32>
      %parallel_loop3A_128 = vector.broadcast %parallel_loop3A_127 : f32 to vector<16xf32>
      %parallel_loop3A_129 = arith.divf %parallel_loop3A_123, %parallel_loop3A_128 : vector<16xf32>
      %parallel_loop3A_130 = arith.constant 128 : i32
      %parallel_loop3A_131 = arith.addi %parallel_loop3A_130, %parallel_loop3A_40 : i32
      %parallel_loop3A_132 = arith.constant 8 : i32
      %parallel_loop3A_133 = arith.muli %parallel_loop3A_131, %parallel_loop3A_132 : i32
      %parallel_loop3A_134 = vector.broadcast %parallel_loop3A_133 : i32 to vector<16xi32>
      %parallel_loop3A_135 = arith.addi %parallel_loop3A_134, %select_n3A : vector<16xi32>
      tpu.vector_store_idx %arg6[%parallel_loop3A_135], %parallel_loop3A_129 masked %lt3A_4 : memref<4096xf32, #tpu.memory_space<vmem>>[vector<16xi32>], vector<16xf32>, vector<16xi1>
      tpu.vector_store_idx %arg7[%parallel_loop3A_135], %parallel_loop3A_116 masked %lt3A_4 : memref<4096xi32, #tpu.memory_space<vmem>>[vector<16xi32>], vector<16xi32>, vector<16xi1>
    } {sc.loop_unroll_factor = 4 : i64, sc.parallel_access}
    %add3A_26 = arith.constant 256 : i32
    %add3A_27 = arith.addi %mul3A_2, %add3A_26 : i32
    "tpu.region"() ({
      %run_scoped3A = tpu.sem_alloc : memref<!tpu.dma_semaphore, #tpu.memory_space<semaphore_mem>>
      %dma_start3A = arith.constant 0 : i32
      %dma_start3A_40 = tpu.memref_slice %arg2[%add3A_27, %dma_start3A] : memref<16384x128xf32, #tpu.memory_space<hbm>> -> memref<128x128xf32, #tpu.memory_space<hbm>>
      %dma_start3A_41 = arith.constant 0 : i32
      %dma_start3A_42 = tpu.memref_slice %arg2[%add3A_27, %dma_start3A_41] : memref<16384x128xf32, #tpu.memory_space<hbm>> -> memref<128x128xf32, #tpu.memory_space<hbm>>
      tpu.enqueue_dma source(%dma_start3A_42 : memref<128x128xf32, #tpu.memory_space<hbm>>) target(%arg5 : memref<128x128xf32, #tpu.memory_space<vmem>>) target_semaphore(%run_scoped3A : memref<!tpu.dma_semaphore, #tpu.memory_space<semaphore_mem>>)
      %dma_wait3A = arith.constant 0 : i32
      %dma_wait3A_43 = tpu.memref_slice %arg2[%add3A_27, %dma_wait3A] : memref<16384x128xf32, #tpu.memory_space<hbm>> -> memref<128x128xf32, #tpu.memory_space<hbm>>
      %dma_wait3A_44 = arith.constant 0 : i32
      %dma_wait3A_45 = tpu.memref_slice %arg2[%add3A_27, %dma_wait3A_44] : memref<16384x128xf32, #tpu.memory_space<hbm>> -> memref<128x128xf32, #tpu.memory_space<hbm>>
      tpu.wait_dma2 semaphore(%run_scoped3A : memref<!tpu.dma_semaphore, #tpu.memory_space<semaphore_mem>>) src(%dma_wait3A_45 : memref<128x128xf32, #tpu.memory_space<hbm>>) dst(%arg5 : memref<128x128xf32, #tpu.memory_space<vmem>>)
      tpu.yield
    }) : () -> ()
    %parallel_loop3A_28 = arith.constant 0 : i32
    %parallel_loop3A_29 = arith.constant 128 : i32
    %parallel_loop3A_30 = arith.constant 1 : i32
    scf.for %parallel_loop3A_40 = %parallel_loop3A_28 to %parallel_loop3A_29 step %parallel_loop3A_30  : i32 {
      %parallel_loop3A_41 = arith.index_cast %parallel_loop3A_40 : i32 to index
      %parallel_loop3A_42 = arith.constant 0 : index
      %parallel_loop3A_43 = tpu.vector_load %arg5[%parallel_loop3A_41, %parallel_loop3A_42] {strides = array<i32>} : memref<128x128xf32, #tpu.memory_space<vmem>>, vector<16xf32>,
      %parallel_loop3A_44 = arith.constant dense<true> : vector<16xi1>
      %parallel_loop3A_45, %parallel_loop3A_46, %parallel_loop3A_47 = tpu.sort %parallel_loop3A_43, %add3A_7 masked %parallel_loop3A_44 {descending = true} : (vector<16xf32>, vector<16xi32>, vector<16xi1>) -> (vector<16xi1>, vector<16xf32>, vector<16xi32>)
      %parallel_loop3A_48 = arith.index_cast %parallel_loop3A_40 : i32 to index
      %parallel_loop3A_49 = arith.constant 16 : index
      %parallel_loop3A_50 = tpu.vector_load %arg5[%parallel_loop3A_48, %parallel_loop3A_49] {strides = array<i32>} : memref<128x128xf32, #tpu.memory_space<vmem>>, vector<16xf32>,
      %parallel_loop3A_51 = arith.constant dense<true> : vector<16xi1>
      %parallel_loop3A_52, %parallel_loop3A_53, %parallel_loop3A_54 = tpu.sort %parallel_loop3A_50, %add3A_10 masked %parallel_loop3A_51 {descending = true} : (vector<16xf32>, vector<16xi32>, vector<16xi1>) -> (vector<16xi1>, vector<16xf32>, vector<16xi32>)
      %parallel_loop3A_55 = arith.index_cast %parallel_loop3A_40 : i32 to index
      %parallel_loop3A_56 = arith.constant 32 : index
      %parallel_loop3A_57 = tpu.vector_load %arg5[%parallel_loop3A_55, %parallel_loop3A_56] {strides = array<i32>} : memref<128x128xf32, #tpu.memory_space<vmem>>, vector<16xf32>,
      %parallel_loop3A_58 = arith.constant dense<true> : vector<16xi1>
      %parallel_loop3A_59, %parallel_loop3A_60, %parallel_loop3A_61 = tpu.sort %parallel_loop3A_57, %add3A_13 masked %parallel_loop3A_58 {descending = true} : (vector<16xf32>, vector<16xi32>, vector<16xi1>) -> (vector<16xi1>, vector<16xf32>, vector<16xi32>)
      %parallel_loop3A_62 = arith.index_cast %parallel_loop3A_40 : i32 to index
      %parallel_loop3A_63 = arith.constant 48 : index
      %parallel_loop3A_64 = tpu.vector_load %arg5[%parallel_loop3A_62, %parallel_loop3A_63] {strides = array<i32>} : memref<128x128xf32, #tpu.memory_space<vmem>>, vector<16xf32>,
      %parallel_loop3A_65 = arith.constant dense<true> : vector<16xi1>
      %parallel_loop3A_66, %parallel_loop3A_67, %parallel_loop3A_68 = tpu.sort %parallel_loop3A_64, %add3A_16 masked %parallel_loop3A_65 {descending = true} : (vector<16xf32>, vector<16xi32>, vector<16xi1>) -> (vector<16xi1>, vector<16xf32>, vector<16xi32>)
      %parallel_loop3A_69 = arith.constant 15 : i32
      %parallel_loop3A_70 = vector.broadcast %parallel_loop3A_69 : i32 to vector<16xi32>
      %parallel_loop3A_71 = tpu.iota {dimensions = array<i32: 0>} : vector<16xi32>
      %parallel_loop3A_72 = arith.subi %parallel_loop3A_70, %parallel_loop3A_71 : vector<16xi32>
      %parallel_loop3A_73 = tpu.dynamic_gather %parallel_loop3A_53[%parallel_loop3A_72] in [0] : vector<16xf32>, vector<16xi32> -> vector<16xf32>
      %parallel_loop3A_74 = arith.select %lt3A_4, %parallel_loop3A_46, %parallel_loop3A_73 : vector<16xi1>, vector<16xf32>
      %parallel_loop3A_75 = arith.constant 15 : i32
      %parallel_loop3A_76 = vector.broadcast %parallel_loop3A_75 : i32 to vector<16xi32>
      %parallel_loop3A_77 = tpu.iota {dimensions = array<i32: 0>} : vector<16xi32>
      %parallel_loop3A_78 = arith.subi %parallel_loop3A_76, %parallel_loop3A_77 : vector<16xi32>
      %parallel_loop3A_79 = tpu.dynamic_gather %parallel_loop3A_54[%parallel_loop3A_78] in [0] : vector<16xi32>, vector<16xi32> -> vector<16xi32>
      %parallel_loop3A_80 = arith.select %lt3A_4, %parallel_loop3A_47, %parallel_loop3A_79 : vector<16xi1>, vector<16xi32>
      %parallel_loop3A_81 = arith.constant dense<true> : vector<16xi1>
      %parallel_loop3A_82, %parallel_loop3A_83, %parallel_loop3A_84 = tpu.sort %parallel_loop3A_74, %parallel_loop3A_80 masked %parallel_loop3A_81 {descending = true} : (vector<16xf32>, vector<16xi32>, vector<16xi1>) -> (vector<16xi1>, vector<16xf32>, vector<16xi32>)
      %parallel_loop3A_85 = arith.constant 15 : i32
      %parallel_loop3A_86 = vector.broadcast %parallel_loop3A_85 : i32 to vector<16xi32>
      %parallel_loop3A_87 = tpu.iota {dimensions = array<i32: 0>} : vector<16xi32>
      %parallel_loop3A_88 = arith.subi %parallel_loop3A_86, %parallel_loop3A_87 : vector<16xi32>
      %parallel_loop3A_89 = tpu.dynamic_gather %parallel_loop3A_67[%parallel_loop3A_88] in [0] : vector<16xf32>, vector<16xi32> -> vector<16xf32>
      %parallel_loop3A_90 = arith.select %lt3A_4, %parallel_loop3A_60, %parallel_loop3A_89 : vector<16xi1>, vector<16xf32>
      %parallel_loop3A_91 = arith.constant 15 : i32
      %parallel_loop3A_92 = vector.broadcast %parallel_loop3A_91 : i32 to vector<16xi32>
      %parallel_loop3A_93 = tpu.iota {dimensions = array<i32: 0>} : vector<16xi32>
      %parallel_loop3A_94 = arith.subi %parallel_loop3A_92, %parallel_loop3A_93 : vector<16xi32>
      %parallel_loop3A_95 = tpu.dynamic_gather %parallel_loop3A_68[%parallel_loop3A_94] in [0] : vector<16xi32>, vector<16xi32> -> vector<16xi32>
      %parallel_loop3A_96 = arith.select %lt3A_4, %parallel_loop3A_61, %parallel_loop3A_95 : vector<16xi1>, vector<16xi32>
      %parallel_loop3A_97 = arith.constant dense<true> : vector<16xi1>
      %parallel_loop3A_98, %parallel_loop3A_99, %parallel_loop3A_100 = tpu.sort %parallel_loop3A_90, %parallel_loop3A_96 masked %parallel_loop3A_97 {descending = true} : (vector<16xf32>, vector<16xi32>, vector<16xi1>) -> (vector<16xi1>, vector<16xf32>, vector<16xi32>)
      %parallel_loop3A_101 = arith.constant 15 : i32
      %parallel_loop3A_102 = vector.broadcast %parallel_loop3A_101 : i32 to vector<16xi32>
      %parallel_loop3A_103 = tpu.iota {dimensions = array<i32: 0>} : vector<16xi32>
      %parallel_loop3A_104 = arith.subi %parallel_loop3A_102, %parallel_loop3A_103 : vector<16xi32>
      %parallel_loop3A_105 = tpu.dynamic_gather %parallel_loop3A_99[%parallel_loop3A_104] in [0] : vector<16xf32>, vector<16xi32> -> vector<16xf32>
      %parallel_loop3A_106 = arith.select %lt3A_4, %parallel_loop3A_83, %parallel_loop3A_105 : vector<16xi1>, vector<16xf32>
      %parallel_loop3A_107 = arith.constant 15 : i32
      %parallel_loop3A_108 = vector.broadcast %parallel_loop3A_107 : i32 to vector<16xi32>
      %parallel_loop3A_109 = tpu.iota {dimensions = array<i32: 0>} : vector<16xi32>
      %parallel_loop3A_110 = arith.subi %parallel_loop3A_108, %parallel_loop3A_109 : vector<16xi32>
      %parallel_loop3A_111 = tpu.dynamic_gather %parallel_loop3A_100[%parallel_loop3A_110] in [0] : vector<16xi32>, vector<16xi32> -> vector<16xi32>
      %parallel_loop3A_112 = arith.select %lt3A_4, %parallel_loop3A_84, %parallel_loop3A_111 : vector<16xi1>, vector<16xi32>
      %parallel_loop3A_113 = arith.constant dense<true> : vector<16xi1>
      %parallel_loop3A_114, %parallel_loop3A_115, %parallel_loop3A_116 = tpu.sort %parallel_loop3A_106, %parallel_loop3A_112 masked %parallel_loop3A_113 {descending = true} : (vector<16xf32>, vector<16xi32>, vector<16xi1>) -> (vector<16xi1>, vector<16xf32>, vector<16xi32>)
      %parallel_loop3A_117 = arith.constant 8.000000e+01 : f32
      %parallel_loop3A_118 = vector.broadcast %parallel_loop3A_117 : f32 to vector<16xf32>
      %parallel_loop3A_119 = arith.minimumf %parallel_loop3A_115, %parallel_loop3A_118 : vector<16xf32>
      %parallel_loop3A_120 = math.exp %parallel_loop3A_119 : vector<16xf32>
      %parallel_loop3A_121 = arith.constant 0.000000e+00 : f32
      %parallel_loop3A_122 = vector.broadcast %parallel_loop3A_121 : f32 to vector<16xf32>
      %parallel_loop3A_123 = arith.select %lt3A_4, %parallel_loop3A_120, %parallel_loop3A_122 : vector<16xi1>, vector<16xf32>
      %parallel_loop3A_124 = arith.constant true
      %parallel_loop3A_125 = vector.broadcast %parallel_loop3A_124 : i1 to vector<16xi1>
      %parallel_loop3A_126 = tpu.scan <sum>, %parallel_loop3A_123 masked %parallel_loop3A_125 : vector<16xf32>, vector<16xi1> -> vector<16xf32>
      %parallel_loop3A_127 = vector.extract %parallel_loop3A_126[15] : f32 from vector<16xf32>
      %parallel_loop3A_128 = vector.broadcast %parallel_loop3A_127 : f32 to vector<16xf32>
      %parallel_loop3A_129 = arith.divf %parallel_loop3A_123, %parallel_loop3A_128 : vector<16xf32>
      %parallel_loop3A_130 = arith.constant 256 : i32
      %parallel_loop3A_131 = arith.addi %parallel_loop3A_130, %parallel_loop3A_40 : i32
      %parallel_loop3A_132 = arith.constant 8 : i32
      %parallel_loop3A_133 = arith.muli %parallel_loop3A_131, %parallel_loop3A_132 : i32
      %parallel_loop3A_134 = vector.broadcast %parallel_loop3A_133 : i32 to vector<16xi32>
      %parallel_loop3A_135 = arith.addi %parallel_loop3A_134, %select_n3A : vector<16xi32>
      tpu.vector_store_idx %arg6[%parallel_loop3A_135], %parallel_loop3A_129 masked %lt3A_4 : memref<4096xf32, #tpu.memory_space<vmem>>[vector<16xi32>], vector<16xf32>, vector<16xi1>
      tpu.vector_store_idx %arg7[%parallel_loop3A_135], %parallel_loop3A_116 masked %lt3A_4 : memref<4096xi32, #tpu.memory_space<vmem>>[vector<16xi32>], vector<16xi32>, vector<16xi1>
    } {sc.loop_unroll_factor = 4 : i64, sc.parallel_access}
    %add3A_31 = arith.constant 384 : i32
    %add3A_32 = arith.addi %mul3A_2, %add3A_31 : i32
    "tpu.region"() ({
      %run_scoped3A = tpu.sem_alloc : memref<!tpu.dma_semaphore, #tpu.memory_space<semaphore_mem>>
      %dma_start3A = arith.constant 0 : i32
      %dma_start3A_40 = tpu.memref_slice %arg2[%add3A_32, %dma_start3A] : memref<16384x128xf32, #tpu.memory_space<hbm>> -> memref<128x128xf32, #tpu.memory_space<hbm>>
      %dma_start3A_41 = arith.constant 0 : i32
      %dma_start3A_42 = tpu.memref_slice %arg2[%add3A_32, %dma_start3A_41] : memref<16384x128xf32, #tpu.memory_space<hbm>> -> memref<128x128xf32, #tpu.memory_space<hbm>>
      tpu.enqueue_dma source(%dma_start3A_42 : memref<128x128xf32, #tpu.memory_space<hbm>>) target(%arg5 : memref<128x128xf32, #tpu.memory_space<vmem>>) target_semaphore(%run_scoped3A : memref<!tpu.dma_semaphore, #tpu.memory_space<semaphore_mem>>)
      %dma_wait3A = arith.constant 0 : i32
      %dma_wait3A_43 = tpu.memref_slice %arg2[%add3A_32, %dma_wait3A] : memref<16384x128xf32, #tpu.memory_space<hbm>> -> memref<128x128xf32, #tpu.memory_space<hbm>>
      %dma_wait3A_44 = arith.constant 0 : i32
      %dma_wait3A_45 = tpu.memref_slice %arg2[%add3A_32, %dma_wait3A_44] : memref<16384x128xf32, #tpu.memory_space<hbm>> -> memref<128x128xf32, #tpu.memory_space<hbm>>
      tpu.wait_dma2 semaphore(%run_scoped3A : memref<!tpu.dma_semaphore, #tpu.memory_space<semaphore_mem>>) src(%dma_wait3A_45 : memref<128x128xf32, #tpu.memory_space<hbm>>) dst(%arg5 : memref<128x128xf32, #tpu.memory_space<vmem>>)
      tpu.yield
    }) : () -> ()
    %parallel_loop3A_33 = arith.constant 0 : i32
    %parallel_loop3A_34 = arith.constant 128 : i32
    %parallel_loop3A_35 = arith.constant 1 : i32
    scf.for %parallel_loop3A_40 = %parallel_loop3A_33 to %parallel_loop3A_34 step %parallel_loop3A_35  : i32 {
      %parallel_loop3A_41 = arith.index_cast %parallel_loop3A_40 : i32 to index
      %parallel_loop3A_42 = arith.constant 0 : index
      %parallel_loop3A_43 = tpu.vector_load %arg5[%parallel_loop3A_41, %parallel_loop3A_42] {strides = array<i32>} : memref<128x128xf32, #tpu.memory_space<vmem>>, vector<16xf32>,
      %parallel_loop3A_44 = arith.constant dense<true> : vector<16xi1>
      %parallel_loop3A_45, %parallel_loop3A_46, %parallel_loop3A_47 = tpu.sort %parallel_loop3A_43, %add3A_7 masked %parallel_loop3A_44 {descending = true} : (vector<16xf32>, vector<16xi32>, vector<16xi1>) -> (vector<16xi1>, vector<16xf32>, vector<16xi32>)
      %parallel_loop3A_48 = arith.index_cast %parallel_loop3A_40 : i32 to index
      %parallel_loop3A_49 = arith.constant 16 : index
      %parallel_loop3A_50 = tpu.vector_load %arg5[%parallel_loop3A_48, %parallel_loop3A_49] {strides = array<i32>} : memref<128x128xf32, #tpu.memory_space<vmem>>, vector<16xf32>,
      %parallel_loop3A_51 = arith.constant dense<true> : vector<16xi1>
      %parallel_loop3A_52, %parallel_loop3A_53, %parallel_loop3A_54 = tpu.sort %parallel_loop3A_50, %add3A_10 masked %parallel_loop3A_51 {descending = true} : (vector<16xf32>, vector<16xi32>, vector<16xi1>) -> (vector<16xi1>, vector<16xf32>, vector<16xi32>)
      %parallel_loop3A_55 = arith.index_cast %parallel_loop3A_40 : i32 to index
      %parallel_loop3A_56 = arith.constant 32 : index
      %parallel_loop3A_57 = tpu.vector_load %arg5[%parallel_loop3A_55, %parallel_loop3A_56] {strides = array<i32>} : memref<128x128xf32, #tpu.memory_space<vmem>>, vector<16xf32>,
      %parallel_loop3A_58 = arith.constant dense<true> : vector<16xi1>
      %parallel_loop3A_59, %parallel_loop3A_60, %parallel_loop3A_61 = tpu.sort %parallel_loop3A_57, %add3A_13 masked %parallel_loop3A_58 {descending = true} : (vector<16xf32>, vector<16xi32>, vector<16xi1>) -> (vector<16xi1>, vector<16xf32>, vector<16xi32>)
      %parallel_loop3A_62 = arith.index_cast %parallel_loop3A_40 : i32 to index
      %parallel_loop3A_63 = arith.constant 48 : index
      %parallel_loop3A_64 = tpu.vector_load %arg5[%parallel_loop3A_62, %parallel_loop3A_63] {strides = array<i32>} : memref<128x128xf32, #tpu.memory_space<vmem>>, vector<16xf32>,
      %parallel_loop3A_65 = arith.constant dense<true> : vector<16xi1>
      %parallel_loop3A_66, %parallel_loop3A_67, %parallel_loop3A_68 = tpu.sort %parallel_loop3A_64, %add3A_16 masked %parallel_loop3A_65 {descending = true} : (vector<16xf32>, vector<16xi32>, vector<16xi1>) -> (vector<16xi1>, vector<16xf32>, vector<16xi32>)
      %parallel_loop3A_69 = arith.constant 15 : i32
      %parallel_loop3A_70 = vector.broadcast %parallel_loop3A_69 : i32 to vector<16xi32>
      %parallel_loop3A_71 = tpu.iota {dimensions = array<i32: 0>} : vector<16xi32>
      %parallel_loop3A_72 = arith.subi %parallel_loop3A_70, %parallel_loop3A_71 : vector<16xi32>
      %parallel_loop3A_73 = tpu.dynamic_gather %parallel_loop3A_53[%parallel_loop3A_72] in [0] : vector<16xf32>, vector<16xi32> -> vector<16xf32>
      %parallel_loop3A_74 = arith.select %lt3A_4, %parallel_loop3A_46, %parallel_loop3A_73 : vector<16xi1>, vector<16xf32>
      %parallel_loop3A_75 = arith.constant 15 : i32
      %parallel_loop3A_76 = vector.broadcast %parallel_loop3A_75 : i32 to vector<16xi32>
      %parallel_loop3A_77 = tpu.iota {dimensions = array<i32: 0>} : vector<16xi32>
      %parallel_loop3A_78 = arith.subi %parallel_loop3A_76, %parallel_loop3A_77 : vector<16xi32>
      %parallel_loop3A_79 = tpu.dynamic_gather %parallel_loop3A_54[%parallel_loop3A_78] in [0] : vector<16xi32>, vector<16xi32> -> vector<16xi32>
      %parallel_loop3A_80 = arith.select %lt3A_4, %parallel_loop3A_47, %parallel_loop3A_79 : vector<16xi1>, vector<16xi32>
      %parallel_loop3A_81 = arith.constant dense<true> : vector<16xi1>
      %parallel_loop3A_82, %parallel_loop3A_83, %parallel_loop3A_84 = tpu.sort %parallel_loop3A_74, %parallel_loop3A_80 masked %parallel_loop3A_81 {descending = true} : (vector<16xf32>, vector<16xi32>, vector<16xi1>) -> (vector<16xi1>, vector<16xf32>, vector<16xi32>)
      %parallel_loop3A_85 = arith.constant 15 : i32
      %parallel_loop3A_86 = vector.broadcast %parallel_loop3A_85 : i32 to vector<16xi32>
      %parallel_loop3A_87 = tpu.iota {dimensions = array<i32: 0>} : vector<16xi32>
      %parallel_loop3A_88 = arith.subi %parallel_loop3A_86, %parallel_loop3A_87 : vector<16xi32>
      %parallel_loop3A_89 = tpu.dynamic_gather %parallel_loop3A_67[%parallel_loop3A_88] in [0] : vector<16xf32>, vector<16xi32> -> vector<16xf32>
      %parallel_loop3A_90 = arith.select %lt3A_4, %parallel_loop3A_60, %parallel_loop3A_89 : vector<16xi1>, vector<16xf32>
      %parallel_loop3A_91 = arith.constant 15 : i32
      %parallel_loop3A_92 = vector.broadcast %parallel_loop3A_91 : i32 to vector<16xi32>
      %parallel_loop3A_93 = tpu.iota {dimensions = array<i32: 0>} : vector<16xi32>
      %parallel_loop3A_94 = arith.subi %parallel_loop3A_92, %parallel_loop3A_93 : vector<16xi32>
      %parallel_loop3A_95 = tpu.dynamic_gather %parallel_loop3A_68[%parallel_loop3A_94] in [0] : vector<16xi32>, vector<16xi32> -> vector<16xi32>
      %parallel_loop3A_96 = arith.select %lt3A_4, %parallel_loop3A_61, %parallel_loop3A_95 : vector<16xi1>, vector<16xi32>
      %parallel_loop3A_97 = arith.constant dense<true> : vector<16xi1>
      %parallel_loop3A_98, %parallel_loop3A_99, %parallel_loop3A_100 = tpu.sort %parallel_loop3A_90, %parallel_loop3A_96 masked %parallel_loop3A_97 {descending = true} : (vector<16xf32>, vector<16xi32>, vector<16xi1>) -> (vector<16xi1>, vector<16xf32>, vector<16xi32>)
      %parallel_loop3A_101 = arith.constant 15 : i32
      %parallel_loop3A_102 = vector.broadcast %parallel_loop3A_101 : i32 to vector<16xi32>
      %parallel_loop3A_103 = tpu.iota {dimensions = array<i32: 0>} : vector<16xi32>
      %parallel_loop3A_104 = arith.subi %parallel_loop3A_102, %parallel_loop3A_103 : vector<16xi32>
      %parallel_loop3A_105 = tpu.dynamic_gather %parallel_loop3A_99[%parallel_loop3A_104] in [0] : vector<16xf32>, vector<16xi32> -> vector<16xf32>
      %parallel_loop3A_106 = arith.select %lt3A_4, %parallel_loop3A_83, %parallel_loop3A_105 : vector<16xi1>, vector<16xf32>
      %parallel_loop3A_107 = arith.constant 15 : i32
      %parallel_loop3A_108 = vector.broadcast %parallel_loop3A_107 : i32 to vector<16xi32>
      %parallel_loop3A_109 = tpu.iota {dimensions = array<i32: 0>} : vector<16xi32>
      %parallel_loop3A_110 = arith.subi %parallel_loop3A_108, %parallel_loop3A_109 : vector<16xi32>
      %parallel_loop3A_111 = tpu.dynamic_gather %parallel_loop3A_100[%parallel_loop3A_110] in [0] : vector<16xi32>, vector<16xi32> -> vector<16xi32>
      %parallel_loop3A_112 = arith.select %lt3A_4, %parallel_loop3A_84, %parallel_loop3A_111 : vector<16xi1>, vector<16xi32>
      %parallel_loop3A_113 = arith.constant dense<true> : vector<16xi1>
      %parallel_loop3A_114, %parallel_loop3A_115, %parallel_loop3A_116 = tpu.sort %parallel_loop3A_106, %parallel_loop3A_112 masked %parallel_loop3A_113 {descending = true} : (vector<16xf32>, vector<16xi32>, vector<16xi1>) -> (vector<16xi1>, vector<16xf32>, vector<16xi32>)
      %parallel_loop3A_117 = arith.constant 8.000000e+01 : f32
      %parallel_loop3A_118 = vector.broadcast %parallel_loop3A_117 : f32 to vector<16xf32>
      %parallel_loop3A_119 = arith.minimumf %parallel_loop3A_115, %parallel_loop3A_118 : vector<16xf32>
      %parallel_loop3A_120 = math.exp %parallel_loop3A_119 : vector<16xf32>
      %parallel_loop3A_121 = arith.constant 0.000000e+00 : f32
      %parallel_loop3A_122 = vector.broadcast %parallel_loop3A_121 : f32 to vector<16xf32>
      %parallel_loop3A_123 = arith.select %lt3A_4, %parallel_loop3A_120, %parallel_loop3A_122 : vector<16xi1>, vector<16xf32>
      %parallel_loop3A_124 = arith.constant true
      %parallel_loop3A_125 = vector.broadcast %parallel_loop3A_124 : i1 to vector<16xi1>
      %parallel_loop3A_126 = tpu.scan <sum>, %parallel_loop3A_123 masked %parallel_loop3A_125 : vector<16xf32>, vector<16xi1> -> vector<16xf32>
      %parallel_loop3A_127 = vector.extract %parallel_loop3A_126[15] : f32 from vector<16xf32>
      %parallel_loop3A_128 = vector.broadcast %parallel_loop3A_127 : f32 to vector<16xf32>
      %parallel_loop3A_129 = arith.divf %parallel_loop3A_123, %parallel_loop3A_128 : vector<16xf32>
      %parallel_loop3A_130 = arith.constant 384 : i32
      %parallel_loop3A_131 = arith.addi %parallel_loop3A_130, %parallel_loop3A_40 : i32
      %parallel_loop3A_132 = arith.constant 8 : i32
      %parallel_loop3A_133 = arith.muli %parallel_loop3A_131, %parallel_loop3A_132 : i32
      %parallel_loop3A_134 = vector.broadcast %parallel_loop3A_133 : i32 to vector<16xi32>
      %parallel_loop3A_135 = arith.addi %parallel_loop3A_134, %select_n3A : vector<16xi32>
      tpu.vector_store_idx %arg6[%parallel_loop3A_135], %parallel_loop3A_129 masked %lt3A_4 : memref<4096xf32, #tpu.memory_space<vmem>>[vector<16xi32>], vector<16xf32>, vector<16xi1>
      tpu.vector_store_idx %arg7[%parallel_loop3A_135], %parallel_loop3A_116 masked %lt3A_4 : memref<4096xi32, #tpu.memory_space<vmem>>[vector<16xi32>], vector<16xi32>, vector<16xi1>
    } {sc.loop_unroll_factor = 4 : i64, sc.parallel_access}
    %mul3A_36 = arith.constant 8 : i32
    %mul3A_37 = arith.muli %mul3A_2, %mul3A_36 : i32
    "tpu.region"() ({
      %run_scoped3A = tpu.sem_alloc : memref<!tpu.dma_semaphore, #tpu.memory_space<semaphore_mem>>
      %dma_start3A = tpu.memref_slice %arg3[%mul3A_37] : memref<131072xf32, #tpu.memory_space<hbm>> -> memref<4096xf32, #tpu.memory_space<hbm>>
      %dma_start3A_40 = tpu.memref_slice %arg3[%mul3A_37] : memref<131072xf32, #tpu.memory_space<hbm>> -> memref<4096xf32, #tpu.memory_space<hbm>>
      tpu.enqueue_dma source(%arg6 : memref<4096xf32, #tpu.memory_space<vmem>>) target(%dma_start3A_40 : memref<4096xf32, #tpu.memory_space<hbm>>) target_semaphore(%run_scoped3A : memref<!tpu.dma_semaphore, #tpu.memory_space<semaphore_mem>>)
      %dma_wait3A = tpu.memref_slice %arg3[%mul3A_37] : memref<131072xf32, #tpu.memory_space<hbm>> -> memref<4096xf32, #tpu.memory_space<hbm>>
      %dma_wait3A_41 = tpu.memref_slice %arg3[%mul3A_37] : memref<131072xf32, #tpu.memory_space<hbm>> -> memref<4096xf32, #tpu.memory_space<hbm>>
      tpu.wait_dma2 semaphore(%run_scoped3A : memref<!tpu.dma_semaphore, #tpu.memory_space<semaphore_mem>>) src(%arg6 : memref<4096xf32, #tpu.memory_space<vmem>>) dst(%dma_wait3A_41 : memref<4096xf32, #tpu.memory_space<hbm>>)
      tpu.yield
    }) : () -> ()
    %mul3A_38 = arith.constant 8 : i32
    %mul3A_39 = arith.muli %mul3A_2, %mul3A_38 : i32
    "tpu.region"() ({
      %run_scoped3A = tpu.sem_alloc : memref<!tpu.dma_semaphore, #tpu.memory_space<semaphore_mem>>
      %dma_start3A = tpu.memref_slice %arg4[%mul3A_39] : memref<131072xi32, #tpu.memory_space<hbm>> -> memref<4096xi32, #tpu.memory_space<hbm>>
      %dma_start3A_40 = tpu.memref_slice %arg4[%mul3A_39] : memref<131072xi32, #tpu.memory_space<hbm>> -> memref<4096xi32, #tpu.memory_space<hbm>>
      tpu.enqueue_dma source(%arg7 : memref<4096xi32, #tpu.memory_space<vmem>>) target(%dma_start3A_40 : memref<4096xi32, #tpu.memory_space<hbm>>) target_semaphore(%run_scoped3A : memref<!tpu.dma_semaphore, #tpu.memory_space<semaphore_mem>>)
      %dma_wait3A = tpu.memref_slice %arg4[%mul3A_39] : memref<131072xi32, #tpu.memory_space<hbm>> -> memref<4096xi32, #tpu.memory_space<hbm>>
      %dma_wait3A_41 = tpu.memref_slice %arg4[%mul3A_39] : memref<131072xi32, #tpu.memory_space<hbm>> -> memref<4096xi32, #tpu.memory_space<hbm>>
      tpu.wait_dma2 semaphore(%run_scoped3A : memref<!tpu.dma_semaphore, #tpu.memory_space<semaphore_mem>>) src(%arg7 : memref<4096xi32, #tpu.memory_space<vmem>>) dst(%dma_wait3A_41 : memref<4096xi32, #tpu.memory_space<hbm>>)
      tpu.yield
    }) : () -> ()
    return
  }
}

module attributes {stable_mosaic.version = 14 : i64} {
  func.func @_logits_body(%arg0: i32, %arg1: memref<512x4096xf32, #tpu.memory_space<vmem>>, %arg2: memref<4096x64xf32, #tpu.memory_space<vmem>>, %arg3: memref<1x64xf32, #tpu.memory_space<vmem>>, %arg4: memref<512x128xf32, #tpu.memory_space<vmem>>) attributes {dimension_semantics = [#tpu.dimension_semantics<arbitrary>], iteration_bounds = array<i64: 32>, scalar_prefetch = 0 : i64, scratch_operands = 0 : i64, tpu.core_type = #tpu.core_type<tc>, window_params = [{transform_indices = @transform_0, window_bounds = array<i64: 512, 4096>}, {pipeline_mode = #tpu.pipeline_mode<synchronous>, transform_indices = @transform_1, window_bounds = array<i64: 4096, 64>}, {pipeline_mode = #tpu.pipeline_mode<synchronous>, transform_indices = @transform_2, window_bounds = array<i64: 1, 64>}, {transform_indices = @transform_3, window_bounds = array<i64: 512, 128>}]} {
    %get3A = arith.constant 0 : index
    %get3A_0 = arith.constant 0 : index
    %get3A_1 = vector.load %arg1[%get3A, %get3A_0] : memref<512x4096xf32, #tpu.memory_space<vmem>>, vector<512x4096xf32>
    %get3A_2 = arith.constant 0 : index
    %get3A_3 = arith.constant 0 : index
    %get3A_4 = vector.load %arg2[%get3A_2, %get3A_3] : memref<4096x64xf32, #tpu.memory_space<vmem>>, vector<4096x64xf32>
    %dot_general3A = arith.constant dense<0.000000e+00> : vector<512x64xf32>
    %dot_general3A_5 = tpu.matmul %get3A_1, %get3A_4, %dot_general3A {dimension_numbers = #tpu.dot_dimension_numbers<[1], [0], [0], [1], [0, 0, 1, 1], [], []>, transpose_lhs_hint = false} : vector<512x4096xf32>, vector<4096x64xf32>, vector<512x64xf32> -> vector<512x64xf32>
    %get3A_6 = arith.constant 0 : index
    %get3A_7 = arith.constant 0 : index
    %get3A_8 = vector.load %arg3[%get3A_6, %get3A_7] : memref<1x64xf32, #tpu.memory_space<vmem>>, vector<1x64xf32>
    %add3A = vector.broadcast %get3A_8 : vector<1x64xf32> to vector<512x64xf32>
    %add3A_9 = arith.addf %dot_general3A_5, %add3A : vector<512x64xf32>
    %broadcast_in_dim3A = arith.constant -1.000000e+30 : f32
    %broadcast_in_dim3A_10 = vector.broadcast %broadcast_in_dim3A : f32 to vector<512x64xf32>
    %concatenate3A = tpu.concatenate %add3A_9, %broadcast_in_dim3A_10 in 1 : vector<512x64xf32>, vector<512x64xf32> -> vector<512x128xf32>
    %swap3A = arith.constant 0 : index
    %swap3A_11 = arith.constant 0 : index
    %swap3A_12 = vector.load %arg4[%swap3A, %swap3A_11] : memref<512x128xf32, #tpu.memory_space<vmem>>, vector<512x128xf32>
    tpu.vector_store %arg4[%swap3A, %swap3A_11], %concatenate3A {strides = array<i32>} : memref<512x128xf32, #tpu.memory_space<vmem>>, vector<512x128xf32>,
    return
  }
  func.func @transform_0(%arg0: i32) -> (i32, i32) {
    %c0_i32 = arith.constant 0 : i32
    %c0_i32_0 = arith.constant 0 : i32
    return %arg0, %c0_i32 : i32, i32
  }
  func.func @transform_1(%arg0: i32) -> (i32, i32) {
    %c0_i32 = arith.constant 0 : i32
    %c0_i32_0 = arith.constant 0 : i32
    %c0_i32_1 = arith.constant 0 : i32
    return %c0_i32, %c0_i32_0 : i32, i32
  }
  func.func @transform_2(%arg0: i32) -> (i32, i32) {
    %c0_i32 = arith.constant 0 : i32
    %c0_i32_0 = arith.constant 0 : i32
    %c0_i32_1 = arith.constant 0 : i32
    return %c0_i32, %c0_i32_0 : i32, i32
  }
  func.func @transform_3(%arg0: i32) -> (i32, i32) {
    %c0_i32 = arith.constant 0 : i32
    %c0_i32_0 = arith.constant 0 : i32
    return %arg0, %c0_i32 : i32, i32
  }
}

</mosaic_0001>

<sc_bundles>
// kernel: kernel.4.cloned.1.call-start
scs
__scs_entry_jumppad:
0x0: {  	(pc) =	sbr.rel $0x88, $3  }
0x1: {  	(tag) =	ssettag $0x0;
	lr =	simm.s32 $0x1  }
0x2: {  	[smem:$0x3F9E] =	sst lr;
	_ =	strace $0xD0000000  }
0x3: {  	_ = 	snop  }
0x4: {  	_ = 	snop  }
0x5: {  	_ = 	snop  }
0x6: {  	_ = 	snop  }
0x7: {  	_ = 	snop  }
__scs_overlays_trampoline_lowered:
0x8: {  	[smem:$0x3FAD] =	sst s0  }
0x9: {  	[smem:$0x3FAE] =	sst s1  }
0xa: {  	[smem:$0x3FAF] =	sst s2  }
0xb: {  	[smem:$0x3FB0] =	sst s3  }
0xc: {  	[smem:$0x3FB1] =	sst s4  }
0xd: {  	[smem:$0x3FB2] =	sst s5  }
0xe: {  	[smem:$0x3FB3] =	sst s6  }
0xf: {  	[smem:$0x3FB4] =	sst s7  }
0x10: {  	[smem:$0x3FB5] =	sst s8  }
0x11: {  	[smem:$0x3FB6] =	sst s9;
	s0 =	simm.s32 @!p0 $0x0  }
0x12: {  	s1 =	sld [smem:$0x3F9C];
	s0 =	simm.s32 @p0 $0x1  }
0x13: {  	[smem:$0x3FB7] =	sst s0;
	s0 =	simm.s32 @!p1 $0x0  }
0x14: {  	s2 =	sld [smem:$0x3F9B];
	s0 =	simm.s32 @p1 $0x1  }
0x15: {  	[smem:$0x3FB8] =	sst s0;
	s0 =	simm.s32 @!p2 $0x0  }
0x16: {  	s3 =	sld [smem:$0x3FDB];
	s0 =	simm.s32 @p2 $0x1  }
0x17: {  	s4 =	simm.s32 $0x1BF5;
	[smem:$0x3FBA] =	sst s0  }
0x18: {  	s0 =	sld [smem:$0x3F9D];
	_ =	swait.ge [sflag:s4], $0x0  }
0x19: {  	s7 =	sld [smem:$0x3F9E]  }
0x1a: {  	s8 =	sadd.s32 $0xFFFFE003, lr  }
0x1b: {  	s9 =	sadd.s32 $0xFFFFFEF7, lr;
	s5 =	simm.s32 $0xFFFFFFFF;
	p2 =	slt.u32 s8, $0xFFFFF086  }
0x1c: {  	p1 =	slt.u32 s9, $0xF7A;
	s5 =	simm.s32 @!p2 $0x0  }
0x1d: {  	s5 =	simm.s32 @p1 $0x1;
	p0 =	seq.s32 s7, s2  }
0x1e: {  	s7 =	smul.u32 @!p0 $0xF7A, s2;
	p2 =	seq.s32 @!p0 s5, $0x0  }
0x1f: {  	s9 =	smul.u32 $0xF7A, s1;
	s8 =	simm.s32 @!p0 $0x1BF5;
	p2 =	por !p2, p0  }
0x20: {  	[sflag:s8] =	ssyncset.s32 @!p0 $0xFFFFF086;
	s6 =	sadd.s32 @!p0 s3, s7;
	s7 =	simm.s32 @!p0 $0x108  }
0x21: {  	s3 =	sadd.s32 s3, s9;
	s6 =	sadd.s32 @!p0 $0x88, s6;
	s7 =	simm.s32 @p2 $0x1082  }
0x22: {  	[simem:s7], [sflag:s8] =	dma.local @!p0 [hbm:s6], $0xF7A  }
0x23: {  	s9 =	sor.u32 $0xD0000000, s2;
	s6 =	simm.s32 $0x108;
	_ =	swait.ge @!p0 [sflag:s8], $0x0  }
0x24: {  	s3 =	sadd.s32 $0x88, s3;
	s6 =	simm.s32 @!p1 $0x1082;
	[sflag:s4] =	ssyncset.s32 $0xFFFFF086  }
0x25: {  	[simem:s6], [sflag:s4] =	dma.local [hbm:s3], $0xF7A  }
0x26: {  	[smem:$0x3F9E] =	sst s1;
	(tag) =	ssettag s2;
	_ =	strace s9  }
0x27: {  	s1 =	sld [smem:$0x3FAE]  }
0x28: {  	s2 =	sld [smem:$0x3FAF]  }
0x29: {  	s4 =	sld [smem:$0x3FB1]  }
0x2a: {  	p0 =	seq.s32 s5, $0x0;
	s5 =	sld [smem:$0x3FB2]  }
0x2b: {  	s6 =	sld [smem:$0x3FB3]  }
0x2c: {  	s7 =	sld [smem:$0x3FB4]  }
0x2d: {  	s3 =	simm.s32 $0x108;
	s8 =	sld [smem:$0x3FB5]  }
0x2e: {  	s3 =	simm.s32 @!p0 $0x1082;
	s9 =	sld [smem:$0x3FB6]  }
0x2f: {  	lr =	sadd.s32 s0, s3;
	s0 =	sld [smem:$0x3FAD]  }
0x30: {  	s3 =	sld [smem:$0x3FB0]  }
0x31: {  	[smem:$0x3FB9] =	sst s10  }
0x32: {  	s10 =	sld [smem:$0x3FB7];
	_ =	sdelay $0x3  }
0x33: {  	p0 =	seq.s32 s10, $0x1;
	s10 =	sld [smem:$0x3FB9];
	_ =	sdelay $0x3  }
0x34: {  	[smem:$0x3FB9] =	sst s10  }
0x35: {  	s10 =	sld [smem:$0x3FB8];
	_ =	sdelay $0x3  }
0x36: {  	p1 =	seq.s32 s10, $0x1;
	s10 =	sld [smem:$0x3FB9];
	_ =	sdelay $0x3  }
0x37: {  	[smem:$0x3FB9] =	sst s10  }
0x38: {  	s10 =	sld [smem:$0x3FBA]  }
0x39: {  	_ = 	snop;
	(pc) =	sbr.ind lr, $3  }
0x3a: {  	_ = 	snop  }
0x3b: {  	_ = 	snop  }
0x3c: {  	p2 =	seq.s32 s10, $0x1;
	s10 =	sld [smem:$0x3FB9]  }
0x3d: {  	_ =	shalt  }
0x3e: {  	_ =	shalt  }
0x3f: {  	_ =	shalt  }
0x40: {  	_ =	shalt  }
0x41: {  	_ =	shalt  }
0x42: {  	_ =	shalt  }
0x43: {  	_ =	shalt  }
0x44: {  	_ =	shalt  }
0x45: {  	_ =	shalt  }
0x46: {  	_ =	shalt  }
0x47: {  	_ =	shalt  }
0x48: {  	_ =	shalt  }
0x49: {  	_ =	shalt  }
0x4a: {  	_ =	shalt  }
0x4b: {  	_ =	shalt  }
0x4c: {  	_ =	shalt  }
0x4d: {  	_ =	shalt  }
0x4e: {  	_ =	shalt  }
0x4f: {  	_ =	shalt  }
0x50: {  	_ =	shalt  }
0x51: {  	_ =	shalt  }
0x52: {  	_ =	shalt  }
0x53: {  	_ =	shalt  }
0x54: {  	_ =	shalt  }
0x55: {  	_ =	shalt  }
0x56: {  	_ =	shalt  }
0x57: {  	_ =	shalt  }
0x58: {  	_ =	shalt  }
0x59: {  	_ =	shalt  }
0x5a: {  	_ =	shalt  }
0x5b: {  	_ =	shalt  }
0x5c: {  	_ =	shalt  }
0x5d: {  	_ =	shalt  }
0x5e: {  	_ =	shalt  }
0x5f: {  	_ =	shalt  }
0x60: {  	_ =	shalt  }
0x61: {  	_ =	shalt  }
0x62: {  	_ =	shalt  }
0x63: {  	_ =	shalt  }
0x64: {  	_ =	shalt  }
0x65: {  	_ =	shalt  }
0x66: {  	_ =	shalt  }
0x67: {  	_ =	shalt  }
0x68: {  	_ =	shalt  }
0x69: {  	_ =	shalt  }
0x6a: {  	_ =	shalt  }
0x6b: {  	_ =	shalt  }
0x6c: {  	_ =	shalt  }
0x6d: {  	_ =	shalt  }
0x6e: {  	_ =	shalt  }
0x6f: {  	_ =	shalt  }
0x70: {  	_ =	shalt  }
0x71: {  	_ =	shalt  }
0x72: {  	_ =	shalt  }
0x73: {  	_ =	shalt  }
0x74: {  	_ =	shalt  }
0x75: {  	_ =	shalt  }
0x76: {  	_ =	shalt  }
0x77: {  	_ =	shalt  }
0x78: {  	_ =	shalt  }
0x79: {  	_ =	shalt  }
0x7a: {  	_ =	shalt  }
0x7b: {  	_ =	shalt  }
0x7c: {  	_ =	shalt  }
0x7d: {  	_ =	shalt  }
0x7e: {  	_ =	shalt  }
0x7f: {  	_ =	shalt  }
0x80: {  	_ =	shalt  }
0x81: {  	_ =	shalt  }
0x82: {  	_ =	shalt  }
0x83: {  	_ =	shalt  }
0x84: {  	_ =	shalt  }
0x85: {  	_ =	shalt  }
0x86: {  	_ =	shalt  }
0x87: {  	_ =	shalt  }
.Lfunc_end0:
.L_simem_size_0:
called_computation_lowered:
.L_overlay_start_0:
0x88: {  	s2 =	sld [smem:$0x3FD9]  }
0x89: {  	s3 =	sld [smem:$0x3FFE];
	_ =	sdelay $0x1  }
0x8a: {  	s1 =	srdreg.scid  }
0x8b: {  	s0 =	sand.u32 $0x1, s1  }
0x8c: {  	s14 =	sshll.u32 s0, $0xA;
	s2 =	sadd.s32 s3, s2  }
0x8d: {  	s2 =	sadd.s32 s2, s14  }
0x8e: {  	[smem:$0x3FC5] =	sst s2  }
0x8f: {  	_ = 	snop  }
0x90: {  	s2 =	sld [smem:$0x3FD0];
	_ =	sdelay $0x2  }
0x91: {  	s15 =	simm.s32 $0xA;
	s4 =	simm.s32 $0x10  }
0x92: {  	[smem:s4], [sflag:s15] =	dma.local [hbm:s2], $0x1  }
0x93: {  	_ =	swait.eq [sflag:s15], $0x1  }
0x94: {  	[sflag:s15] =	ssyncset.done $0x0  }
0x95: {  	[sflag:s15] =	ssyncadd.s32 $0xFFFFFFFF  }
0x96: {  	s16 =	sld [smem:$0x11];
	(tm) =	ssettm $0x1  }
0x97: {  	s17 =	sld [smem:$0x3FFB];
	_ =	sdelay $0x3  }
0x98: {  	_ =	strace s17  }
0x99: {  	s3 =	sld [smem:$0x3FFC];
	_ =	sdelay $0x3  }
0x9a: {  	_ =	strace s3  }
0x9b: {  	s3 =	sld [smem:$0x3FFD];
	_ =	sdelay $0x3  }
0x9c: {  	_ =	strace s3  }
0x9d: {  	_ =	strace $0x8FFFFFFF  }
0x9e: {  	s18 =	sld [smem:$0x3FDB];
	_ =	sdelay $0x1  }
0x9f: {  	s19 =	simm.s32 $_scs_section_size  }
0xa0: {  	s5 =	simm.s32 $_size__tile_overlayer_lowered;
	s6 =	simm.s32 $_tile_overlayer_lowered  }
0xa1: {  	s22 =	simm.s32 $0x1BFF;
	s21 =	sshll.u32 s6, $0x1;
	s3 =	sadd.s32 s19, s18  }
0xa2: {  	s7 =	simm.s32 $0x0;
	s20 =	sshll.u32 s5, $0x1;
	s5 =	sadd.s32 s21, s3  }
0xa3: {  	[timem:s7], [sflag:s22] =	dma.local [hbm:s5], s20  }
0xa4: {  	_ =	swait.ge [sflag:s22], s20  }
0xa5: {  	s4 =	ssub.s32 $0x0, s20;
	[sflag:s22] =	ssyncset.done $0x0  }
0xa6: {  	[sflag:s22] =	ssyncadd.s32 s4;
	_ =	sdelay $0x1  }
0xa7: {  	s23 =	simm.s32 $0x1B8B  }
0xa8: {  	_ =	swait.ge [sflag:s23], $0x1  }
0xa9: {  	[sflag:s23] =	ssyncset.done $0x0  }
0xaa: {  	s25 =	simm.s32 $0x1B8E;
	s24 =	sld [smem:$0x3FFE];
	[sflag:s23] =	ssyncadd.s32 $0xFFFFFFFF  }
0xab: {  	s26 =	simm.s32 $execute0_lowered;
	[smem:$0x3FD2] =	sst s25  }
0xac: {  	s5 =	sshll.u32 s26, $0x1;
	_ =	strace $0x80000046;
	[dreg:$0x1] =	wrdreg $0xFFFFFFFF  }
0xad: {  	s28 =	simm.s32 $_size_execute0_lowered;
	s3 =	sadd.s32 s3, s5;
	[dreg:$0x0] =	wrdreg $0x0  }
0xae: {  	s5 =	sshll.u32 s28, $0x1;
	[dreg:$0x2] =	wrdreg s3  }
0xaf: {  	[dreg:$0x3] =	wrdreg s5  }
0xb0: {  	[dreg:$0x4] =	wrdreg $0xC0  }
0xb1: {  	_ =	task [dreg:s7], $0x5FFFF  }
0xb2: {  	[dreg:$0x1] =	wrdreg $0xFFFFFFFF  }
0xb3: {  	[dreg:$0x0] =	wrdreg $0x60  }
0xb4: {  	[dreg:$0x2] =	wrdreg s24  }
0xb5: {  	[dreg:$0x3] =	wrdreg s16  }
0xb6: {  	[dreg:$0x4] =	wrdreg $0x9  }
0xb7: {  	_ =	task.clear_ibuf [dreg:s7], $0x5FFFF;
	_ =	strace $0x90000046  }
0xb8: {  	s29 =	simm.s32 $0x9;
	_ =	strace $0x80000048  }
0xb9: {  	_ =	swait.ge [sflag:s29], $0x1  }
0xba: {  	[sflag:s29] =	ssyncadd.s32 $0xFFFFFFFF  }
0xbb: {  	_ =	strace $0x90000048  }
0xbc: {  	_ =	sfence  }
0xbd: {  	s30 =	sld [smem:$0x0];
	_ =	sdelay $0x2  }
0xbe: {  	s31 =	sshll.u32 s1, $0xD;
	s1 =	sshrl.u32 s1, $0x2  }
0xbf: {  	s3 =	sand.u32 $0x4000, s31;
	s1 =	sadd.s32 s1, s30  }
0xc0: {  	s0 =	sor.u32 s3, s0;
	s1 =	sshll.u32 s1, $0x11  }
0xc1: {  	s0 =	sor.u32 s1, s0  }
0xc2: {  	s0 =	sadd.s32 $0x8F2B, s0  }
0xc3: {  	[sflag:s0] =	ssyncadd.remote.s32 $0x1  }
0xc4: {  	_ =	sfence.sel $0xFFFF  }
0xc5: {  	[dreg:$0x0] =	wrdreg $0xFFFFFFFF;
	(pc) =	sbr.abs _section_cstart, $3  }
0xc6: {  	[dreg:$0x1] =	wrdreg $0xFFFFFFFF  }
0xc7: {  	_ =	task.clear_ibuf [dreg:s7], $0x2FFFF;
	_ =	strace $0x9FFFFFFF  }
0xc8: {  	(tm) =	ssettm $0x7FFFFFFF  }
0xc9: {  	_ =	shalt  }
tec
execute0_lowered:
.L_overlay_start_1:
0x0: {  	(tag) =	ssettag $0x1  }
0x1: {  	s3 =	rddreg [dreg:$0x0]  }
0x2: {  	s7 =	rddreg [dreg:$0x1]  }
0x3: {  	s0 =	rddreg [dreg:$0x2];
	s2 =	simm.s32 $0x0;
	s4 =	srdreg.scid  }
0x4: {  	s1 =	stileid.u32;
	s11 =	simm.s32 $0x4000;
	s12 =	simm.s32 $0x5000  }
0x5: {  	[smem:$0x7FF] =	sst s2;
	s4 =	sand.u32 $0x1, s4;
	s5 =	sshll.u32 s1, $0x1  }
0x6: {  	v0 =	vimm.s32 $0x76543210;
	s13 =	simm.s32 $0x0;
	_ =	strace $0x80000047;
	s5 =	sor.u32 s4, s5  }
0x7: {  	v2 =	vunpack.c.l.s4.s8 v0;
	s4 =	ssub.s32 $0x2, s4;
	s6 =	sshll.u32 s5, $0xD;
	s8 =	sshll.u32 s5, $0x9  }
0x8: {  	v0 =	vlaneseq.u32;
	s31 =	sshrl.u32 s4, $0x1;
	s6 =	sadd.s32 s6, s3;
	s9 =	sadd.s32 s8, s3  }
0x9: {  	vm1 =	vcmask $0x2300;
	v4 =	vmul.u32 $0xFFFFFFFF, v0;
	v5 =	vunpack.c.0.s8.s32 v2;
	s10 =	ssub.s32 s4, s31;
	s7 =	sadd.s32 s7, s8;
	s3 =	sadd.s32 $0xE00, s6  }
0xa: {  	vm0 =	vmmov $0xff;
	v1 =	vor.u32 $0x10, v0;
	v3 =	vor.u32 $0x30, v0;
	s4 =	sadd.s32 $0x1600, s6;
	s5 =	sadd.s32 $0x1E00, s6;
	s6 =	sadd.s32 $0x2600, s6  }
0xb: {  	v2 =	vor.u32 $0x20, v0;
	v4 =	vadd.s32 $0xF, v4;
	s8 =	sadd.s32 $0x40E00, s9;
	s9 =	smax.u32 s10, $0x1;
	s10 =	simm.s32 $0x1;
	v5 =	vnsel vm1, $0x0, v5  }
.LBB2_1:
0xc: {  	[tilespmem:s2], [sflag:$0x1] =	stream.linear.gather [hbm4b:s3+s2], $0x4000, $0x38;
	[tilespmem:$0x6000] =	vst v63  }
0xd: {  	_ =	swait.ge [sflag:s10], $0x4000  }
0xe: {  	[sflag:s10] =	ssyncset.done $0x0  }
0xf: {  	s14 =	simm.s32 $0x100;
	[sflag:s10] =	ssyncadd.s32 $0xFFFFC000  }
0x10: {  	v6 =	vld [tilespmem:s14+$0xB0];
	_ =	sdelay $0x1  }
0x11: {  	v7 =	vld [tilespmem:s14+$0xA0];
	_ =	sdelay $0x2  }
0x12: {  	(xrf1) =	vsort.dscd.msk.f32 $0xffff, v6, v3;
	_ =	sdelay $0x1  }
0x13: {  	v6 =	vld [tilespmem:s14+$0x90];
	(xrf1) =	vsort.dscd.msk.f32 $0xffff, v7, v2  }
0x14: {  	v7 =	vld [tilespmem:s14+$0x30]  }
0x15: {  	v8 =	vld [tilespmem:s14+$0xFFFFFFA0]  }
0x16: {  	v9 =	vld [tilespmem:s14+$0xFFFFFFB0];
	_ =	sdelay $0x1  }
0x17: {  	v10 =	vld [tilespmem:s14+$0x80];
	(xrf1) =	vsort.dscd.msk.f32 $0xffff, v6, v1  }
0x18: {  	v6 =	vld [tilespmem:s14+$0xFFFFFF90];
	(xrf1) =	vsort.dscd.msk.f32 $0xffff, v7, v3  }
0x19: {  	(xrf1) =	vsort.dscd.msk.f32 $0xffff, v8, v2  }
0x1a: {  	v7 =	vld [tilespmem:s14+$0x20];
	(xrf1) =	vsort.dscd.msk.f32 $0xffff, v9, v3  }
0x1b: {  	v8 =	vld [tilespmem:s14+$0xFFFFFF10]  }
0x1c: {  	v9 =	vld [tilespmem:s14+$0xFFFFFF80];
	(xrf1) =	vsort.dscd.msk.f32 $0xffff, v10, v0  }
0x1d: {  	(xrf1) =	vsort.dscd.msk.f32 $0xffff, v6, v1  }
0x1e: {  	v11 =	vld [tilespmem:s14+$0xFFFFFF30];
	v6, v10, _ =	vpop (xrf1)  }
0x1f: {  	(xrf1) =	vsort.dscd.msk.f32 $0xffff, v7, v2;
	v7 =	vperm.xlane v10, v4  }
0x20: {  	v12 =	vld [tilespmem:s14+$0x10];
	(xrf1) =	vsort.dscd.msk.f32 $0xffff, v8, v1;
	v6 =	vperm.xlane v6, v4;
	v8, v10, _ =	vpop (xrf1)  }
0x21: {  	(xrf1) =	vsort.dscd.msk.f32 $0xffff, v9, v0;
	v7 =	vsel vm0, v10, v7  }
0x22: {  	v13 =	vld [tilespmem:s14+$0x0];
	v6 =	vsel vm0, v8, v6  }
0x23: {  	(xrf1) =	vsort.dscd.msk.f32 $0xffff, v11, v3  }
0x24: {  	(xrf1) =	vsort.dscd.msk.f32 $0xffff, v6, v7  }
0x25: {  	(xrf1) =	vsort.dscd.msk.f32 $0xffff, v12, v1;
	v6, v7, _ =	vpop (xrf1)  }
0x26: {  	v9, v10, _ =	vpop (xrf1)  }
0x27: {  	v8 =	vld [tilespmem:s14+$0xFFFFFF20];
	(xrf1) =	vsort.dscd.msk.f32 $0xffff, v13, v0;
	v11, v12, _ =	vpop (xrf1)  }
0x28: {  	v13, v14, _ =	vpop (xrf1)  }
0x29: {  	v13 =	vperm.xlane v13, v4  }
0x2a: {  	v16, v17, _ =	vpop (xrf1);
	v14 =	vperm.xlane v14, v4  }
0x2b: {  	v7 =	vperm.xlane v7, v4;
	v6 =	vperm.xlane v6, v4;
	v18, v19, _ =	vpop (xrf1);
	v11 =	vsel vm0, v11, v13  }
0x2c: {  	v15 =	vld [tilespmem:s14+$0xFFFFFF00];
	(xrf1) =	vsort.dscd.msk.f32 $0xffff, v8, v2;
	v12 =	vsel vm0, v12, v14;
	v14 =	vperm.xlane v18, v4  }
0x2d: {  	s30 =	simm.s32 $0x300;
	v6 =	vsel vm0, v16, v6;
	v7 =	vsel vm0, v17, v7;
	v8 =	vperm.xlane v19, v4;
	v13, v19, _ =	vpop (xrf1)  }
0x2e: {  	v16 =	vld [tilespmem:s30+$0xB0];
	(xrf1) =	vsort.dscd.msk.f32 $0xffff, v6, v7;
	v17, v18, _ =	vpop (xrf1)  }
0x2f: {  	v6 =	vperm.xlane v10, v4;
	(xrf1) =	vsort.dscd.msk.f32 $0xffff, v11, v12;
	v10, v11, _ =	vpop (xrf1)  }
0x30: {  	v7 =	vld [tilespmem:s30+$0xA0];
	v10 =	vsel vm0, v10, v14  }
0x31: {  	v9 =	vperm.xlane v9, v4;
	(xrf1) =	vsort.dscd.msk.f32 $0xffff, v15, v0;
	v8 =	vsel vm0, v11, v8;
	v11 =	vld [tilespmem:s30+$0x90];
	v12, v14, _ =	vpop (xrf1)  }
0x32: {  	(xrf1) =	vsort.dscd.msk.f32 $0xffff, v10, v8;
	v15, v20, _ =	vpop (xrf1)  }
0x33: {  	v6 =	vsel vm0, v19, v6;
	v9 =	vsel vm0, v13, v9;
	v8 =	vld [tilespmem:s30+$0x30];
	(xrf1) =	vsort.dscd.msk.f32 $0xffff, v16, v3;
	v10, v13, _ =	vpop (xrf1)  }
0x34: {  	v16 =	vld [tilespmem:s30+$0xFFFFFFA0];
	(xrf1) =	vsort.dscd.msk.f32 $0xffff, v9, v6;
	v6 =	vperm.xlane v10, v4;
	v9 =	vperm.xlane v13, v4  }
0x35: {  	v10 =	vld [tilespmem:s30+$0xFFFFFFB0];
	(xrf1) =	vsort.dscd.msk.f32 $0xffff, v7, v2;
	v7, v13, _ =	vpop (xrf1)  }
0x36: {  	(xrf1) =	vsort.dscd.msk.f32 $0xffff, v11, v1;
	v9 =	vsel vm0, v13, v9;
	v6 =	vsel vm0, v7, v6  }
0x37: {  	(xrf1) =	vsort.dscd.msk.f32 $0xffff, v6, v9  }
0x38: {  	v7 =	vld [tilespmem:s30+$0x80];
	(xrf1) =	vsort.dscd.msk.f32 $0xffff, v8, v3  }
0x39: {  	v6 =	vld [tilespmem:s30+$0xFFFFFF90];
	(xrf1) =	vsort.dscd.msk.f32 $0xffff, v16, v2  }
0x3a: {  	v8 =	vld [tilespmem:s30+$0x20];
	(xrf1) =	vsort.dscd.msk.f32 $0xffff, v10, v3;
	v10 =	vperm.xlane v12, v4  }
0x3b: {  	v9 =	vperm.xlane v14, v4  }
0x3c: {  	v13 =	vld [tilespmem:s30+$0xFFFFFF10];
	v11, v12, _ =	vpop (xrf1)  }
0x3d: {  	v14 =	vld [tilespmem:s30+$0xFFFFFF80];
	(xrf1) =	vsort.dscd.msk.f32 $0xffff, v7, v0;
	v7, v16, _ =	vpop (xrf1);
	v9 =	vsel vm0, v12, v9  }
0x3e: {  	(xrf1) =	vsort.dscd.msk.f32 $0xffff, v6, v1;
	v6 =	vsel vm0, v11, v10;
	v10, v11, _ =	vpop (xrf1)  }
0x3f: {  	(xrf1) =	vsort.dscd.msk.f32 $0xffff, v8, v2;
	v19, v21, _ =	vpop (xrf1)  }
0x40: {  	(xrf1) =	vsort.dscd.msk.f32 $0xffff, v6, v9;
	v9, v8, _ =	vpop (xrf1)  }
0x41: {  	(xrf1) =	vsort.dscd.msk.f32 $0xffff, v13, v1;
	v6, v13, _ =	vpop (xrf1)  }
0x42: {  	v12 =	vld [tilespmem:s30+$0xFFFFFF30];
	(xrf1) =	vsort.dscd.msk.f32 $0xffff, v14, v0;
	v13 =	vperm.xlane v13, v4;
	v14, v23, _ =	vpop (xrf1)  }
0x43: {  	v6 =	vperm.xlane v6, v4;
	v24, v25, _ =	vpop (xrf1)  }
0x44: {  	v22 =	vld [tilespmem:s30+$0x10];
	v13 =	vsel vm0, v25, v13  }
0x45: {  	v6 =	vsel vm0, v24, v6  }
0x46: {  	v26 =	vld [tilespmem:s30+$0x0];
	v24, v25, _ =	vpop (xrf1)  }
0x47: {  	(xrf1) =	vsort.dscd.msk.f32 $0xffff, v12, v3;
	v12, v27, _ =	vpop (xrf1)  }
0x48: {  	(xrf1) =	vsort.dscd.msk.f32 $0xffff, v6, v13;
	v6, v13, _ =	vpop (xrf1)  }
0x49: {  	(xrf1) =	vsort.dscd.msk.f32 $0xffff, v22, v1;
	v22 =	vld [tilespmem:s30+$0xFFFFFF20];
	v28, v29, _ =	vpop (xrf1)  }
0x4a: {  	v17 =	vperm.xlane v17, v4;
	v18 =	vperm.xlane v18, v4;
	v30, v31, _ =	vpop (xrf1)  }
0x4b: {  	(xrf1) =	vsort.dscd.msk.f32 $0xffff, v26, v0;
	v26 =	vperm.xlane v30, v4;
	v31 =	vperm.xlane v31, v4  }
0x4c: {  	v17 =	vsel vm0, v19, v17;
	v25 =	vperm.xlane v25, v4;
	v24 =	vperm.xlane v24, v4;
	v30, v32, _ =	vpop (xrf1)  }
0x4d: {  	v19 =	vld [tilespmem:s30+$0xFFFFFF00];
	v18 =	vsel vm0, v21, v18;
	v14 =	vperm.xlane v14, v4;
	v33, v34, _ =	vpop (xrf1);
	v26 =	vsel vm0, v28, v26  }
0x4e: {  	s31 =	simm.s32 $0x500;
	v24 =	vsel vm0, v30, v24;
	v25 =	vsel vm0, v32, v25;
	(xrf1) =	vsort.dscd.msk.f32 $0xffff, v22, v2;
	v22, v28, _ =	vpop (xrf1)  }
0x4f: {  	v21 =	vperm.xlane v23, v4;
	v29 =	vsel vm0, v29, v31;
	(xrf1) =	vsort.dscd.msk.f32 $0xffff, v24, v25;
	v24 =	vld [tilespmem:s31+$0xB0];
	v31, v51, _ =	vpop (xrf1)  }
0x50: {  	v30 =	vperm.xlane v34, v4;
	v25 =	vperm.xlane v33, v4;
	(xrf1) =	vsort.dscd.msk.f32 $0xffff, v26, v29;
	v53, v52, _ =	vpop (xrf1)  }
0x51: {  	v13 =	vperm.xlane v13, v4;
	v6 =	vperm.xlane v6, v4;
	(xrf1) =	vsort.dscd.msk.f32 $0xffff, v17, v18;
	v23, v26, _ =	vpop (xrf1)  }
0x52: {  	v17 =	vld [tilespmem:s31+$0xA0];
	(xrf1) =	vsort.dscd.msk.f32 $0xffff, v19, v0;
	v18 =	vsel vm0, v23, v25;
	v23 =	vsel vm0, v26, v30  }
0x53: {  	v12 =	vsel vm0, v12, v14;
	v14 =	vsel vm0, v27, v21;
	v19 =	vld [tilespmem:s31+$0x90];
	(xrf1) =	vsort.dscd.msk.f32 $0xffff, v18, v23  }
0x54: {  	v13 =	vsel vm0, v28, v13;
	v6 =	vsel vm0, v22, v6;
	(xrf1) =	vsort.dscd.msk.f32 $0xffff, v24, v3  }
0x55: {  	v18, v21, _ =	vpop (xrf1);
	(xrf1) =	vsort.dscd.msk.f32 $0xffff, v12, v14;
	v12 =	vperm.xlane v15, v4;
	v14 =	vperm.xlane v20, v4  }
0x56: {  	v23, v24, _ =	vpop (xrf1);
	(xrf1) =	vsort.dscd.msk.f32 $0xffff, v6, v13  }
0x57: {  	v15 =	vld [tilespmem:s31+$0x30];
	v20, v22, _ =	vpop (xrf1);
	(xrf1) =	vsort.dscd.msk.f32 $0xffff, v17, v2;
	v14 =	vsel vm0, v16, v14;
	v7 =	vsel vm0, v7, v12  }
0x58: {  	v6 =	vld [tilespmem:s31+$0xFFFFFFA0];
	v13 =	vperm.xlane v20, v4;
	v17 =	vperm.xlane v22, v4;
	(xrf1) =	vsort.dscd.msk.f32 $0xffff, v19, v1  }
0x59: {  	v12 =	vld [tilespmem:s31+$0xFFFFFFB0];
	v16, v20, _ =	vpop (xrf1);
	(xrf1) =	vsort.dscd.msk.f32 $0xffff, v7, v14  }
0x5a: {  	v7 =	vld [tilespmem:s31+$0x80];
	v17 =	vsel vm0, v20, v17;
	v13 =	vsel vm0, v16, v13  }
0x5b: {  	v14 =	vld [tilespmem:s31+$0xFFFFFF90];
	(xrf1) =	vsort.dscd.msk.f32 $0xffff, v13, v17  }
0x5c: {  	v18 =	vperm.xlane v18, v4;
	v17 =	vld [tilespmem:s31+$0x20];
	(xrf1) =	vsort.dscd.msk.f32 $0xffff, v15, v3;
	v15, v16, _ =	vpop (xrf1)  }
0x5d: {  	(xrf1) =	vsort.dscd.msk.f32 $0xffff, v6, v2;
	v19, v20, _ =	vpop (xrf1);
	v6 =	vperm.xlane v21, v4  }
0x5e: {  	v21 =	vld [tilespmem:s31+$0xFFFFFF10];
	(xrf1) =	vsort.dscd.msk.f32 $0xffff, v12, v3;
	v12, v13, _ =	vpop (xrf1)  }
0x5f: {  	v28 =	vperm.xlane v31, v4;
	v22, v25, _ =	vpop (xrf1);
	(xrf1) =	vsort.dscd.msk.f32 $0xffff, v7, v0;
	v6 =	vsel vm0, v16, v6  }
0x60: {  	v27 =	vperm.xlane v51, v4;
	v7 =	vsel vm0, v15, v18;
	v16 =	vld [tilespmem:s31+$0xFFFFFF80];
	v18, v26, _ =	vpop (xrf1);
	(xrf1) =	vsort.dscd.msk.f32 $0xffff, v14, v1  }
0x61: {  	v14, v15, _ =	vpop (xrf1);
	(xrf1) =	vsort.dscd.msk.f32 $0xffff, v17, v2  }
0x62: {  	v17, v29, _ =	vpop (xrf1);
	(xrf1) =	vsort.dscd.msk.f32 $0xffff, v7, v6;
	v7 =	vsel vm0, v22, v28;
	v22 =	vsel vm0, v25, v27  }
0x63: {  	v25, v6, _ =	vpop (xrf1);
	(xrf1) =	vsort.dscd.msk.f32 $0xffff, v21, v1  }
0x64: {  	v27, v28, _ =	vpop (xrf1);
	(xrf1) =	vsort.dscd.msk.f32 $0xffff, v7, v22  }
0x65: {  	v21 =	vld [tilespmem:s31+$0xFFFFFF30];
	v17 =	vperm.xlane v17, v4;
	v29 =	vperm.xlane v29, v4;
	v22, v30, _ =	vpop (xrf1);
	(xrf1) =	vsort.dscd.msk.f32 $0xffff, v16, v0  }
0x66: {  	v16, v31, _ =	vpop (xrf1)  }
0x67: {  	v54 =	vld [tilespmem:s31+$0x10];
	v17 =	vsel vm0, v22, v17;
	v22 =	vsel vm0, v30, v29;
	v36, v7, _ =	vpop (xrf1)  }
0x68: {  	v29 =	vmin.f32 v36, $8.000000000e+01  }
0x69: {  	v35 =	vld [tilespmem:s31+$0x0];
	v10 =	vperm.xlane v10, v4;
	v38, v39, _ =	vpop (xrf1);
	v29 =	vmul.f32 $1.442695020e+00, v29  }
0x6a: {  	v37 =	vld [tilespmem:s31+$0xFFFFFF20];
	v11 =	vperm.xlane v11, v4;
	(xrf1) =	vsort.dscd.msk.f32 $0xffff, v21, v3;
	v30, v55, _ =	vpop (xrf1)  }
0x6b: {  	v9 =	vsel vm0, v9, v10;
	v31 =	vperm.xlane v31, v4;
	(xrf1) =	vsort.dscd.msk.f32 $0xffff, v17, v22;
	v17, v22, _ =	vpop (xrf1)  }
0x6c: {  	v16 =	vperm.xlane v16, v4;
	v21 =	vperm.xlane v53, v4;
	(xrf1) =	vsort.dscd.msk.f32 $0xffff, v54, v1;
	v57, v56, _ =	vpop (xrf1)  }
0x6d: {  	v8 =	vsel vm0, v8, v11;
	v11 =	vmin.f32 v25, $8.000000000e+01;
	(erf) = vpow2.f32 v29;
	v29, v58, _ =	vpop (xrf1)  }
0x6e: {  	v11 =	vmul.f32 $1.442695020e+00, v11;
	(xrf1) =	vsort.dscd.msk.f32 $0xffff, v35, v0;
	v10, v59, _ =	vpop (xrf1);
	v16 =	vsel vm0, v29, v16;
	v29 =	vsel vm0, v58, v31  }
0x6f: {  	v32 =	vperm.xlane v57, v4;
	(xrf1) =	vsort.dscd.msk.f32 $0xffff, v37, v2;
	v33 =	vperm.xlane v56, v4;
	v31, v35, _ =	vpop (xrf1)  }
0x70: {  	v25 =	vld [tilespmem:s31+$0xFFFFFF00];
	v18 =	vsel vm0, v18, v21;
	(xrf1) =	vsort.dscd.msk.f32 $0xffff, v9, v8;
	v9 =	vperm.xlane v52, v4;
	v21, v40, _ =	vpop (xrf1)  }
0x71: {  	s23 =	simm.s32 $0x700;
	(xrf1) =	vsort.dscd.msk.f32 $0xffff, v16, v29;
	v16 =	vsel vm0, v17, v32;
	v22 =	vsel vm0, v22, v33;
	v29, v41, _ =	vpop (xrf1)  }
0x72: {  	(erf) = vpow2.f32 v11;
	v10 =	vperm.xlane v10, v4;
	v60, v8, _ =	vpop (xrf1);
	(xrf1) =	vsort.dscd.msk.f32 $0xffff, v16, v22;
	v22 =	vld [tilespmem:s23+$0xB0]  }
0x73: {  	v17 =	vperm.xlane v59, v4;
	v9 =	vsel vm0, v26, v9;
	v16 =	vperm.xlane v23, v4;
	v11, v26, _ =	vpop (xrf1)  }
0x74: {  	v23 =	vmin.f32 v60, $8.000000000e+01;
	(xrf1) =	vsort.dscd.msk.f32 $0xffff, v18, v9;
	v18 =	vperm.xlane v27, v4;
	v9 =	vsel vm0, v11, v10  }
0x75: {  	v10 =	vsel vm0, v26, v17;
	(xrf1) =	vsort.dscd.msk.f32 $0xffff, v25, v0;
	v11 =	vmul.f32 $1.442695020e+00, v23;
	v17 =	vperm.xlane v24, v4  }
0x76: {  	v24 =	vperm.xlane v30, v4;
	(xrf1) =	vsort.dscd.msk.f32 $0xffff, v9, v10;
	v9 =	vperm.xlane v28, v4;
	v10 =	vld [tilespmem:s23+$0xA0]  }
0x77: {  	v23 =	vpop (erf);
	(erf) = vpow2.f32 v11;
	v11 =	vperm.xlane v55, v4;
	(xrf1) =	vsort.dscd.msk.f32 $0xffff, v22, v3  }
0x78: {  	v25 =	vld [tilespmem:s23+$0x90];
	v18 =	vsel vm0, v38, v18;
	v27, v26, _ =	vpop (xrf1);
	v9 =	vsel vm0, v39, v9  }
0x79: {  	v24 =	vsel vm0, v31, v24;
	v22, v28, _ =	vpop (xrf1);
	v11 =	vsel vm0, v35, v11;
	(xrf1) =	vsort.dscd.msk.f32 $0xffff, v18, v9  }
0x7a: {  	v30, v31, _ =	vpop (xrf1);
	(xrf1) =	vsort.dscd.msk.f32 $0xffff, v24, v11  }
0x7b: {  	v62 =	vld [tilespmem:s23+$0xFFFFFFA0];
	v11 =	vsel vm0, v19, v16;
	v16 =	vpop (erf);
	(xrf1) =	vsort.dscd.msk.f32 $0xffff, v10, v2;
	v30 =	vperm.xlane v30, v4  }
0x7c: {  	v9 =	vsel vm0, v20, v17;
	v17 =	vld [tilespmem:s23+$0x30];
	v24 =	vperm.xlane v26, v4;
	v18, v20, _ =	vpop (xrf1);
	v31 =	vperm.xlane v31, v4  }
0x7d: {  	v36 =	vld [tilespmem:s23+$0x80];
	v26 =	vperm.xlane v22, v4;
	v22 =	vperm.xlane v27, v4;
	v10, v61, _ =	vpop (xrf1);
	(xrf1) =	vsort.dscd.msk.f32 $0xffff, v25, v1  }
0x7e: {  	v37 =	vld [tilespmem:s23+$0xFFFFFF80];
	v28 =	vperm.xlane v28, v4;
	(xrf1) =	vsort.dscd.msk.f32 $0xffff, v11, v9;
	v11 =	vnsel vm0, $0x0, v16;
	v27, v16, _ =	vpop (xrf1);
	v20 =	vsel vm0, v20, v31  }
0x7f: {  	v19 =	vld [tilespmem:s23+$0xFFFFFFB0];
	v18 =	vsel vm0, v18, v30;
	(xrf2) =	vadd.scan.msk.f32 $0xffff, v11;
	v30, v63, _ =	vpop (xrf1)  }
0x80: {  	v32 =	vld [tilespmem:s23+$0xFFFFFF90];
	v33 =	vsel vm0, v10, v22;
	v22 =	vperm.xlane v29, v4;
	(xrf1) =	vsort.dscd.msk.f32 $0xffff, v18, v20;
	v18 =	vmin.f32 v27, $8.000000000e+01;
	v10 =	vpop (erf)  }
0x81: {  	s19 =	simm.s32 $0x10;
	v21 =	vperm.xlane v21, v4;
	v39 =	vld [tilespmem:s23+$0xFFFFFF10];
	v9 =	vnsel vm0, $0x0, v23;
	(xrf1) =	vsort.dscd.msk.f32 $0xffff, v17, v3;
	v18 =	vmul.f32 $1.442695020e+00, v18;
	v20, v23, _ =	vpop (xrf1)  }
0x82: {  	s21 =	simm.s32 $0x18;
	s18 =	simm.s32 $0x8;
	s24 =	simm.s32 $0xC;
	v40 =	vperm.xlane v40, v4;
	v35 =	vld [tilespmem:s23+$0x20];
	v34 =	vsel vm0, v61, v24;
	v27 =	vperm.xlane v41, v4;
	(xrf2) =	vadd.scan.msk.f32 $0xffff, v9;
	v24, v42, _ =	vpop (xrf1)  }
0x83: {  	s16 =	simm.s32 $0x30;
	s17 =	simm.s32 $0x38;
	s15 =	simm.s32 $0x28;
	v25 =	vld [tilespmem:s23+$0xFFFFFF30];
	v17 =	vsel vm0, v63, v28;
	(xrf1) =	vsort.dscd.msk.f32 $0xffff, v62, v2;
	(erf) = vpow2.f32 v18;
	v29, v28, _ =	vpop (xrf1);
	v24 =	vsel vm0, v24, v21  }
0x84: {  	s22 =	simm.s32 $0x0;
	s20 =	simm.s32 $0x20;
	s14 =	simm.s32 $0x20;
	v31 =	vld [tilespmem:s23+$0xFFFFFF20];
	v10 =	vnsel vm0, $0x0, v10;
	(xrf1) =	vsort.dscd.msk.f32 $0xffff, v19, v3;
	v38 =	vsel vm0, v42, v40;
	v29 =	vsel vm0, v29, v22;
	v22, v19, _ =	vpop (xrf1)  }
.LBB2_2:
0x85: {  	(xrf1) =	vsort.dscd.msk.f32 $0xffff, v36, v0;
	v36, v40, _ =	vpop (xrf1)  }
0x86: {  	s24 =	sadd.s32 $0x4, s24;
	v21 =	vsel vm0, v30, v26;
	s14 =	sadd.s32 $0x20, s14;
	v18 =	vmov v16;
	v30 =	vperm.xlane v40, v4  }
0x87: {  	p0 =	slt.u32 s24, $0x7C;
	v26 =	vperm.xlane v36, v4;
	(xrf1) =	vsort.dscd.msk.f32 $0xffff, v32, v1;
	s26 =	sadd.s32 $0x10, s14;
	s28 =	sadd.s32 $0x18, s14;
	v32, v16, _ =	vpop (xrf1)  }
0x88: {  	s25 =	sadd.s32 $0x8, s14;
	v36 =	vld [tilespmem:s23+$0x10];
	v40, v41, _ =	vpop (xrf1);
	v32 =	vmin.f32 v32, $8.000000000e+01;
	(xrf2) =	vadd.scan.msk.f32 $0xffff, v10  }
0x89: {  	(xrf1) =	vsort.dscd.msk.f32 $0xffff, v35, v2;
	v35, v42, _ =	vpop (xrf1);
	v32 =	vmul.f32 $1.442695020e+00, v32  }
0x8a: {  	v43 =	vld [tilespmem:s23+$0xFFFFFF00];
	v26 =	vsel vm0, v35, v26;
	v35 =	vsel vm0, v42, v30;
	(xrf1) =	vsort.dscd.msk.f32 $0xffff, v33, v34;
	v30, _, _ =	vpop (xrf2)  }
0x8b: {  	(xrf1) =	vsort.dscd.msk.f32 $0xffff, v39, v1;
	v33, v34, _ =	vpop (xrf1);
	v39 =	vbroadcast v30, $0xF  }
0x8c: {  	v42 =	vld [tilespmem:s23+$0x0];
	v44 =	vpop (erf)  }
0x8d: {  	(xrf1) =	vsort.dscd.msk.f32 $0xffff, v24, v38;
	v38, v30, _ =	vpop (xrf1);
	v24 =	vnsel vm0, $0x0, v44;
	(erf) = vrcp.f32 v39  }
0x8e: {  	v39 =	vperm.xlane v40, v4;
	v40 =	vperm.xlane v41, v4;
	v38 =	vmin.f32 v38, $8.000000000e+01;
	v41, _, _ =	vpop (xrf2)  }
0x8f: {  	(xrf1) =	vsort.dscd.msk.f32 $0xffff, v37, v0;
	v37, v44, _ =	vpop (xrf1);
	v38 =	vmul.f32 $1.442695020e+00, v38;
	v41 =	vbroadcast v41, $0xF  }
0x90: {  	v45, v46, _ =	vpop (xrf1);
	v37 =	vsel vm0, v37, v39;
	v39 =	vsel vm0, v44, v40;
	(xrf2) =	vadd.scan.msk.f32 $0xffff, v24  }
0x91: {  	v40 =	vperm.xlane v46, v4;
	(xrf1) =	vsort.dscd.msk.f32 $0xffff, v25, v3;
	v25, v44, _ =	vpop (xrf1)  }
0x92: {  	(xrf1) =	vsort.dscd.msk.f32 $0xffff, v26, v35;
	v26 =	vperm.xlane v13, v4;
	v35, _, _ =	vpop (xrf2);
	v13 =	vmov v23  }
0x93: {  	v23 =	vperm.xlane v34, v4;
	v34, v46, _ =	vpop (xrf1);
	(xrf1) =	vsort.dscd.msk.f32 $0xffff, v36, v1;
	(erf) = vrcp.f32 v41  }
0x94: {  	v34 =	vperm.xlane v34, v4;
	v49 =	vperm.xlane v46, v4;
	v41, v46, _ =	vpop (xrf1)  }
0x95: {  	v50 =	vperm.xlane v12, v4;
	v12 =	vmov v20;
	v47, v48, _ =	vpop (xrf1);
	(xrf1) =	vsort.dscd.msk.f32 $0xffff, v42, v0;
	(erf) = vpow2.f32 v38  }
0x96: {  	v20 =	vsel vm0, v25, v34;
	v25 =	vperm.xlane v33, v4;
	(xrf1) =	vsort.dscd.msk.f32 $0xffff, v31, v2;
	v31 =	vbroadcast v35, $0xF;
	v33 =	vpop (erf)  }
0x97: {  	v14 =	vsel vm0, v14, v50;
	v34 =	vperm.xlane v48, v4;
	v35 =	vsel vm0, v44, v49;
	v36, v38, _ =	vpop (xrf1)  }
0x98: {  	v23 =	vsel vm0, v46, v23;
	v46 =	vsel vm0, v15, v26;
	v25 =	vsel vm0, v41, v25;
	v41, v42, _ =	vpop (xrf1)  }
0x99: {  	s23 =	sadd.s32 $0x200, s23;
	v26 =	vperm.xlane v47, v4;
	v38 =	vsel vm0, v38, v40;
	v40, v44, _ =	vpop (xrf1);
	(xrf1) =	vsort.dscd.msk.f32 $0xffff, v14, v46;
	(erf) = vrcp.f32 v31  }
0x9a: {  	v11 =	vmul.f32 v33, v11;
	v14 =	vmov v22;
	v31 =	vld [tilespmem:s23+$0xA0];
	(xrf1) =	vsort.dscd.msk.f32 $0xffff, v25, v23;
	v23 =	vor.u32 s21, v5;
	v15, _, _ =	vpop (xrf2);
	s21 =	smov.u32 s17;
	s17 =	smov.u32 s28  }
0x9b: {  	v33 =	vperm.xlane v45, v4;
	v46 =	vor.u32 s19, v5;
	s19 =	smov.u32 s16;
	s16 =	smov.u32 s26;
	v22 =	vld [tilespmem:s23+$0xB0];
	v25, v45, _ =	vpop (xrf1);
	v49 =	vbroadcast v15, $0xF  }
0x9c: {  	v47 =	vld [tilespmem:s23+$0x30];
	(xrf1) =	vsort.dscd.msk.f32 $0xffff, v20, v35;
	v20 =	vsel vm0, v28, v27;
	v35 =	vmin.f32 v25, $8.000000000e+01;
	(erf) = vpow2.f32 v32;
	v25 =	vpop (erf)  }
0x9d: {  	v15 =	vmov v19;
	v48 =	vld [tilespmem:s23+$0xFFFFFFB0];
	v28, v32, _ =	vpop (xrf1);
	(xrf1) =	vsort.dscd.msk.f32 $0xffff, v29, v20;
	v50 =	vmul.f32 v25, v9;
	(erf) = vrcp.f32 v49  }
0x9e: {  	v25 =	vld [tilespmem:s23+$0xFFFFFF30];
	v9 =	vsel vm0, v28, v26;
	v49 =	vsel vm0, v32, v34;
	(xrf1) =	vsort.dscd.msk.f32 $0xffff, v43, v0;
	v26 =	vmul.f32 $1.442695020e+00, v35;
	v27 =	vpop (erf)  }
0x9f: {  	v28 =	vld [tilespmem:s23+$0x90];
	v29, v32, _ =	vpop (xrf1);
	(xrf1) =	vsort.dscd.msk.f32 $0xffff, v9, v49;
	v9 =	vnsel vm0, $0x0, v27;
	[tilespmem:v23+s11+$0x0] =	vst.idx.msk $0xff, v50  }
0xa0: {  	(xrf1) =	vsort.dscd.msk.f32 $0xffff, v22, v3;
	v19, v20, _ =	vpop (xrf1);
	(erf) = vpow2.f32 v26;
	[tilespmem:v46+s11+$0x0] =	vst.idx.msk $0xff, v11  }
0xa1: {  	v27 =	vsel vm0, v36, v33;
	v11 =	vperm.xlane v32, v4;
	v22 =	vld [tilespmem:s23+$0xFFFFFFA0];
	v33, v34, _ =	vpop (xrf1);
	(xrf1) =	vsort.dscd.msk.f32 $0xffff, v37, v39  }
0xa2: {  	v26 =	vperm.xlane v19, v4;
	v19 =	vperm.xlane v20, v4;
	v32 =	vld [tilespmem:s23+$0xFFFFFF90];
	(xrf1) =	vsort.dscd.msk.f32 $0xffff, v27, v38;
	v20 =	vpop (erf)  }
0xa3: {  	v37 =	vperm.xlane v29, v4;
	v38 =	vor.u32 s22, v5;
	s22 =	smov.u32 s20;
	s20 =	smov.u32 s14;
	v36 =	vld [tilespmem:s23+$0x80];
	(xrf1) =	vsort.dscd.msk.f32 $0xffff, v31, v2;
	v29, v31, _ =	vpop (xrf1);
	[tilespmem:v23+s12+$0x0] =	vst.idx.msk $0xff, v7  }
0xa4: {  	v39 =	vor.u32 s18, v5;
	s18 =	smov.u32 s15;
	s15 =	smov.u32 s25;
	v43 =	vperm.xlane v34, v4;
	v23 =	vperm.xlane v33, v4;
	v33, v34, _ =	vpop (xrf1);
	[tilespmem:v46+s12+$0x0] =	vst.idx.msk $0xff, v6  }
0xa5: {  	v10 =	vmul.f32 v20, v10;
	v6 =	vmov v16;
	v35 =	vld [tilespmem:s23+$0x20];
	(xrf1) =	vsort.dscd.msk.f32 $0xffff, v28, v1;
	v33 =	vsel vm0, v33, v37;
	v27 =	vpop (erf)  }
0xa6: {  	v7 =	vmov v30;
	v20 =	vsel vm0, v31, v43;
	v34 =	vsel vm0, v34, v11;
	v28 =	vpop (erf)  }
0xa7: {  	v29 =	vsel vm0, v29, v23;
	v11 =	vnsel vm0, $0x0, v27;
	v31 =	vld [tilespmem:s23+$0xFFFFFF20];
	(xrf1) =	vsort.dscd.msk.f32 $0xffff, v21, v17;
	v17, v16, _ =	vpop (xrf1);
	v21 =	vmul.f32 v28, v24  }
0xa8: {  	v30, v24, _ =	vpop (xrf1);
	v17 =	vmin.f32 v17, $8.000000000e+01;
	(xrf2) =	vadd.scan.msk.f32 $0xffff, v11;
	[tilespmem:v38+s11+$0x0] =	vst.idx.msk $0xff, v10  }
.Ltmp0:
0xa9: {  	v42 =	vperm.xlane v42, v4;
	(xrf1) =	vsort.dscd.msk.f32 $0xffff, v29, v20;
	v17 =	vmul.f32 $1.442695020e+00, v17;
	v10 =	vpop (erf);
	[tilespmem:v39+s11+$0x0] =	vst.idx.msk $0xff, v21;
	(pc) =	sbr.rel @p0 .LBB2_2-.Ltmp0, $4  }
0xaa: {  	v21 =	vperm.xlane v41, v4;
	v37 =	vld [tilespmem:s23+$0xFFFFFF80];
	(xrf1) =	vsort.dscd.msk.f32 $0xffff, v47, v3;
	v20, v23, _ =	vpop (xrf1);
	v10 =	vnsel vm0, $0x0, v10;
	[tilespmem:v38+s12+$0x0] =	vst.idx.msk $0xff, v8  }
0xab: {  	v40 =	vperm.xlane v40, v4;
	(xrf1) =	vsort.dscd.msk.f32 $0xffff, v22, v2;
	v22, v38, _ =	vpop (xrf1);
	(erf) = vpow2.f32 v17;
	[tilespmem:v39+s12+$0x0] =	vst.idx.msk $0xff, v18  }
0xac: {  	v27 =	vperm.xlane v44, v4;
	v17 =	vsel vm0, v24, v19;
	v18, v28, _ =	vpop (xrf1);
	v24 =	vsel vm0, v22, v21;
	(xrf2) =	vadd.scan.msk.f32 $0xffff, v9  }
0xad: {  	v8 =	vmov v45;
	v38 =	vsel vm0, v38, v42;
	v39 =	vld [tilespmem:s23+$0xFFFFFF10];
	(xrf1) =	vsort.dscd.msk.f32 $0xffff, v48, v3;
	v29 =	vsel vm0, v18, v40;
	v22, v19, _ =	vpop (xrf1)  }
0xae: {  	(xrf1) =	vsort.dscd.msk.f32 $0xffff, v36, v0  }
0xaf: {  	(xrf2) =	vadd.scan.msk.f32 $0xffff, v10  }
0xb0: {  	v21, v49, _ =	vpop (xrf1);
	(xrf1) =	vsort.dscd.msk.f32 $0xffff, v32, v1  }
0xb1: {  	v50, v18, _ =	vpop (xrf1);
	(xrf1) =	vsort.dscd.msk.f32 $0xffff, v35, v2  }
0xb2: {  	v40, v41, _ =	vpop (xrf1);
	(xrf1) =	vsort.dscd.msk.f32 $0xffff, v33, v34  }
0xb3: {  	v51, v42, _ =	vpop (xrf1);
	(xrf1) =	vsort.dscd.msk.f32 $0xffff, v39, v1  }
0xb4: {  	v53 =	vld [tilespmem:s23+$0x10];
	v36 =	vperm.xlane v49, v4;
	(xrf1) =	vsort.dscd.msk.f32 $0xffff, v24, v38;
	v43, v44, _ =	vpop (xrf1)  }
0xb5: {  	v45 =	vld [tilespmem:s23+$0x0];
	v55 =	vperm.xlane v21, v4;
	v54 =	vpop (erf);
	(xrf1) =	vsort.dscd.msk.f32 $0xffff, v37, v0  }
0xb6: {  	v52, _, _ =	vpop (xrf2);
	v36 =	vsel vm0, v42, v36;
	v24 =	vnsel vm0, $0x0, v54;
	(xrf1) =	vsort.dscd.msk.f32 $0xffff, v25, v3  }
0xb7: {  	v35 =	vsel vm0, v51, v55;
	v56, v21, _ =	vpop (xrf1);
	(xrf2) =	vadd.scan.msk.f32 $0xffff, v24  }
0xb8: {  	v57, _, _ =	vpop (xrf2);
	(xrf1) =	vsort.dscd.msk.f32 $0xffff, v35, v36  }
0xb9: {  	v13 =	vperm.xlane v13, v4;
	v12 =	vperm.xlane v12, v4;
	v25, v39, _ =	vpop (xrf1);
	(xrf1) =	vsort.dscd.msk.f32 $0xffff, v53, v1  }
0xba: {  	v35, v36, _ =	vpop (xrf1);
	(xrf1) =	vsort.dscd.msk.f32 $0xffff, v45, v0  }
0xbb: {  	v12 =	vsel vm0, v14, v12;
	v13 =	vsel vm0, v15, v13;
	v60, _, _ =	vpop (xrf2);
	(xrf1) =	vsort.dscd.msk.f32 $0xffff, v31, v2  }
0xbc: {  	v43 =	vperm.xlane v43, v4;
	v59, v58, _ =	vpop (xrf1);
	(xrf1) =	vsort.dscd.msk.f32 $0xffff, v12, v13;
	v12 =	vmin.f32 v50, $8.000000000e+01  }
0xbd: {  	v14, v15, _ =	vpop (xrf1);
	v32 =	vmul.f32 $1.442695020e+00, v12;
	v12 =	vbroadcast v52, $0xF  }
0xbe: {  	v38 =	vbroadcast v57, $0xF;
	v13, v31, _ =	vpop (xrf1)  }
0xbf: {  	v62 =	vperm.xlane v44, v4;
	v61, v46, _ =	vpop (xrf1);
	(erf) = vrcp.f32 v12;
	v12 =	vmin.f32 v56, $8.000000000e+01  }
0xc0: {  	v47, v48, _ =	vpop (xrf1);
	v50 =	vmul.f32 $1.442695020e+00, v12;
	v12 =	vsel vm0, v13, v43  }
0xc1: {  	v13 =	vperm.xlane v14, v4;
	v14 =	vperm.xlane v15, v4;
	v15 =	vsel vm0, v31, v62;
	v44, v49, _ =	vpop (xrf1)  }
0xc2: {  	v54 =	vbroadcast v60, $0xF;
	(erf) = vrcp.f32 v38;
	v38, v43, _ =	vpop (xrf1)  }
0xc3: {  	v31, _, _ =	vpop (xrf2);
	(erf) = vpow2.f32 v50;
	v14 =	vsel vm0, v58, v14  }
0xc4: {  	(xrf1) =	vsort.dscd.msk.f32 $0xffff, v12, v15;
	v13 =	vsel vm0, v59, v13;
	(erf) = vrcp.f32 v54;
	v31 =	vbroadcast v31, $0xF;
	v15, v12, _ =	vpop (xrf1)  }
0xc5: {  	(xrf1) =	vsort.dscd.msk.f32 $0xffff, v13, v14;
	v13 =	vsel vm0, v28, v27;
	v27 =	vperm.xlane v61, v4;
	v55, v56, _ =	vpop (xrf1);
	v15 =	vmin.f32 v15, $8.000000000e+01  }
0xc6: {  	(erf) = vpow2.f32 v32;
	v14, v28, _ =	vpop (xrf1)  }
0xc7: {  	v57 =	vld [tilespmem:s23+$0xFFFFFF00];
	(xrf1) =	vsort.dscd.msk.f32 $0xffff, v29, v13;
	(erf) = vrcp.f32 v31;
	v31 =	vperm.xlane v41, v4;
	v32, v33, _ =	vpop (xrf1)  }
0xc8: {  	v63 =	vperm.xlane v40, v4;
	v13 =	vmul.f32 $1.442695020e+00, v15;
	v15, v29, _ =	vpop (xrf1)  }
0xc9: {  	v34 =	vsel vm0, v55, v27;
	v27 =	vpop (erf)  }
0xca: {  	v25 =	vsel vm0, v25, v63;
	v59, v60, _ =	vpop (xrf1)  }
0xcb: {  	v58 =	vperm.xlane v46, v4;
	v63 =	vsel vm0, v39, v31;
	(erf) = vpow2.f32 v13;
	v31 =	vpop (erf)  }
0xcc: {  	v36 =	vperm.xlane v36, v4;
	v35 =	vperm.xlane v35, v4;
	(xrf1) =	vsort.dscd.msk.f32 $0xffff, v57, v0;
	v61, v51, _ =	vpop (xrf1)  }
0xcd: {  	v40 =	vsel vm0, v56, v58;
	v62, v13, _ =	vpop (xrf1)  }
0xce: {  	v36 =	vsel vm0, v48, v36;
	v35 =	vsel vm0, v47, v35;
	(xrf1) =	vsort.dscd.msk.f32 $0xffff, v34, v40;
	v47 =	vpop (erf);
	v45 =	vmin.f32 v62, $8.000000000e+01  }
0xcf: {  	v30 =	vsel vm0, v30, v26;
	(xrf1) =	vsort.dscd.msk.f32 $0xffff, v25, v63;
	v15 =	vperm.xlane v15, v4;
	v26 =	vpop (erf);
	v25 =	vmul.f32 $1.442695020e+00, v45  }
0xd0: {  	v48 =	vpop (erf)  }
0xd1: {  	(xrf1) =	vsort.dscd.msk.f32 $0xffff, v35, v36;
	v15 =	vsel vm0, v59, v15;
	(erf) = vpow2.f32 v25;
	v25 =	vperm.xlane v29, v4;
	v29 =	vpop (erf)  }
0xd2: {  	(xrf1) =	vsort.dscd.msk.f32 $0xffff, v30, v17;
	v30 =	vperm.xlane v28, v4;
	v17 =	vnsel vm0, $0x0, v48;
	v35, v36, _ =	vpop (xrf1)  }
0xd3: {  	v50 =	vperm.xlane v49, v4;
	v14 =	vperm.xlane v14, v4;
	(xrf2) =	vadd.scan.msk.f32 $0xffff, v17;
	v25 =	vsel vm0, v60, v25;
	v37, v39, _ =	vpop (xrf1)  }
0xd4: {  	v28 =	vnsel vm0, $0x0, v47;
	v30 =	vsel vm0, v51, v30;
	v51 =	vperm.xlane v44, v4;
	(xrf1) =	vsort.dscd.msk.f32 $0xffff, v15, v25;
	v15 =	vpop (erf)  }
0xd5: {  	v14 =	vsel vm0, v61, v14;
	(xrf2) =	vadd.scan.msk.f32 $0xffff, v28;
	v25 =	vnsel vm0, $0x0, v15;
	v15, v52, _ =	vpop (xrf1)  }
0xd6: {  	(xrf1) =	vsort.dscd.msk.f32 $0xffff, v14, v30;
	v14 =	vsel vm0, v15, v51;
	v15 =	vsel vm0, v52, v50  }
0xd7: {  	(xrf1) =	vsort.dscd.msk.f32 $0xffff, v14, v15  }
0xd8: {  	(xrf2) =	vadd.scan.msk.f32 $0xffff, v25;
	_ =	sdelay $0x1  }
0xd9: {  	v30, v53, _ =	vpop (xrf1)  }
0xda: {  	v15 =	vperm.xlane v23, v4;
	v23 =	vperm.xlane v20, v4;
	v14 =	vpop (erf)  }
0xdb: {  	v40, v41, _ =	vpop (xrf1);
	v20 =	vnsel vm0, $0x0, v14  }
0xdc: {  	v22 =	vsel vm0, v22, v23;
	v15 =	vsel vm0, v19, v15;
	v54, _, _ =	vpop (xrf2);
	(xrf2) =	vadd.scan.msk.f32 $0xffff, v20  }
0xdd: {  	(xrf1) =	vsort.dscd.msk.f32 $0xffff, v22, v15;
	v19, v14, _ =	vpop (xrf1)  }
0xde: {  	v56, _, _ =	vpop (xrf2)  }
0xdf: {  	v22, v23, _ =	vpop (xrf1)  }
0xe0: {  	v42 =	vbroadcast v54, $0xF;
	v19 =	vmin.f32 v19, $8.000000000e+01;
	v55, v15, _ =	vpop (xrf1)  }
0xe1: {  	v38 =	vperm.xlane v38, v4;
	v43 =	vperm.xlane v43, v4;
	v58, _, _ =	vpop (xrf2)  }
0xe2: {  	v45 =	vbroadcast v56, $0xF;
	(erf) = vrcp.f32 v42;
	v44 =	vmin.f32 v55, $8.000000000e+01;
	v60, v59, _ =	vpop (xrf1)  }
0xe3: {  	v61 =	vmul.f32 $1.442695020e+00, v19;
	v57 =	vmul.f32 $1.442695020e+00, v44;
	v63, v62, _ =	vpop (xrf1)  }
0xe4: {  	v30 =	vsel vm0, v30, v38;
	(erf) = vrcp.f32 v45;
	v44 =	vbroadcast v58, $0xF;
	v52, v19, _ =	vpop (xrf1)  }
0xe5: {  	v55 =	vperm.xlane v22, v4;
	(erf) = vpow2.f32 v57;
	v54 =	vmin.f32 v52, $8.000000000e+01  }
0xe6: {  	v34 =	vsel vm0, v53, v43;
	(erf) = vrcp.f32 v44;
	v51, _, _ =	vpop (xrf2);
	v22 =	vmul.f32 $1.442695020e+00, v54  }
0xe7: {  	(xrf1) =	vsort.dscd.msk.f32 $0xffff, v30, v34;
	v53 =	vbroadcast v51, $0xF  }
0xe8: {  	(erf) = vpow2.f32 v61  }
0xe9: {  	(erf) = vrcp.f32 v53  }
0xea: {  	v23 =	vperm.xlane v23, v4;
	(erf) = vpow2.f32 v22  }
0xeb: {  	v30 =	vperm.xlane v32, v4;
	v56 =	vperm.xlane v33, v4;
	v57, v22, _ =	vpop (xrf1)  }
0xec: {  	v38 =	vsel vm0, v60, v55;
	v23 =	vsel vm0, v59, v23;
	v34 =	vpop (erf);
	v33 =	vmin.f32 v57, $8.000000000e+01  }
0xed: {  	v30 =	vsel vm0, v35, v30;
	v32 =	vsel vm0, v36, v56;
	(xrf1) =	vsort.dscd.msk.f32 $0xffff, v38, v23;
	v43 =	vpop (erf);
	v23 =	vmul.f32 $1.442695020e+00, v33  }
0xee: {  	(xrf1) =	vsort.dscd.msk.f32 $0xffff, v30, v32;
	v58 =	vpop (erf)  }
0xef: {  	v35 =	vpop (erf);
	(erf) = vpow2.f32 v23;
	_ =	sdelay $0x1  }
0xf0: {  	v23 =	vpop (erf)  }
0xf1: {  	v23 =	vnsel vm0, $0x0, v23;
	v32 =	vpop (erf)  }
0xf2: {  	v30 =	vnsel vm0, $0x0, v58;
	(xrf2) =	vadd.scan.msk.f32 $0xffff, v23;
	v60 =	vpop (erf)  }
0xf3: {  	v59 =	vperm.xlane v62, v4;
	v61 =	vperm.xlane v63, v4;
	(xrf2) =	vadd.scan.msk.f32 $0xffff, v30;
	v36 =	vnsel vm0, $0x0, v60  }
0xf4: {  	v39 =	vperm.xlane v39, v4;
	v37 =	vperm.xlane v37, v4;
	v63, v62, _ =	vpop (xrf1);
	(xrf2) =	vadd.scan.msk.f32 $0xffff, v36  }
0xf5: {  	v38 =	vsel vm0, v63, v61;
	v33 =	vsel vm0, v62, v59  }
0xf6: {  	v47 =	vsel vm0, v40, v37;
	v48 =	vsel vm0, v41, v39;
	(xrf1) =	vsort.dscd.msk.f32 $0xffff, v38, v33  }
0xf7: {  	(xrf1) =	vsort.dscd.msk.f32 $0xffff, v47, v48;
	v49 =	vpop (erf)  }
0xf8: {  	v33 =	vnsel vm0, $0x0, v49  }
0xf9: {  	(xrf2) =	vadd.scan.msk.f32 $0xffff, v33  }
0xfa: {  	v50, v38, _ =	vpop (xrf1)  }
0xfb: {  	v52, v41, _ =	vpop (xrf1)  }
0xfc: {  	v51, _, _ =	vpop (xrf2)  }
0xfd: {  	v40 =	vmin.f32 v52, $8.000000000e+01;
	v39 =	vbroadcast v51, $0xF;
	v53, _, _ =	vpop (xrf2)  }
0xfe: {  	v54 =	vmul.f32 $1.442695020e+00, v40;
	v42 =	vbroadcast v53, $0xF;
	v55, _, _ =	vpop (xrf2)  }
0xff: {  	(erf) = vrcp.f32 v39;
	v40 =	vbroadcast v55, $0xF  }
0x100: {  	v37 =	vmin.f32 v50, $8.000000000e+01;
	(erf) = vrcp.f32 v42  }
0x101: {  	v37 =	vmul.f32 $1.442695020e+00, v37;
	(erf) = vpow2.f32 v54  }
0x102: {  	(erf) = vrcp.f32 v40  }
0x103: {  	v56, _, _ =	vpop (xrf2);
	(erf) = vpow2.f32 v37  }
0x104: {  	v57, v40, _ =	vpop (xrf1)  }
0x105: {  	v39 =	vbroadcast v56, $0xF;
	v37 =	vmin.f32 v57, $8.000000000e+01;
	v59, v58, _ =	vpop (xrf1)  }
0x106: {  	v37 =	vmul.f32 $1.442695020e+00, v37;
	v42 =	vmin.f32 v59, $8.000000000e+01  }
0x107: {  	(erf) = vrcp.f32 v39;
	v60 =	vmul.f32 $1.442695020e+00, v42  }
0x108: {  	v61 =	vpop (erf);
	(erf) = vpow2.f32 v37  }
0x109: {  	v52 =	vor.u32 s21, v5;
	v62 =	vpop (erf);
	(erf) = vpow2.f32 v60  }
0x10a: {  	v63 =	vpop (erf)  }
0x10b: {  	v54 =	vor.u32 s19, v5;
	v53 =	vpop (erf)  }
0x10c: {  	v9 =	vmul.f32 v31, v9;
	v55 =	vpop (erf)  }
0x10d: {  	v11 =	vmul.f32 v27, v11;
	v31 =	vnsel vm0, $0x0, v55  }
0x10e: {  	[tilespmem:v52+s11+$0x0] =	vst.idx.msk $0xff, v9;
	v9 =	vor.u32 s22, v5;
	v27 =	vnsel vm0, $0x0, v63;
	(xrf2) =	vadd.scan.msk.f32 $0xffff, v31  }
0x10f: {  	[tilespmem:v52+s12+$0x0] =	vst.idx.msk $0xff, v7;
	(xrf2) =	vadd.scan.msk.f32 $0xffff, v27  }
0x110: {  	[tilespmem:v54+s11+$0x0] =	vst.idx.msk $0xff, v11;
	v11 =	vor.u32 s18, v5;
	v56 =	vpop (erf)  }
0x111: {  	[tilespmem:v54+s12+$0x0] =	vst.idx.msk $0xff, v6;
	v6 =	vmul.f32 v26, v10;
	v7 =	vpop (erf)  }
0x112: {  	v24 =	vmul.f32 v29, v24;
	v26 =	vor.u32 s17, v5;
	v7 =	vnsel vm0, $0x0, v7;
	v10 =	vpop (erf)  }
0x113: {  	[tilespmem:v9+s11+$0x0] =	vst.idx.msk $0xff, v6;
	v6 =	vor.u32 s16, v5;
	(xrf2) =	vadd.scan.msk.f32 $0xffff, v7;
	v10 =	vnsel vm0, $0x0, v10  }
0x114: {  	[tilespmem:v9+s12+$0x0] =	vst.idx.msk $0xff, v8;
	(xrf2) =	vadd.scan.msk.f32 $0xffff, v10  }
0x115: {  	v8 =	vmul.f32 v43, v28;
	[tilespmem:v11+s11+$0x0] =	vst.idx.msk $0xff, v24  }
0x116: {  	v9 =	vmul.f32 v34, v17;
	[tilespmem:v11+s12+$0x0] =	vst.idx.msk $0xff, v16  }
0x117: {  	v11 =	vor.u32 s20, v5;
	[tilespmem:v26+s11+$0x0] =	vst.idx.msk $0xff, v8  }
0x118: {  	v8 =	vor.u32 s15, v5;
	[tilespmem:v6+s11+$0x0] =	vst.idx.msk $0xff, v9;
	v16, _, _ =	vpop (xrf2)  }
0x119: {  	s14 =	sadd.s32 $0x20, s14;
	[tilespmem:v6+s12+$0x0] =	vst.idx.msk $0xff, v18;
	v6 =	vmul.f32 v32, v20;
	v9 =	vbroadcast v16, $0xF;
	v16, _, _ =	vpop (xrf2)  }
0x11a: {  	s22 =	sadd.s32 $0x18, s14;
	v17 =	vmul.f32 v35, v25;
	v16 =	vbroadcast v16, $0xF  }
0x11b: {  	s23 =	sadd.s32 $0x10, s14;
	[tilespmem:v26+s12+$0x0] =	vst.idx.msk $0xff, v21;
	v18 =	vor.u32 s22, v5;
	(erf) = vrcp.f32 v9  }
0x11c: {  	[tilespmem:v11+s11+$0x0] =	vst.idx.msk $0xff, v17;
	v9 =	vor.u32 s23, v5;
	(erf) = vrcp.f32 v16  }
0x11d: {  	[tilespmem:v8+s11+$0x0] =	vst.idx.msk $0xff, v6;
	v6, _, _ =	vpop (xrf2)  }
0x11e: {  	[tilespmem:v11+s12+$0x0] =	vst.idx.msk $0xff, v12;
	v11 =	vmul.f32 v62, v30;
	v6 =	vbroadcast v6, $0xF;
	v12, _, _ =	vpop (xrf2)  }
0x11f: {  	s24 =	sadd.s32 $0x8, s14;
	[tilespmem:v8+s12+$0x0] =	vst.idx.msk $0xff, v13;
	v8 =	vmul.f32 v61, v23;
	v13 =	vor.u32 s14, v5;
	v12 =	vbroadcast v12, $0xF  }
0x120: {  	[tilespmem:v18+s11+$0x0] =	vst.idx.msk $0xff, v11;
	v11 =	vor.u32 s24, v5;
	(erf) = vrcp.f32 v6;
	v6 =	vmul.f32 v53, v36  }
0x121: {  	s14 =	sadd.s32 $0x20, s14;
	[tilespmem:v9+s11+$0x0] =	vst.idx.msk $0xff, v8;
	v8 =	vmul.f32 v56, v33;
	(erf) = vrcp.f32 v12  }
0x122: {  	s25 =	sadd.s32 $0x18, s14;
	[tilespmem:v18+s12+$0x0] =	vst.idx.msk $0xff, v15  }
0x123: {  	s26 =	sadd.s32 $0x10, s14;
	[tilespmem:v9+s12+$0x0] =	vst.idx.msk $0xff, v14;
	v9 =	vor.u32 s25, v5  }
0x124: {  	v12 =	vor.u32 s26, v5;
	[tilespmem:v13+s11+$0x0] =	vst.idx.msk $0xff, v6;
	v6 =	vpop (erf)  }
0x125: {  	[tilespmem:v11+s11+$0x0] =	vst.idx.msk $0xff, v8;
	v8 =	vpop (erf);
	v6 =	vmul.f32 v6, v31  }
0x126: {  	[tilespmem:v13+s12+$0x0] =	vst.idx.msk $0xff, v19;
	v8 =	vmul.f32 v8, v27  }
0x127: {  	s28 =	sadd.s32 $0x8, s14;
	[tilespmem:v11+s12+$0x0] =	vst.idx.msk $0xff, v22;
	v11 =	vor.u32 s14, v5  }
0x128: {  	[tilespmem:v9+s11+$0x0] =	vst.idx.msk $0xff, v8;
	v8 =	vor.u32 s28, v5  }
0x129: {  	[tilespmem:v12+s11+$0x0] =	vst.idx.msk $0xff, v6;
	v6 =	vpop (erf)  }
0x12a: {  	[tilespmem:v12+s12+$0x0] =	vst.idx.msk $0xff, v38;
	v6 =	vmul.f32 v6, v7;
	v7 =	vpop (erf)  }
0x12b: {  	[tilespmem:v9+s12+$0x0] =	vst.idx.msk $0xff, v41;
	v7 =	vmul.f32 v7, v10  }
0x12c: {  	[tilespmem:v11+s11+$0x0] =	vst.idx.msk $0xff, v6  }
0x12d: {  	[tilespmem:v8+s11+$0x0] =	vst.idx.msk $0xff, v7  }
0x12e: {  	[tilespmem:v11+s12+$0x0] =	vst.idx.msk $0xff, v40  }
0x12f: {  	[tilespmem:v8+s12+$0x0] =	vst.idx.msk $0xff, v58  }
0x130: {  	[tilespmem:s2], [sflag:$0x1] =	stream.linear.gather [hbm4b:s4+s2], $0x4000, $0x38;
	[tilespmem:$0x6000] =	vst v63  }
0x131: {  	_ =	swait.ge [sflag:s10], $0x4000  }
0x132: {  	[sflag:s10] =	ssyncset.done $0x0  }
0x133: {  	s29 =	simm.s32 $0x100;
	[sflag:s10] =	ssyncadd.s32 $0xFFFFC000  }
0x134: {  	v6 =	vld [tilespmem:s29+$0xB0];
	_ =	sdelay $0x1  }
0x135: {  	v7 =	vld [tilespmem:s29+$0xA0];
	_ =	sdelay $0x2  }
0x136: {  	(xrf1) =	vsort.dscd.msk.f32 $0xffff, v6, v3;
	_ =	sdelay $0x1  }
0x137: {  	v6 =	vld [tilespmem:s29+$0x90];
	(xrf1) =	vsort.dscd.msk.f32 $0xffff, v7, v2  }
0x138: {  	v7 =	vld [tilespmem:s29+$0x30]  }
0x139: {  	v8 =	vld [tilespmem:s29+$0xFFFFFFA0]  }
0x13a: {  	v9 =	vld [tilespmem:s29+$0xFFFFFFB0];
	_ =	sdelay $0x1  }
0x13b: {  	v10 =	vld [tilespmem:s29+$0x80];
	(xrf1) =	vsort.dscd.msk.f32 $0xffff, v6, v1  }
0x13c: {  	v6 =	vld [tilespmem:s29+$0xFFFFFF90];
	(xrf1) =	vsort.dscd.msk.f32 $0xffff, v7, v3  }
0x13d: {  	(xrf1) =	vsort.dscd.msk.f32 $0xffff, v8, v2  }
0x13e: {  	v7 =	vld [tilespmem:s29+$0x20];
	(xrf1) =	vsort.dscd.msk.f32 $0xffff, v9, v3  }
0x13f: {  	v8 =	vld [tilespmem:s29+$0xFFFFFF10]  }
0x140: {  	v9 =	vld [tilespmem:s29+$0xFFFFFF80];
	(xrf1) =	vsort.dscd.msk.f32 $0xffff, v10, v0  }
0x141: {  	(xrf1) =	vsort.dscd.msk.f32 $0xffff, v6, v1  }
0x142: {  	v11 =	vld [tilespmem:s29+$0xFFFFFF30];
	v6, v10, _ =	vpop (xrf1)  }
0x143: {  	(xrf1) =	vsort.dscd.msk.f32 $0xffff, v7, v2;
	v7 =	vperm.xlane v10, v4  }
0x144: {  	v12 =	vld [tilespmem:s29+$0x10];
	(xrf1) =	vsort.dscd.msk.f32 $0xffff, v8, v1;
	v6 =	vperm.xlane v6, v4;
	v8, v10, _ =	vpop (xrf1)  }
0x145: {  	(xrf1) =	vsort.dscd.msk.f32 $0xffff, v9, v0;
	v7 =	vsel vm0, v10, v7  }
0x146: {  	v13 =	vld [tilespmem:s29+$0x0];
	v6 =	vsel vm0, v8, v6  }
0x147: {  	(xrf1) =	vsort.dscd.msk.f32 $0xffff, v11, v3  }
0x148: {  	(xrf1) =	vsort.dscd.msk.f32 $0xffff, v6, v7  }
0x149: {  	(xrf1) =	vsort.dscd.msk.f32 $0xffff, v12, v1;
	v6, v7, _ =	vpop (xrf1)  }
0x14a: {  	v9, v10, _ =	vpop (xrf1)  }
0x14b: {  	v8 =	vld [tilespmem:s29+$0xFFFFFF20];
	(xrf1) =	vsort.dscd.msk.f32 $0xffff, v13, v0;
	v11, v12, _ =	vpop (xrf1)  }
0x14c: {  	v13, v14, _ =	vpop (xrf1)  }
0x14d: {  	v13 =	vperm.xlane v13, v4  }
0x14e: {  	v16, v17, _ =	vpop (xrf1);
	v14 =	vperm.xlane v14, v4  }
0x14f: {  	v7 =	vperm.xlane v7, v4;
	v6 =	vperm.xlane v6, v4;
	v18, v19, _ =	vpop (xrf1);
	v11 =	vsel vm0, v11, v13  }
0x150: {  	v15 =	vld [tilespmem:s29+$0xFFFFFF00];
	(xrf1) =	vsort.dscd.msk.f32 $0xffff, v8, v2;
	v12 =	vsel vm0, v12, v14;
	v14 =	vperm.xlane v18, v4  }
0x151: {  	s30 =	simm.s32 $0x300;
	v6 =	vsel vm0, v16, v6;
	v7 =	vsel vm0, v17, v7;
	v8 =	vperm.xlane v19, v4;
	v13, v19, _ =	vpop (xrf1)  }
0x152: {  	v16 =	vld [tilespmem:s30+$0xB0];
	(xrf1) =	vsort.dscd.msk.f32 $0xffff, v6, v7;
	v17, v18, _ =	vpop (xrf1)  }
0x153: {  	v6 =	vperm.xlane v10, v4;
	(xrf1) =	vsort.dscd.msk.f32 $0xffff, v11, v12;
	v10, v11, _ =	vpop (xrf1)  }
0x154: {  	v7 =	vld [tilespmem:s30+$0xA0];
	v10 =	vsel vm0, v10, v14  }
0x155: {  	v9 =	vperm.xlane v9, v4;
	(xrf1) =	vsort.dscd.msk.f32 $0xffff, v15, v0;
	v8 =	vsel vm0, v11, v8;
	v11 =	vld [tilespmem:s30+$0x90];
	v12, v14, _ =	vpop (xrf1)  }
0x156: {  	(xrf1) =	vsort.dscd.msk.f32 $0xffff, v10, v8;
	v15, v20, _ =	vpop (xrf1)  }
0x157: {  	v6 =	vsel vm0, v19, v6;
	v9 =	vsel vm0, v13, v9;
	v8 =	vld [tilespmem:s30+$0x30];
	(xrf1) =	vsort.dscd.msk.f32 $0xffff, v16, v3;
	v10, v13, _ =	vpop (xrf1)  }
0x158: {  	v16 =	vld [tilespmem:s30+$0xFFFFFFA0];
	(xrf1) =	vsort.dscd.msk.f32 $0xffff, v9, v6;
	v6 =	vperm.xlane v10, v4;
	v9 =	vperm.xlane v13, v4  }
0x159: {  	v10 =	vld [tilespmem:s30+$0xFFFFFFB0];
	(xrf1) =	vsort.dscd.msk.f32 $0xffff, v7, v2;
	v7, v13, _ =	vpop (xrf1)  }
0x15a: {  	(xrf1) =	vsort.dscd.msk.f32 $0xffff, v11, v1;
	v9 =	vsel vm0, v13, v9;
	v6 =	vsel vm0, v7, v6  }
0x15b: {  	(xrf1) =	vsort.dscd.msk.f32 $0xffff, v6, v9  }
0x15c: {  	v7 =	vld [tilespmem:s30+$0x80];
	(xrf1) =	vsort.dscd.msk.f32 $0xffff, v8, v3  }
0x15d: {  	v6 =	vld [tilespmem:s30+$0xFFFFFF90];
	(xrf1) =	vsort.dscd.msk.f32 $0xffff, v16, v2  }
0x15e: {  	v8 =	vld [tilespmem:s30+$0x20];
	(xrf1) =	vsort.dscd.msk.f32 $0xffff, v10, v3;
	v10 =	vperm.xlane v12, v4  }
0x15f: {  	v9 =	vperm.xlane v14, v4  }
0x160: {  	v13 =	vld [tilespmem:s30+$0xFFFFFF10];
	v11, v12, _ =	vpop (xrf1)  }
0x161: {  	v14 =	vld [tilespmem:s30+$0xFFFFFF80];
	(xrf1) =	vsort.dscd.msk.f32 $0xffff, v7, v0;
	v7, v16, _ =	vpop (xrf1);
	v9 =	vsel vm0, v12, v9  }
0x162: {  	(xrf1) =	vsort.dscd.msk.f32 $0xffff, v6, v1;
	v6 =	vsel vm0, v11, v10;
	v10, v11, _ =	vpop (xrf1)  }
0x163: {  	(xrf1) =	vsort.dscd.msk.f32 $0xffff, v8, v2;
	v19, v21, _ =	vpop (xrf1)  }
0x164: {  	(xrf1) =	vsort.dscd.msk.f32 $0xffff, v6, v9;
	v9, v8, _ =	vpop (xrf1)  }
0x165: {  	(xrf1) =	vsort.dscd.msk.f32 $0xffff, v13, v1;
	v6, v13, _ =	vpop (xrf1)  }
0x166: {  	v12 =	vld [tilespmem:s30+$0xFFFFFF30];
	(xrf1) =	vsort.dscd.msk.f32 $0xffff, v14, v0;
	v13 =	vperm.xlane v13, v4;
	v14, v23, _ =	vpop (xrf1)  }
0x167: {  	v6 =	vperm.xlane v6, v4;
	v24, v25, _ =	vpop (xrf1)  }
0x168: {  	v22 =	vld [tilespmem:s30+$0x10];
	v13 =	vsel vm0, v25, v13  }
0x169: {  	v6 =	vsel vm0, v24, v6  }
0x16a: {  	v26 =	vld [tilespmem:s30+$0x0];
	v24, v25, _ =	vpop (xrf1)  }
0x16b: {  	(xrf1) =	vsort.dscd.msk.f32 $0xffff, v12, v3;
	v12, v27, _ =	vpop (xrf1)  }
0x16c: {  	(xrf1) =	vsort.dscd.msk.f32 $0xffff, v6, v13;
	v6, v13, _ =	vpop (xrf1)  }
0x16d: {  	(xrf1) =	vsort.dscd.msk.f32 $0xffff, v22, v1;
	v22 =	vld [tilespmem:s30+$0xFFFFFF20];
	v28, v29, _ =	vpop (xrf1)  }
0x16e: {  	v17 =	vperm.xlane v17, v4;
	v18 =	vperm.xlane v18, v4;
	v30, v31, _ =	vpop (xrf1)  }
0x16f: {  	(xrf1) =	vsort.dscd.msk.f32 $0xffff, v26, v0;
	v26 =	vperm.xlane v30, v4;
	v31 =	vperm.xlane v31, v4  }
0x170: {  	v25 =	vperm.xlane v25, v4;
	v24 =	vperm.xlane v24, v4;
	v30, v57, _ =	vpop (xrf1)  }
0x171: {  	v17 =	vsel vm0, v19, v17;
	v19 =	vld [tilespmem:s30+$0xFFFFFF00];
	v18 =	vsel vm0, v21, v18;
	v59, v58, _ =	vpop (xrf1);
	v26 =	vsel vm0, v28, v26  }
0x172: {  	s31 =	simm.s32 $0x500;
	(xrf1) =	vsort.dscd.msk.f32 $0xffff, v22, v2;
	v24 =	vsel vm0, v30, v24;
	v25 =	vsel vm0, v57, v25;
	v22, v28, _ =	vpop (xrf1)  }
0x173: {  	v21 =	vperm.xlane v23, v4;
	v29 =	vsel vm0, v29, v31;
	(xrf1) =	vsort.dscd.msk.f32 $0xffff, v24, v25;
	v24 =	vld [tilespmem:s31+$0xB0];
	v31, v60, _ =	vpop (xrf1)  }
0x174: {  	v30 =	vperm.xlane v58, v4;
	v25 =	vperm.xlane v59, v4;
	(xrf1) =	vsort.dscd.msk.f32 $0xffff, v26, v29;
	v62, v61, _ =	vpop (xrf1)  }
0x175: {  	v14 =	vperm.xlane v14, v4;
	(xrf1) =	vsort.dscd.msk.f32 $0xffff, v17, v18;
	v23, v26, _ =	vpop (xrf1)  }
0x176: {  	v17 =	vld [tilespmem:s31+$0xA0];
	(xrf1) =	vsort.dscd.msk.f32 $0xffff, v19, v0;
	v18 =	vsel vm0, v23, v25;
	v23 =	vsel vm0, v26, v30  }
0x177: {  	v13 =	vperm.xlane v13, v4;
	v6 =	vperm.xlane v6, v4;
	(xrf1) =	vsort.dscd.msk.f32 $0xffff, v18, v23  }
0x178: {  	v12 =	vsel vm0, v12, v14;
	v14 =	vsel vm0, v27, v21;
	v19 =	vld [tilespmem:s31+$0x90];
	(xrf1) =	vsort.dscd.msk.f32 $0xffff, v24, v3  }
0x179: {  	v13 =	vsel vm0, v28, v13;
	v6 =	vsel vm0, v22, v6;
	v18, v21, _ =	vpop (xrf1);
	(xrf1) =	vsort.dscd.msk.f32 $0xffff, v12, v14  }
0x17a: {  	v23, v24, _ =	vpop (xrf1);
	(xrf1) =	vsort.dscd.msk.f32 $0xffff, v6, v13  }
0x17b: {  	v12 =	vperm.xlane v15, v4;
	v14 =	vperm.xlane v20, v4;
	v15 =	vld [tilespmem:s31+$0x30];
	v20, v22, _ =	vpop (xrf1);
	(xrf1) =	vsort.dscd.msk.f32 $0xffff, v17, v2  }
0x17c: {  	v6 =	vld [tilespmem:s31+$0xFFFFFFA0];
	v13 =	vperm.xlane v20, v4;
	v17 =	vperm.xlane v22, v4  }
0x17d: {  	v14 =	vsel vm0, v16, v14;
	v7 =	vsel vm0, v7, v12;
	v12 =	vld [tilespmem:s31+$0xFFFFFFB0];
	(xrf1) =	vsort.dscd.msk.f32 $0xffff, v19, v1;
	v16, v20, _ =	vpop (xrf1)  }
0x17e: {  	(xrf1) =	vsort.dscd.msk.f32 $0xffff, v7, v14;
	v7 =	vld [tilespmem:s31+$0x80];
	v17 =	vsel vm0, v20, v17;
	v13 =	vsel vm0, v16, v13  }
0x17f: {  	v14 =	vld [tilespmem:s31+$0xFFFFFF90];
	(xrf1) =	vsort.dscd.msk.f32 $0xffff, v13, v17  }
0x180: {  	v18 =	vperm.xlane v18, v4;
	v17 =	vld [tilespmem:s31+$0x20];
	(xrf1) =	vsort.dscd.msk.f32 $0xffff, v15, v3;
	v15, v16, _ =	vpop (xrf1)  }
0x181: {  	(xrf1) =	vsort.dscd.msk.f32 $0xffff, v6, v2;
	v19, v20, _ =	vpop (xrf1);
	v6 =	vperm.xlane v21, v4  }
0x182: {  	v21 =	vld [tilespmem:s31+$0xFFFFFF10];
	(xrf1) =	vsort.dscd.msk.f32 $0xffff, v12, v3;
	v12, v13, _ =	vpop (xrf1)  }
0x183: {  	v28 =	vperm.xlane v31, v4;
	v22, v25, _ =	vpop (xrf1);
	(xrf1) =	vsort.dscd.msk.f32 $0xffff, v7, v0;
	v6 =	vsel vm0, v16, v6  }
0x184: {  	v27 =	vperm.xlane v60, v4;
	v7 =	vsel vm0, v15, v18;
	v16 =	vld [tilespmem:s31+$0xFFFFFF80];
	v18, v26, _ =	vpop (xrf1);
	(xrf1) =	vsort.dscd.msk.f32 $0xffff, v14, v1  }
0x185: {  	v14, v15, _ =	vpop (xrf1);
	(xrf1) =	vsort.dscd.msk.f32 $0xffff, v17, v2  }
0x186: {  	v17, v29, _ =	vpop (xrf1);
	(xrf1) =	vsort.dscd.msk.f32 $0xffff, v7, v6;
	v7 =	vsel vm0, v22, v28;
	v22 =	vsel vm0, v25, v27  }
0x187: {  	v25, v6, _ =	vpop (xrf1);
	(xrf1) =	vsort.dscd.msk.f32 $0xffff, v21, v1  }
0x188: {  	v21 =	vld [tilespmem:s31+$0xFFFFFF30];
	v27, v28, _ =	vpop (xrf1);
	(xrf1) =	vsort.dscd.msk.f32 $0xffff, v7, v22  }
0x189: {  	v22, v30, _ =	vpop (xrf1);
	(xrf1) =	vsort.dscd.msk.f32 $0xffff, v16, v0  }
0x18a: {  	v63 =	vld [tilespmem:s31+$0x10]  }
0x18b: {  	v17 =	vperm.xlane v17, v4;
	v29 =	vperm.xlane v29, v4;
	v16, v31, _ =	vpop (xrf1)  }
0x18c: {  	v44 =	vld [tilespmem:s31+$0x0];
	v45, v7, _ =	vpop (xrf1)  }
0x18d: {  	v17 =	vsel vm0, v22, v17;
	v22 =	vsel vm0, v30, v29;
	v48, v47, _ =	vpop (xrf1);
	(xrf1) =	vsort.dscd.msk.f32 $0xffff, v21, v3  }
0x18e: {  	v46 =	vld [tilespmem:s31+$0xFFFFFF20];
	v11 =	vperm.xlane v11, v4;
	v10 =	vperm.xlane v10, v4;
	v29 =	vmin.f32 v45, $8.000000000e+01;
	v30, v49, _ =	vpop (xrf1);
	(xrf1) =	vsort.dscd.msk.f32 $0xffff, v17, v22  }
0x18f: {  	v16 =	vperm.xlane v16, v4;
	v29 =	vmul.f32 $1.442695020e+00, v29;
	v51, v50, _ =	vpop (xrf1);
	(xrf1) =	vsort.dscd.msk.f32 $0xffff, v63, v1  }
0x190: {  	v21 =	vperm.xlane v62, v4;
	v17 =	vperm.xlane v31, v4;
	v22, v31, _ =	vpop (xrf1)  }
0x191: {  	v9 =	vsel vm0, v9, v10;
	(erf) = vpow2.f32 v29;
	(xrf1) =	vsort.dscd.msk.f32 $0xffff, v44, v0;
	v52, v53, _ =	vpop (xrf1);
	v29 =	vperm.xlane v31, v4  }
0x192: {  	v8 =	vsel vm0, v8, v11;
	v10 =	vmin.f32 v25, $8.000000000e+01;
	v18 =	vsel vm0, v18, v21;
	v31, v54, _ =	vpop (xrf1)  }
0x193: {  	v10 =	vmul.f32 $1.442695020e+00, v10;
	v22 =	vperm.xlane v22, v4;
	(xrf1) =	vsort.dscd.msk.f32 $0xffff, v46, v2;
	v16 =	vsel vm0, v52, v16;
	v25, v55, _ =	vpop (xrf1)  }
0x194: {  	v11 =	vld [tilespmem:s31+$0xFFFFFF00];
	v17 =	vsel vm0, v53, v17;
	(xrf1) =	vsort.dscd.msk.f32 $0xffff, v9, v8;
	v9 =	vperm.xlane v61, v4;
	v21, v56, _ =	vpop (xrf1)  }
0x195: {  	s23 =	simm.s32 $0x700;
	(erf) = vpow2.f32 v10;
	(xrf1) =	vsort.dscd.msk.f32 $0xffff, v16, v17;
	v16 =	vsel vm0, v51, v22;
	v22 =	vsel vm0, v50, v29;
	v29, v40, _ =	vpop (xrf1)  }
0x196: {  	v17 =	vperm.xlane v54, v4;
	v31 =	vperm.xlane v31, v4;
	v57, v8, _ =	vpop (xrf1);
	(xrf1) =	vsort.dscd.msk.f32 $0xffff, v16, v22;
	v22 =	vld [tilespmem:s23+$0xB0]  }
0x197: {  	v9 =	vsel vm0, v26, v9;
	v16 =	vperm.xlane v23, v4;
	v23 =	vmin.f32 v57, $8.000000000e+01;
	v10, v26, _ =	vpop (xrf1)  }
0x198: {  	(xrf1) =	vsort.dscd.msk.f32 $0xffff, v18, v9;
	v18 =	vperm.xlane v27, v4;
	v9 =	vsel vm0, v10, v31  }
0x199: {  	v10 =	vsel vm0, v26, v17;
	(xrf1) =	vsort.dscd.msk.f32 $0xffff, v11, v0;
	v11 =	vmul.f32 $1.442695020e+00, v23;
	v17 =	vperm.xlane v24, v4  }
0x19a: {  	v24 =	vperm.xlane v30, v4;
	(xrf1) =	vsort.dscd.msk.f32 $0xffff, v9, v10;
	v9 =	vperm.xlane v28, v4;
	v10 =	vld [tilespmem:s23+$0xA0];
	v23 =	vpop (erf)  }
0x19b: {  	(erf) = vpow2.f32 v11;
	v11 =	vperm.xlane v49, v4;
	v27, v28, _ =	vpop (xrf1);
	(xrf1) =	vsort.dscd.msk.f32 $0xffff, v22, v3  }
0x19c: {  	v26 =	vld [tilespmem:s23+$0x90];
	v18 =	vsel vm0, v48, v18;
	v9 =	vsel vm0, v47, v9;
	v22, v30, _ =	vpop (xrf1)  }
0x19d: {  	v24 =	vsel vm0, v25, v24;
	v11 =	vsel vm0, v55, v11;
	v25, v31, _ =	vpop (xrf1);
	(xrf1) =	vsort.dscd.msk.f32 $0xffff, v18, v9  }
0x19e: {  	(xrf1) =	vsort.dscd.msk.f32 $0xffff, v24, v11  }
0x19f: {  	v32 =	vld [tilespmem:s23+$0xFFFFFF90];
	v9 =	vsel vm0, v20, v17;
	v18, v20, _ =	vpop (xrf1);
	(xrf1) =	vsort.dscd.msk.f32 $0xffff, v10, v2  }
0x1a0: {  	v17 =	vld [tilespmem:s23+$0x30];
	v11 =	vsel vm0, v19, v16;
	v24 =	vperm.xlane v28, v4;
	v31 =	vperm.xlane v31, v4;
	v16 =	vpop (erf)  }
0x1a1: {  	v36 =	vld [tilespmem:s23+$0x80];
	v59 =	vperm.xlane v25, v4;
	v10, v28, _ =	vpop (xrf1);
	(xrf1) =	vsort.dscd.msk.f32 $0xffff, v26, v1;
	v26 =	vperm.xlane v22, v4  }
0x1a2: {  	v58 =	vld [tilespmem:s23+$0xFFFFFFA0];
	v22 =	vperm.xlane v27, v4;
	v20 =	vsel vm0, v20, v31;
	(xrf1) =	vsort.dscd.msk.f32 $0xffff, v11, v9;
	v11 =	vnsel vm0, $0x0, v16;
	v27, v16, _ =	vpop (xrf1)  }
0x1a3: {  	v60 =	vperm.xlane v30, v4;
	v19 =	vld [tilespmem:s23+$0xFFFFFFB0];
	v18 =	vsel vm0, v18, v59;
	v30, v61, _ =	vpop (xrf1);
	(xrf2) =	vadd.scan.msk.f32 $0xffff, v11  }
0x1a4: {  	v35 =	vld [tilespmem:s23+$0x20];
	v33 =	vsel vm0, v10, v22;
	(xrf1) =	vsort.dscd.msk.f32 $0xffff, v18, v20;
	v18 =	vmin.f32 v27, $8.000000000e+01;
	v22 =	vperm.xlane v29, v4;
	v10 =	vpop (erf)  }
0x1a5: {  	s21 =	simm.s32 $0x410;
	v37 =	vld [tilespmem:s23+$0xFFFFFF80];
	v21 =	vperm.xlane v21, v4;
	v9 =	vnsel vm0, $0x0, v23;
	(xrf1) =	vsort.dscd.msk.f32 $0xffff, v17, v3;
	v18 =	vmul.f32 $1.442695020e+00, v18;
	v20, v23, _ =	vpop (xrf1)  }
0x1a6: {  	s19 =	simm.s32 $0x420;
	s18 =	simm.s32 $0x408;
	s17 =	simm.s32 $0x430;
	v39 =	vld [tilespmem:s23+$0xFFFFFF10];
	v62 =	vperm.xlane v56, v4;
	v34 =	vsel vm0, v28, v24;
	v27 =	vperm.xlane v40, v4;
	(xrf2) =	vadd.scan.msk.f32 $0xffff, v9;
	v24, v63, _ =	vpop (xrf1)  }
0x1a7: {  	s16 =	simm.s32 $0x400;
	s20 =	simm.s32 $0x438;
	s15 =	simm.s32 $0x428;
	v25 =	vld [tilespmem:s23+$0xFFFFFF30];
	v17 =	vsel vm0, v61, v60;
	(xrf1) =	vsort.dscd.msk.f32 $0xffff, v58, v2;
	(erf) = vpow2.f32 v18;
	v29, v28, _ =	vpop (xrf1);
	v24 =	vsel vm0, v24, v21  }
0x1a8: {  	s22 =	simm.s32 $0x418;
	s24 =	simm.s32 $0xC;
	s14 =	simm.s32 $0x420;
	v31 =	vld [tilespmem:s23+$0xFFFFFF20];
	v10 =	vnsel vm0, $0x0, v10;
	(xrf1) =	vsort.dscd.msk.f32 $0xffff, v19, v3;
	v38 =	vsel vm0, v63, v62;
	v29 =	vsel vm0, v29, v22;
	v22, v19, _ =	vpop (xrf1)  }
.LBB2_4:
0x1a9: {  	(xrf1) =	vsort.dscd.msk.f32 $0xffff, v36, v0;
	v36, v40, _ =	vpop (xrf1)  }
0x1aa: {  	s24 =	sadd.s32 $0x4, s24;
	v21 =	vsel vm0, v30, v26;
	s14 =	sadd.s32 $0x20, s14;
	v18 =	vmov v16;
	v30 =	vperm.xlane v40, v4  }
0x1ab: {  	p0 =	slt.u32 s24, $0x7C;
	v26 =	vperm.xlane v36, v4;
	(xrf1) =	vsort.dscd.msk.f32 $0xffff, v32, v1;
	s26 =	sadd.s32 $0x10, s14;
	s28 =	sadd.s32 $0x18, s14;
	v32, v16, _ =	vpop (xrf1)  }
0x1ac: {  	s25 =	sadd.s32 $0x8, s14;
	v36 =	vld [tilespmem:s23+$0x10];
	v40, v41, _ =	vpop (xrf1);
	v32 =	vmin.f32 v32, $8.000000000e+01;
	(xrf2) =	vadd.scan.msk.f32 $0xffff, v10  }
0x1ad: {  	(xrf1) =	vsort.dscd.msk.f32 $0xffff, v35, v2;
	v35, v42, _ =	vpop (xrf1);
	v32 =	vmul.f32 $1.442695020e+00, v32  }
0x1ae: {  	v43 =	vld [tilespmem:s23+$0xFFFFFF00];
	v26 =	vsel vm0, v35, v26;
	v35 =	vsel vm0, v42, v30;
	(xrf1) =	vsort.dscd.msk.f32 $0xffff, v33, v34;
	v30, _, _ =	vpop (xrf2)  }
0x1af: {  	(xrf1) =	vsort.dscd.msk.f32 $0xffff, v39, v1;
	v33, v34, _ =	vpop (xrf1);
	v39 =	vbroadcast v30, $0xF  }
0x1b0: {  	v42 =	vld [tilespmem:s23+$0x0];
	v44 =	vpop (erf)  }
0x1b1: {  	(xrf1) =	vsort.dscd.msk.f32 $0xffff, v24, v38;
	v38, v30, _ =	vpop (xrf1);
	v24 =	vnsel vm0, $0x0, v44;
	(erf) = vrcp.f32 v39  }
0x1b2: {  	v39 =	vperm.xlane v40, v4;
	v40 =	vperm.xlane v41, v4;
	v38 =	vmin.f32 v38, $8.000000000e+01;
	v41, _, _ =	vpop (xrf2)  }
0x1b3: {  	(xrf1) =	vsort.dscd.msk.f32 $0xffff, v37, v0;
	v37, v44, _ =	vpop (xrf1);
	v38 =	vmul.f32 $1.442695020e+00, v38;
	v41 =	vbroadcast v41, $0xF  }
0x1b4: {  	v45, v46, _ =	vpop (xrf1);
	v37 =	vsel vm0, v37, v39;
	v39 =	vsel vm0, v44, v40;
	(xrf2) =	vadd.scan.msk.f32 $0xffff, v24  }
0x1b5: {  	v40 =	vperm.xlane v46, v4;
	(xrf1) =	vsort.dscd.msk.f32 $0xffff, v25, v3;
	v25, v44, _ =	vpop (xrf1)  }
0x1b6: {  	(xrf1) =	vsort.dscd.msk.f32 $0xffff, v26, v35;
	v26 =	vperm.xlane v13, v4;
	v35, _, _ =	vpop (xrf2);
	v13 =	vmov v23  }
0x1b7: {  	v23 =	vperm.xlane v34, v4;
	v34, v46, _ =	vpop (xrf1);
	(xrf1) =	vsort.dscd.msk.f32 $0xffff, v36, v1;
	(erf) = vrcp.f32 v41  }
0x1b8: {  	v34 =	vperm.xlane v34, v4;
	v49 =	vperm.xlane v46, v4;
	v41, v46, _ =	vpop (xrf1)  }
0x1b9: {  	v50 =	vperm.xlane v12, v4;
	v12 =	vmov v20;
	v47, v48, _ =	vpop (xrf1);
	(xrf1) =	vsort.dscd.msk.f32 $0xffff, v42, v0;
	(erf) = vpow2.f32 v38  }
0x1ba: {  	v20 =	vsel vm0, v25, v34;
	v25 =	vperm.xlane v33, v4;
	(xrf1) =	vsort.dscd.msk.f32 $0xffff, v31, v2;
	v31 =	vbroadcast v35, $0xF;
	v33 =	vpop (erf)  }
0x1bb: {  	v14 =	vsel vm0, v14, v50;
	v34 =	vperm.xlane v48, v4;
	v35 =	vsel vm0, v44, v49;
	v36, v38, _ =	vpop (xrf1)  }
0x1bc: {  	v23 =	vsel vm0, v46, v23;
	v46 =	vsel vm0, v15, v26;
	v25 =	vsel vm0, v41, v25;
	v41, v42, _ =	vpop (xrf1)  }
0x1bd: {  	s23 =	sadd.s32 $0x200, s23;
	v26 =	vperm.xlane v47, v4;
	v38 =	vsel vm0, v38, v40;
	v40, v44, _ =	vpop (xrf1);
	(xrf1) =	vsort.dscd.msk.f32 $0xffff, v14, v46;
	(erf) = vrcp.f32 v31  }
0x1be: {  	v11 =	vmul.f32 v33, v11;
	v14 =	vmov v22;
	v31 =	vld [tilespmem:s23+$0xA0];
	(xrf1) =	vsort.dscd.msk.f32 $0xffff, v25, v23;
	v23 =	vor.u32 s22, v5;
	v15, _, _ =	vpop (xrf2);
	s22 =	smov.u32 s20;
	s20 =	smov.u32 s28  }
0x1bf: {  	v33 =	vperm.xlane v45, v4;
	v46 =	vor.u32 s21, v5;
	s21 =	smov.u32 s17;
	s17 =	smov.u32 s26;
	v22 =	vld [tilespmem:s23+$0xB0];
	v25, v45, _ =	vpop (xrf1);
	v49 =	vbroadcast v15, $0xF  }
0x1c0: {  	v47 =	vld [tilespmem:s23+$0x30];
	(xrf1) =	vsort.dscd.msk.f32 $0xffff, v20, v35;
	v20 =	vsel vm0, v28, v27;
	v35 =	vmin.f32 v25, $8.000000000e+01;
	(erf) = vpow2.f32 v32;
	v25 =	vpop (erf)  }
0x1c1: {  	v15 =	vmov v19;
	v48 =	vld [tilespmem:s23+$0xFFFFFFB0];
	v28, v32, _ =	vpop (xrf1);
	(xrf1) =	vsort.dscd.msk.f32 $0xffff, v29, v20;
	v50 =	vmul.f32 v25, v9;
	(erf) = vrcp.f32 v49  }
0x1c2: {  	v25 =	vld [tilespmem:s23+$0xFFFFFF30];
	v9 =	vsel vm0, v28, v26;
	v49 =	vsel vm0, v32, v34;
	(xrf1) =	vsort.dscd.msk.f32 $0xffff, v43, v0;
	v26 =	vmul.f32 $1.442695020e+00, v35;
	v27 =	vpop (erf)  }
0x1c3: {  	v28 =	vld [tilespmem:s23+$0x90];
	v29, v32, _ =	vpop (xrf1);
	(xrf1) =	vsort.dscd.msk.f32 $0xffff, v9, v49;
	v9 =	vnsel vm0, $0x0, v27;
	[tilespmem:v23+s11+$0x0] =	vst.idx.msk $0xff, v50  }
0x1c4: {  	(xrf1) =	vsort.dscd.msk.f32 $0xffff, v22, v3;
	v19, v20, _ =	vpop (xrf1);
	(erf) = vpow2.f32 v26;
	[tilespmem:v46+s11+$0x0] =	vst.idx.msk $0xff, v11  }
0x1c5: {  	v27 =	vsel vm0, v36, v33;
	v11 =	vperm.xlane v32, v4;
	v22 =	vld [tilespmem:s23+$0xFFFFFFA0];
	v33, v34, _ =	vpop (xrf1);
	(xrf1) =	vsort.dscd.msk.f32 $0xffff, v37, v39  }
0x1c6: {  	v26 =	vperm.xlane v19, v4;
	v19 =	vperm.xlane v20, v4;
	v32 =	vld [tilespmem:s23+$0xFFFFFF90];
	(xrf1) =	vsort.dscd.msk.f32 $0xffff, v27, v38;
	v20 =	vpop (erf)  }
0x1c7: {  	v37 =	vperm.xlane v29, v4;
	v38 =	vor.u32 s16, v5;
	s16 =	smov.u32 s19;
	s19 =	smov.u32 s14;
	v36 =	vld [tilespmem:s23+$0x80];
	(xrf1) =	vsort.dscd.msk.f32 $0xffff, v31, v2;
	v29, v31, _ =	vpop (xrf1);
	[tilespmem:v23+s12+$0x0] =	vst.idx.msk $0xff, v7  }
0x1c8: {  	v39 =	vor.u32 s18, v5;
	s18 =	smov.u32 s15;
	s15 =	smov.u32 s25;
	v43 =	vperm.xlane v34, v4;
	v23 =	vperm.xlane v33, v4;
	v33, v34, _ =	vpop (xrf1);
	[tilespmem:v46+s12+$0x0] =	vst.idx.msk $0xff, v6  }
0x1c9: {  	v10 =	vmul.f32 v20, v10;
	v6 =	vmov v16;
	v35 =	vld [tilespmem:s23+$0x20];
	(xrf1) =	vsort.dscd.msk.f32 $0xffff, v28, v1;
	v33 =	vsel vm0, v33, v37;
	v27 =	vpop (erf)  }
0x1ca: {  	v7 =	vmov v30;
	v20 =	vsel vm0, v31, v43;
	v34 =	vsel vm0, v34, v11;
	v28 =	vpop (erf)  }
0x1cb: {  	v29 =	vsel vm0, v29, v23;
	v11 =	vnsel vm0, $0x0, v27;
	v31 =	vld [tilespmem:s23+$0xFFFFFF20];
	(xrf1) =	vsort.dscd.msk.f32 $0xffff, v21, v17;
	v17, v16, _ =	vpop (xrf1);
	v21 =	vmul.f32 v28, v24  }
0x1cc: {  	v30, v24, _ =	vpop (xrf1);
	v17 =	vmin.f32 v17, $8.000000000e+01;
	(xrf2) =	vadd.scan.msk.f32 $0xffff, v11;
	[tilespmem:v38+s11+$0x0] =	vst.idx.msk $0xff, v10  }
.Ltmp1:
0x1cd: {  	v42 =	vperm.xlane v42, v4;
	(xrf1) =	vsort.dscd.msk.f32 $0xffff, v29, v20;
	v17 =	vmul.f32 $1.442695020e+00, v17;
	v10 =	vpop (erf);
	[tilespmem:v39+s11+$0x0] =	vst.idx.msk $0xff, v21;
	(pc) =	sbr.rel @p0 .LBB2_4-.Ltmp1, $4  }
0x1ce: {  	v21 =	vperm.xlane v41, v4;
	v37 =	vld [tilespmem:s23+$0xFFFFFF80];
	(xrf1) =	vsort.dscd.msk.f32 $0xffff, v47, v3;
	v20, v23, _ =	vpop (xrf1);
	v10 =	vnsel vm0, $0x0, v10;
	[tilespmem:v38+s12+$0x0] =	vst.idx.msk $0xff, v8  }
0x1cf: {  	v40 =	vperm.xlane v40, v4;
	(xrf1) =	vsort.dscd.msk.f32 $0xffff, v22, v2;
	v22, v38, _ =	vpop (xrf1);
	(erf) = vpow2.f32 v17;
	[tilespmem:v39+s12+$0x0] =	vst.idx.msk $0xff, v18  }
0x1d0: {  	v27 =	vperm.xlane v44, v4;
	v17 =	vsel vm0, v24, v19;
	v18, v28, _ =	vpop (xrf1);
	v24 =	vsel vm0, v22, v21;
	(xrf2) =	vadd.scan.msk.f32 $0xffff, v9  }
0x1d1: {  	v8 =	vmov v45;
	v38 =	vsel vm0, v38, v42;
	v39 =	vld [tilespmem:s23+$0xFFFFFF10];
	(xrf1) =	vsort.dscd.msk.f32 $0xffff, v48, v3;
	v29 =	vsel vm0, v18, v40;
	v22, v19, _ =	vpop (xrf1)  }
0x1d2: {  	(xrf1) =	vsort.dscd.msk.f32 $0xffff, v36, v0  }
0x1d3: {  	(xrf2) =	vadd.scan.msk.f32 $0xffff, v10  }
0x1d4: {  	v21, v49, _ =	vpop (xrf1);
	(xrf1) =	vsort.dscd.msk.f32 $0xffff, v32, v1  }
0x1d5: {  	v50, v18, _ =	vpop (xrf1);
	(xrf1) =	vsort.dscd.msk.f32 $0xffff, v35, v2  }
0x1d6: {  	v40, v41, _ =	vpop (xrf1);
	(xrf1) =	vsort.dscd.msk.f32 $0xffff, v33, v34  }
0x1d7: {  	v51, v42, _ =	vpop (xrf1);
	(xrf1) =	vsort.dscd.msk.f32 $0xffff, v39, v1  }
0x1d8: {  	v53 =	vld [tilespmem:s23+$0x10];
	v36 =	vperm.xlane v49, v4;
	(xrf1) =	vsort.dscd.msk.f32 $0xffff, v24, v38;
	v43, v44, _ =	vpop (xrf1)  }
0x1d9: {  	v45 =	vld [tilespmem:s23+$0x0];
	v55 =	vperm.xlane v21, v4;
	v54 =	vpop (erf);
	(xrf1) =	vsort.dscd.msk.f32 $0xffff, v37, v0  }
0x1da: {  	v52, _, _ =	vpop (xrf2);
	v36 =	vsel vm0, v42, v36;
	v24 =	vnsel vm0, $0x0, v54;
	(xrf1) =	vsort.dscd.msk.f32 $0xffff, v25, v3  }
0x1db: {  	v35 =	vsel vm0, v51, v55;
	v56, v21, _ =	vpop (xrf1);
	(xrf2) =	vadd.scan.msk.f32 $0xffff, v24  }
0x1dc: {  	v57, _, _ =	vpop (xrf2);
	(xrf1) =	vsort.dscd.msk.f32 $0xffff, v35, v36  }
0x1dd: {  	v13 =	vperm.xlane v13, v4;
	v12 =	vperm.xlane v12, v4;
	v25, v39, _ =	vpop (xrf1);
	(xrf1) =	vsort.dscd.msk.f32 $0xffff, v53, v1  }
0x1de: {  	v35, v36, _ =	vpop (xrf1);
	(xrf1) =	vsort.dscd.msk.f32 $0xffff, v45, v0  }
0x1df: {  	v12 =	vsel vm0, v14, v12;
	v13 =	vsel vm0, v15, v13;
	v60, _, _ =	vpop (xrf2);
	(xrf1) =	vsort.dscd.msk.f32 $0xffff, v31, v2  }
0x1e0: {  	v43 =	vperm.xlane v43, v4;
	v59, v58, _ =	vpop (xrf1);
	(xrf1) =	vsort.dscd.msk.f32 $0xffff, v12, v13;
	v12 =	vmin.f32 v50, $8.000000000e+01  }
0x1e1: {  	v14, v15, _ =	vpop (xrf1);
	v32 =	vmul.f32 $1.442695020e+00, v12;
	v12 =	vbroadcast v52, $0xF  }
0x1e2: {  	v38 =	vbroadcast v57, $0xF;
	v13, v31, _ =	vpop (xrf1)  }
0x1e3: {  	v62 =	vperm.xlane v44, v4;
	v61, v46, _ =	vpop (xrf1);
	(erf) = vrcp.f32 v12;
	v12 =	vmin.f32 v56, $8.000000000e+01  }
0x1e4: {  	v47, v48, _ =	vpop (xrf1);
	v50 =	vmul.f32 $1.442695020e+00, v12;
	v12 =	vsel vm0, v13, v43  }
0x1e5: {  	v13 =	vperm.xlane v14, v4;
	v14 =	vperm.xlane v15, v4;
	v15 =	vsel vm0, v31, v62;
	v44, v49, _ =	vpop (xrf1)  }
0x1e6: {  	v54 =	vbroadcast v60, $0xF;
	(erf) = vrcp.f32 v38;
	v38, v43, _ =	vpop (xrf1)  }
0x1e7: {  	v31, _, _ =	vpop (xrf2);
	(erf) = vpow2.f32 v50;
	v14 =	vsel vm0, v58, v14  }
0x1e8: {  	(xrf1) =	vsort.dscd.msk.f32 $0xffff, v12, v15;
	v13 =	vsel vm0, v59, v13;
	(erf) = vrcp.f32 v54;
	v31 =	vbroadcast v31, $0xF;
	v15, v12, _ =	vpop (xrf1)  }
0x1e9: {  	(xrf1) =	vsort.dscd.msk.f32 $0xffff, v13, v14;
	v13 =	vsel vm0, v28, v27;
	v27 =	vperm.xlane v61, v4;
	v55, v56, _ =	vpop (xrf1);
	v15 =	vmin.f32 v15, $8.000000000e+01  }
0x1ea: {  	(erf) = vpow2.f32 v32;
	v14, v28, _ =	vpop (xrf1)  }
0x1eb: {  	v57 =	vld [tilespmem:s23+$0xFFFFFF00];
	(xrf1) =	vsort.dscd.msk.f32 $0xffff, v29, v13;
	(erf) = vrcp.f32 v31;
	v31 =	vperm.xlane v41, v4;
	v32, v33, _ =	vpop (xrf1)  }
0x1ec: {  	v63 =	vperm.xlane v40, v4;
	v13 =	vmul.f32 $1.442695020e+00, v15;
	v15, v29, _ =	vpop (xrf1)  }
0x1ed: {  	v34 =	vsel vm0, v55, v27;
	v27 =	vpop (erf)  }
0x1ee: {  	v25 =	vsel vm0, v25, v63;
	v59, v60, _ =	vpop (xrf1)  }
0x1ef: {  	v58 =	vperm.xlane v46, v4;
	v63 =	vsel vm0, v39, v31;
	(erf) = vpow2.f32 v13;
	v31 =	vpop (erf)  }
0x1f0: {  	v36 =	vperm.xlane v36, v4;
	v35 =	vperm.xlane v35, v4;
	(xrf1) =	vsort.dscd.msk.f32 $0xffff, v57, v0;
	v61, v51, _ =	vpop (xrf1)  }
0x1f1: {  	v40 =	vsel vm0, v56, v58;
	v62, v13, _ =	vpop (xrf1)  }
0x1f2: {  	v36 =	vsel vm0, v48, v36;
	v35 =	vsel vm0, v47, v35;
	(xrf1) =	vsort.dscd.msk.f32 $0xffff, v34, v40;
	v47 =	vpop (erf);
	v45 =	vmin.f32 v62, $8.000000000e+01  }
0x1f3: {  	v30 =	vsel vm0, v30, v26;
	(xrf1) =	vsort.dscd.msk.f32 $0xffff, v25, v63;
	v15 =	vperm.xlane v15, v4;
	v26 =	vpop (erf);
	v25 =	vmul.f32 $1.442695020e+00, v45  }
0x1f4: {  	v48 =	vpop (erf)  }
0x1f5: {  	(xrf1) =	vsort.dscd.msk.f32 $0xffff, v35, v36;
	v15 =	vsel vm0, v59, v15;
	(erf) = vpow2.f32 v25;
	v25 =	vperm.xlane v29, v4;
	v29 =	vpop (erf)  }
0x1f6: {  	(xrf1) =	vsort.dscd.msk.f32 $0xffff, v30, v17;
	v30 =	vperm.xlane v28, v4;
	v17 =	vnsel vm0, $0x0, v48;
	v35, v36, _ =	vpop (xrf1)  }
0x1f7: {  	v50 =	vperm.xlane v49, v4;
	v14 =	vperm.xlane v14, v4;
	(xrf2) =	vadd.scan.msk.f32 $0xffff, v17;
	v25 =	vsel vm0, v60, v25;
	v37, v39, _ =	vpop (xrf1)  }
0x1f8: {  	v28 =	vnsel vm0, $0x0, v47;
	v30 =	vsel vm0, v51, v30;
	v51 =	vperm.xlane v44, v4;
	(xrf1) =	vsort.dscd.msk.f32 $0xffff, v15, v25;
	v15 =	vpop (erf)  }
0x1f9: {  	v14 =	vsel vm0, v61, v14;
	(xrf2) =	vadd.scan.msk.f32 $0xffff, v28;
	v25 =	vnsel vm0, $0x0, v15;
	v15, v52, _ =	vpop (xrf1)  }
0x1fa: {  	(xrf1) =	vsort.dscd.msk.f32 $0xffff, v14, v30;
	v14 =	vsel vm0, v15, v51;
	v15 =	vsel vm0, v52, v50  }
0x1fb: {  	(xrf1) =	vsort.dscd.msk.f32 $0xffff, v14, v15  }
0x1fc: {  	(xrf2) =	vadd.scan.msk.f32 $0xffff, v25;
	_ =	sdelay $0x1  }
0x1fd: {  	v30, v53, _ =	vpop (xrf1)  }
0x1fe: {  	v15 =	vperm.xlane v23, v4;
	v23 =	vperm.xlane v20, v4;
	v14 =	vpop (erf)  }
0x1ff: {  	v40, v41, _ =	vpop (xrf1);
	v20 =	vnsel vm0, $0x0, v14  }
0x200: {  	v22 =	vsel vm0, v22, v23;
	v15 =	vsel vm0, v19, v15;
	v54, _, _ =	vpop (xrf2);
	(xrf2) =	vadd.scan.msk.f32 $0xffff, v20  }
0x201: {  	(xrf1) =	vsort.dscd.msk.f32 $0xffff, v22, v15;
	v19, v14, _ =	vpop (xrf1)  }
0x202: {  	v56, _, _ =	vpop (xrf2)  }
0x203: {  	v22, v23, _ =	vpop (xrf1)  }
0x204: {  	v42 =	vbroadcast v54, $0xF;
	v19 =	vmin.f32 v19, $8.000000000e+01;
	v55, v15, _ =	vpop (xrf1)  }
0x205: {  	v38 =	vperm.xlane v38, v4;
	v43 =	vperm.xlane v43, v4;
	v58, _, _ =	vpop (xrf2)  }
0x206: {  	v45 =	vbroadcast v56, $0xF;
	(erf) = vrcp.f32 v42;
	v44 =	vmin.f32 v55, $8.000000000e+01;
	v60, v59, _ =	vpop (xrf1)  }
0x207: {  	v61 =	vmul.f32 $1.442695020e+00, v19;
	v57 =	vmul.f32 $1.442695020e+00, v44;
	v63, v62, _ =	vpop (xrf1)  }
0x208: {  	v30 =	vsel vm0, v30, v38;
	(erf) = vrcp.f32 v45;
	v44 =	vbroadcast v58, $0xF;
	v52, v19, _ =	vpop (xrf1)  }
0x209: {  	v55 =	vperm.xlane v22, v4;
	(erf) = vpow2.f32 v57;
	v54 =	vmin.f32 v52, $8.000000000e+01  }
0x20a: {  	v34 =	vsel vm0, v53, v43;
	(erf) = vrcp.f32 v44;
	v51, _, _ =	vpop (xrf2);
	v22 =	vmul.f32 $1.442695020e+00, v54  }
0x20b: {  	(xrf1) =	vsort.dscd.msk.f32 $0xffff, v30, v34;
	v53 =	vbroadcast v51, $0xF  }
0x20c: {  	(erf) = vpow2.f32 v61  }
0x20d: {  	(erf) = vrcp.f32 v53  }
0x20e: {  	v23 =	vperm.xlane v23, v4;
	(erf) = vpow2.f32 v22  }
0x20f: {  	v30 =	vperm.xlane v32, v4;
	v56 =	vperm.xlane v33, v4;
	v57, v22, _ =	vpop (xrf1)  }
0x210: {  	v38 =	vsel vm0, v60, v55;
	v23 =	vsel vm0, v59, v23;
	v34 =	vpop (erf);
	v33 =	vmin.f32 v57, $8.000000000e+01  }
0x211: {  	v30 =	vsel vm0, v35, v30;
	v32 =	vsel vm0, v36, v56;
	(xrf1) =	vsort.dscd.msk.f32 $0xffff, v38, v23;
	v43 =	vpop (erf);
	v23 =	vmul.f32 $1.442695020e+00, v33  }
0x212: {  	(xrf1) =	vsort.dscd.msk.f32 $0xffff, v30, v32;
	v58 =	vpop (erf)  }
0x213: {  	v35 =	vpop (erf);
	(erf) = vpow2.f32 v23;
	_ =	sdelay $0x1  }
0x214: {  	v23 =	vpop (erf)  }
0x215: {  	v23 =	vnsel vm0, $0x0, v23;
	v32 =	vpop (erf)  }
0x216: {  	v30 =	vnsel vm0, $0x0, v58;
	(xrf2) =	vadd.scan.msk.f32 $0xffff, v23;
	v60 =	vpop (erf)  }
0x217: {  	v59 =	vperm.xlane v62, v4;
	v61 =	vperm.xlane v63, v4;
	(xrf2) =	vadd.scan.msk.f32 $0xffff, v30;
	v36 =	vnsel vm0, $0x0, v60  }
0x218: {  	v39 =	vperm.xlane v39, v4;
	v37 =	vperm.xlane v37, v4;
	v63, v62, _ =	vpop (xrf1);
	(xrf2) =	vadd.scan.msk.f32 $0xffff, v36  }
0x219: {  	v38 =	vsel vm0, v63, v61;
	v33 =	vsel vm0, v62, v59  }
0x21a: {  	v47 =	vsel vm0, v40, v37;
	v48 =	vsel vm0, v41, v39;
	(xrf1) =	vsort.dscd.msk.f32 $0xffff, v38, v33  }
0x21b: {  	(xrf1) =	vsort.dscd.msk.f32 $0xffff, v47, v48;
	v49 =	vpop (erf)  }
0x21c: {  	v33 =	vnsel vm0, $0x0, v49  }
0x21d: {  	(xrf2) =	vadd.scan.msk.f32 $0xffff, v33  }
0x21e: {  	v50, v38, _ =	vpop (xrf1)  }
0x21f: {  	v52, v41, _ =	vpop (xrf1)  }
0x220: {  	v51, _, _ =	vpop (xrf2)  }
0x221: {  	v40 =	vmin.f32 v52, $8.000000000e+01;
	v39 =	vbroadcast v51, $0xF;
	v53, _, _ =	vpop (xrf2)  }
0x222: {  	v54 =	vmul.f32 $1.442695020e+00, v40;
	v42 =	vbroadcast v53, $0xF;
	v55, _, _ =	vpop (xrf2)  }
0x223: {  	(erf) = vrcp.f32 v39;
	v40 =	vbroadcast v55, $0xF  }
0x224: {  	v37 =	vmin.f32 v50, $8.000000000e+01;
	(erf) = vrcp.f32 v42  }
0x225: {  	v37 =	vmul.f32 $1.442695020e+00, v37;
	(erf) = vpow2.f32 v54  }
0x226: {  	(erf) = vrcp.f32 v40  }
0x227: {  	v56, _, _ =	vpop (xrf2);
	(erf) = vpow2.f32 v37  }
0x228: {  	v57, v40, _ =	vpop (xrf1)  }
0x229: {  	v39 =	vbroadcast v56, $0xF;
	v37 =	vmin.f32 v57, $8.000000000e+01;
	v59, v58, _ =	vpop (xrf1)  }
0x22a: {  	v37 =	vmul.f32 $1.442695020e+00, v37;
	v42 =	vmin.f32 v59, $8.000000000e+01  }
0x22b: {  	(erf) = vrcp.f32 v39;
	v60 =	vmul.f32 $1.442695020e+00, v42  }
0x22c: {  	v61 =	vpop (erf);
	(erf) = vpow2.f32 v37  }
0x22d: {  	v52 =	vor.u32 s22, v5;
	v62 =	vpop (erf);
	(erf) = vpow2.f32 v60  }
0x22e: {  	v63 =	vpop (erf)  }
0x22f: {  	v54 =	vor.u32 s21, v5;
	v53 =	vpop (erf)  }
0x230: {  	v9 =	vmul.f32 v31, v9;
	v55 =	vpop (erf)  }
0x231: {  	v11 =	vmul.f32 v27, v11;
	v31 =	vnsel vm0, $0x0, v55  }
0x232: {  	[tilespmem:v52+s11+$0x0] =	vst.idx.msk $0xff, v9;
	v9 =	vor.u32 s16, v5;
	v27 =	vnsel vm0, $0x0, v63;
	(xrf2) =	vadd.scan.msk.f32 $0xffff, v31  }
0x233: {  	[tilespmem:v52+s12+$0x0] =	vst.idx.msk $0xff, v7;
	(xrf2) =	vadd.scan.msk.f32 $0xffff, v27  }
0x234: {  	[tilespmem:v54+s11+$0x0] =	vst.idx.msk $0xff, v11;
	v11 =	vor.u32 s18, v5;
	v56 =	vpop (erf)  }
0x235: {  	[tilespmem:v54+s12+$0x0] =	vst.idx.msk $0xff, v6;
	v6 =	vmul.f32 v26, v10;
	v7 =	vpop (erf)  }
0x236: {  	v24 =	vmul.f32 v29, v24;
	v26 =	vor.u32 s20, v5;
	v7 =	vnsel vm0, $0x0, v7;
	v10 =	vpop (erf)  }
0x237: {  	[tilespmem:v9+s11+$0x0] =	vst.idx.msk $0xff, v6;
	v6 =	vor.u32 s17, v5;
	(xrf2) =	vadd.scan.msk.f32 $0xffff, v7;
	v10 =	vnsel vm0, $0x0, v10  }
0x238: {  	[tilespmem:v9+s12+$0x0] =	vst.idx.msk $0xff, v8;
	(xrf2) =	vadd.scan.msk.f32 $0xffff, v10  }
0x239: {  	v8 =	vmul.f32 v43, v28;
	[tilespmem:v11+s11+$0x0] =	vst.idx.msk $0xff, v24  }
0x23a: {  	v9 =	vmul.f32 v34, v17;
	[tilespmem:v11+s12+$0x0] =	vst.idx.msk $0xff, v16  }
0x23b: {  	v11 =	vor.u32 s19, v5;
	[tilespmem:v26+s11+$0x0] =	vst.idx.msk $0xff, v8  }
0x23c: {  	v8 =	vor.u32 s15, v5;
	[tilespmem:v6+s11+$0x0] =	vst.idx.msk $0xff, v9;
	v16, _, _ =	vpop (xrf2)  }
0x23d: {  	s14 =	sadd.s32 $0x20, s14;
	[tilespmem:v6+s12+$0x0] =	vst.idx.msk $0xff, v18;
	v6 =	vmul.f32 v32, v20;
	v9 =	vbroadcast v16, $0xF;
	v16, _, _ =	vpop (xrf2)  }
0x23e: {  	s22 =	sadd.s32 $0x18, s14;
	v17 =	vmul.f32 v35, v25;
	v16 =	vbroadcast v16, $0xF  }
0x23f: {  	s23 =	sadd.s32 $0x10, s14;
	[tilespmem:v26+s12+$0x0] =	vst.idx.msk $0xff, v21;
	v18 =	vor.u32 s22, v5;
	(erf) = vrcp.f32 v9  }
0x240: {  	[tilespmem:v11+s11+$0x0] =	vst.idx.msk $0xff, v17;
	v9 =	vor.u32 s23, v5;
	(erf) = vrcp.f32 v16  }
0x241: {  	[tilespmem:v8+s11+$0x0] =	vst.idx.msk $0xff, v6;
	v6, _, _ =	vpop (xrf2)  }
0x242: {  	[tilespmem:v11+s12+$0x0] =	vst.idx.msk $0xff, v12;
	v11 =	vmul.f32 v62, v30;
	v6 =	vbroadcast v6, $0xF;
	v12, _, _ =	vpop (xrf2)  }
0x243: {  	s24 =	sadd.s32 $0x8, s14;
	[tilespmem:v8+s12+$0x0] =	vst.idx.msk $0xff, v13;
	v8 =	vmul.f32 v61, v23;
	v13 =	vor.u32 s14, v5;
	v12 =	vbroadcast v12, $0xF  }
0x244: {  	[tilespmem:v18+s11+$0x0] =	vst.idx.msk $0xff, v11;
	v11 =	vor.u32 s24, v5;
	(erf) = vrcp.f32 v6;
	v6 =	vmul.f32 v53, v36  }
0x245: {  	s14 =	sadd.s32 $0x20, s14;
	[tilespmem:v9+s11+$0x0] =	vst.idx.msk $0xff, v8;
	v8 =	vmul.f32 v56, v33;
	(erf) = vrcp.f32 v12  }
0x246: {  	s25 =	sadd.s32 $0x18, s14;
	[tilespmem:v18+s12+$0x0] =	vst.idx.msk $0xff, v15  }
0x247: {  	s26 =	sadd.s32 $0x10, s14;
	[tilespmem:v9+s12+$0x0] =	vst.idx.msk $0xff, v14;
	v9 =	vor.u32 s25, v5  }
0x248: {  	v12 =	vor.u32 s26, v5;
	[tilespmem:v13+s11+$0x0] =	vst.idx.msk $0xff, v6;
	v6 =	vpop (erf)  }
0x249: {  	[tilespmem:v11+s11+$0x0] =	vst.idx.msk $0xff, v8;
	v8 =	vpop (erf);
	v6 =	vmul.f32 v6, v31  }
0x24a: {  	[tilespmem:v13+s12+$0x0] =	vst.idx.msk $0xff, v19;
	v8 =	vmul.f32 v8, v27  }
0x24b: {  	s28 =	sadd.s32 $0x8, s14;
	[tilespmem:v11+s12+$0x0] =	vst.idx.msk $0xff, v22;
	v11 =	vor.u32 s14, v5  }
0x24c: {  	[tilespmem:v9+s11+$0x0] =	vst.idx.msk $0xff, v8;
	v8 =	vor.u32 s28, v5  }
0x24d: {  	[tilespmem:v12+s11+$0x0] =	vst.idx.msk $0xff, v6;
	v6 =	vpop (erf)  }
0x24e: {  	[tilespmem:v12+s12+$0x0] =	vst.idx.msk $0xff, v38;
	v6 =	vmul.f32 v6, v7;
	v7 =	vpop (erf)  }
0x24f: {  	[tilespmem:v9+s12+$0x0] =	vst.idx.msk $0xff, v41;
	v7 =	vmul.f32 v7, v10  }
0x250: {  	[tilespmem:v11+s11+$0x0] =	vst.idx.msk $0xff, v6  }
0x251: {  	[tilespmem:v8+s11+$0x0] =	vst.idx.msk $0xff, v7  }
0x252: {  	[tilespmem:v11+s12+$0x0] =	vst.idx.msk $0xff, v40  }
0x253: {  	[tilespmem:v8+s12+$0x0] =	vst.idx.msk $0xff, v58  }
0x254: {  	[tilespmem:s2], [sflag:$0x1] =	stream.linear.gather [hbm4b:s5+s2], $0x4000, $0x38;
	[tilespmem:$0x6000] =	vst v63  }
0x255: {  	_ =	swait.ge [sflag:s10], $0x4000  }
0x256: {  	[sflag:s10] =	ssyncset.done $0x0  }
0x257: {  	s29 =	simm.s32 $0x100;
	[sflag:s10] =	ssyncadd.s32 $0xFFFFC000  }
0x258: {  	v6 =	vld [tilespmem:s29+$0xB0];
	_ =	sdelay $0x1  }
0x259: {  	v7 =	vld [tilespmem:s29+$0xA0];
	_ =	sdelay $0x2  }
0x25a: {  	(xrf1) =	vsort.dscd.msk.f32 $0xffff, v6, v3;
	_ =	sdelay $0x1  }
0x25b: {  	v6 =	vld [tilespmem:s29+$0x90];
	(xrf1) =	vsort.dscd.msk.f32 $0xffff, v7, v2  }
0x25c: {  	v7 =	vld [tilespmem:s29+$0x30]  }
0x25d: {  	v8 =	vld [tilespmem:s29+$0xFFFFFFA0]  }
0x25e: {  	v9 =	vld [tilespmem:s29+$0xFFFFFFB0];
	_ =	sdelay $0x1  }
0x25f: {  	v10 =	vld [tilespmem:s29+$0x80];
	(xrf1) =	vsort.dscd.msk.f32 $0xffff, v6, v1  }
0x260: {  	v6 =	vld [tilespmem:s29+$0xFFFFFF90];
	(xrf1) =	vsort.dscd.msk.f32 $0xffff, v7, v3  }
0x261: {  	(xrf1) =	vsort.dscd.msk.f32 $0xffff, v8, v2  }
0x262: {  	v7 =	vld [tilespmem:s29+$0x20];
	(xrf1) =	vsort.dscd.msk.f32 $0xffff, v9, v3  }
0x263: {  	v8 =	vld [tilespmem:s29+$0xFFFFFF10]  }
0x264: {  	v9 =	vld [tilespmem:s29+$0xFFFFFF80];
	(xrf1) =	vsort.dscd.msk.f32 $0xffff, v10, v0  }
0x265: {  	(xrf1) =	vsort.dscd.msk.f32 $0xffff, v6, v1  }
0x266: {  	v11 =	vld [tilespmem:s29+$0xFFFFFF30];
	v6, v10, _ =	vpop (xrf1)  }
0x267: {  	(xrf1) =	vsort.dscd.msk.f32 $0xffff, v7, v2;
	v7 =	vperm.xlane v10, v4  }
0x268: {  	v12 =	vld [tilespmem:s29+$0x10];
	(xrf1) =	vsort.dscd.msk.f32 $0xffff, v8, v1;
	v6 =	vperm.xlane v6, v4;
	v8, v10, _ =	vpop (xrf1)  }
0x269: {  	(xrf1) =	vsort.dscd.msk.f32 $0xffff, v9, v0;
	v7 =	vsel vm0, v10, v7  }
0x26a: {  	v13 =	vld [tilespmem:s29+$0x0];
	v6 =	vsel vm0, v8, v6  }
0x26b: {  	(xrf1) =	vsort.dscd.msk.f32 $0xffff, v11, v3  }
0x26c: {  	(xrf1) =	vsort.dscd.msk.f32 $0xffff, v6, v7  }
0x26d: {  	(xrf1) =	vsort.dscd.msk.f32 $0xffff, v12, v1;
	v6, v7, _ =	vpop (xrf1)  }
0x26e: {  	v9, v10, _ =	vpop (xrf1)  }
0x26f: {  	v8 =	vld [tilespmem:s29+$0xFFFFFF20];
	(xrf1) =	vsort.dscd.msk.f32 $0xffff, v13, v0;
	v11, v12, _ =	vpop (xrf1)  }
0x270: {  	v13, v14, _ =	vpop (xrf1)  }
0x271: {  	v13 =	vperm.xlane v13, v4  }
0x272: {  	v16, v17, _ =	vpop (xrf1);
	v14 =	vperm.xlane v14, v4  }
0x273: {  	v7 =	vperm.xlane v7, v4;
	v6 =	vperm.xlane v6, v4;
	v18, v19, _ =	vpop (xrf1);
	v11 =	vsel vm0, v11, v13  }
0x274: {  	v15 =	vld [tilespmem:s29+$0xFFFFFF00];
	(xrf1) =	vsort.dscd.msk.f32 $0xffff, v8, v2;
	v12 =	vsel vm0, v12, v14;
	v14 =	vperm.xlane v18, v4  }
0x275: {  	s30 =	simm.s32 $0x300;
	v6 =	vsel vm0, v16, v6;
	v7 =	vsel vm0, v17, v7;
	v8 =	vperm.xlane v19, v4;
	v13, v19, _ =	vpop (xrf1)  }
0x276: {  	v16 =	vld [tilespmem:s30+$0xB0];
	(xrf1) =	vsort.dscd.msk.f32 $0xffff, v6, v7;
	v17, v18, _ =	vpop (xrf1)  }
0x277: {  	v6 =	vperm.xlane v10, v4;
	(xrf1) =	vsort.dscd.msk.f32 $0xffff, v11, v12;
	v10, v11, _ =	vpop (xrf1)  }
0x278: {  	v7 =	vld [tilespmem:s30+$0xA0];
	v10 =	vsel vm0, v10, v14  }
0x279: {  	v9 =	vperm.xlane v9, v4;
	(xrf1) =	vsort.dscd.msk.f32 $0xffff, v15, v0;
	v8 =	vsel vm0, v11, v8;
	v11 =	vld [tilespmem:s30+$0x90];
	v12, v14, _ =	vpop (xrf1)  }
0x27a: {  	(xrf1) =	vsort.dscd.msk.f32 $0xffff, v10, v8;
	v15, v20, _ =	vpop (xrf1)  }
0x27b: {  	v6 =	vsel vm0, v19, v6;
	v9 =	vsel vm0, v13, v9;
	v8 =	vld [tilespmem:s30+$0x30];
	(xrf1) =	vsort.dscd.msk.f32 $0xffff, v16, v3;
	v10, v13, _ =	vpop (xrf1)  }
0x27c: {  	v16 =	vld [tilespmem:s30+$0xFFFFFFA0];
	(xrf1) =	vsort.dscd.msk.f32 $0xffff, v9, v6;
	v6 =	vperm.xlane v10, v4;
	v9 =	vperm.xlane v13, v4  }
0x27d: {  	v10 =	vld [tilespmem:s30+$0xFFFFFFB0];
	(xrf1) =	vsort.dscd.msk.f32 $0xffff, v7, v2;
	v7, v13, _ =	vpop (xrf1)  }
0x27e: {  	(xrf1) =	vsort.dscd.msk.f32 $0xffff, v11, v1;
	v9 =	vsel vm0, v13, v9;
	v6 =	vsel vm0, v7, v6  }
0x27f: {  	(xrf1) =	vsort.dscd.msk.f32 $0xffff, v6, v9  }
0x280: {  	v7 =	vld [tilespmem:s30+$0x80];
	(xrf1) =	vsort.dscd.msk.f32 $0xffff, v8, v3  }
0x281: {  	v6 =	vld [tilespmem:s30+$0xFFFFFF90];
	(xrf1) =	vsort.dscd.msk.f32 $0xffff, v16, v2  }
0x282: {  	v8 =	vld [tilespmem:s30+$0x20];
	(xrf1) =	vsort.dscd.msk.f32 $0xffff, v10, v3;
	v10 =	vperm.xlane v12, v4  }
0x283: {  	v9 =	vperm.xlane v14, v4  }
0x284: {  	v13 =	vld [tilespmem:s30+$0xFFFFFF10];
	v11, v12, _ =	vpop (xrf1)  }
0x285: {  	v14 =	vld [tilespmem:s30+$0xFFFFFF80];
	(xrf1) =	vsort.dscd.msk.f32 $0xffff, v7, v0;
	v7, v16, _ =	vpop (xrf1);
	v9 =	vsel vm0, v12, v9  }
0x286: {  	(xrf1) =	vsort.dscd.msk.f32 $0xffff, v6, v1;
	v6 =	vsel vm0, v11, v10;
	v10, v11, _ =	vpop (xrf1)  }
0x287: {  	(xrf1) =	vsort.dscd.msk.f32 $0xffff, v8, v2;
	v19, v21, _ =	vpop (xrf1)  }
0x288: {  	(xrf1) =	vsort.dscd.msk.f32 $0xffff, v6, v9;
	v9, v8, _ =	vpop (xrf1)  }
0x289: {  	(xrf1) =	vsort.dscd.msk.f32 $0xffff, v13, v1;
	v6, v13, _ =	vpop (xrf1)  }
0x28a: {  	v12 =	vld [tilespmem:s30+$0xFFFFFF30];
	(xrf1) =	vsort.dscd.msk.f32 $0xffff, v14, v0;
	v13 =	vperm.xlane v13, v4;
	v14, v23, _ =	vpop (xrf1)  }
0x28b: {  	v6 =	vperm.xlane v6, v4;
	v24, v25, _ =	vpop (xrf1)  }
0x28c: {  	v22 =	vld [tilespmem:s30+$0x10];
	v13 =	vsel vm0, v25, v13  }
0x28d: {  	v6 =	vsel vm0, v24, v6  }
0x28e: {  	v26 =	vld [tilespmem:s30+$0x0];
	v24, v25, _ =	vpop (xrf1)  }
0x28f: {  	(xrf1) =	vsort.dscd.msk.f32 $0xffff, v12, v3;
	v12, v27, _ =	vpop (xrf1)  }
0x290: {  	(xrf1) =	vsort.dscd.msk.f32 $0xffff, v6, v13;
	v6, v13, _ =	vpop (xrf1)  }
0x291: {  	(xrf1) =	vsort.dscd.msk.f32 $0xffff, v22, v1;
	v22 =	vld [tilespmem:s30+$0xFFFFFF20];
	v28, v29, _ =	vpop (xrf1)  }
0x292: {  	v17 =	vperm.xlane v17, v4;
	v18 =	vperm.xlane v18, v4;
	v30, v31, _ =	vpop (xrf1)  }
0x293: {  	(xrf1) =	vsort.dscd.msk.f32 $0xffff, v26, v0;
	v26 =	vperm.xlane v30, v4;
	v31 =	vperm.xlane v31, v4  }
0x294: {  	v25 =	vperm.xlane v25, v4;
	v24 =	vperm.xlane v24, v4;
	v30, v57, _ =	vpop (xrf1)  }
0x295: {  	v17 =	vsel vm0, v19, v17;
	v19 =	vld [tilespmem:s30+$0xFFFFFF00];
	v18 =	vsel vm0, v21, v18;
	v59, v58, _ =	vpop (xrf1);
	v26 =	vsel vm0, v28, v26  }
0x296: {  	s31 =	simm.s32 $0x500;
	(xrf1) =	vsort.dscd.msk.f32 $0xffff, v22, v2;
	v24 =	vsel vm0, v30, v24;
	v25 =	vsel vm0, v57, v25;
	v22, v28, _ =	vpop (xrf1)  }
0x297: {  	v21 =	vperm.xlane v23, v4;
	v29 =	vsel vm0, v29, v31;
	(xrf1) =	vsort.dscd.msk.f32 $0xffff, v24, v25;
	v24 =	vld [tilespmem:s31+$0xB0];
	v31, v60, _ =	vpop (xrf1)  }
0x298: {  	v30 =	vperm.xlane v58, v4;
	v25 =	vperm.xlane v59, v4;
	(xrf1) =	vsort.dscd.msk.f32 $0xffff, v26, v29;
	v62, v61, _ =	vpop (xrf1)  }
0x299: {  	v14 =	vperm.xlane v14, v4;
	(xrf1) =	vsort.dscd.msk.f32 $0xffff, v17, v18;
	v23, v26, _ =	vpop (xrf1)  }
0x29a: {  	v17 =	vld [tilespmem:s31+$0xA0];
	(xrf1) =	vsort.dscd.msk.f32 $0xffff, v19, v0;
	v18 =	vsel vm0, v23, v25;
	v23 =	vsel vm0, v26, v30  }
0x29b: {  	v13 =	vperm.xlane v13, v4;
	v6 =	vperm.xlane v6, v4;
	(xrf1) =	vsort.dscd.msk.f32 $0xffff, v18, v23  }
0x29c: {  	v12 =	vsel vm0, v12, v14;
	v14 =	vsel vm0, v27, v21;
	v19 =	vld [tilespmem:s31+$0x90];
	(xrf1) =	vsort.dscd.msk.f32 $0xffff, v24, v3  }
0x29d: {  	v13 =	vsel vm0, v28, v13;
	v6 =	vsel vm0, v22, v6;
	v18, v21, _ =	vpop (xrf1);
	(xrf1) =	vsort.dscd.msk.f32 $0xffff, v12, v14  }
0x29e: {  	v23, v24, _ =	vpop (xrf1);
	(xrf1) =	vsort.dscd.msk.f32 $0xffff, v6, v13  }
0x29f: {  	v12 =	vperm.xlane v15, v4;
	v14 =	vperm.xlane v20, v4;
	v15 =	vld [tilespmem:s31+$0x30];
	v20, v22, _ =	vpop (xrf1);
	(xrf1) =	vsort.dscd.msk.f32 $0xffff, v17, v2  }
0x2a0: {  	v6 =	vld [tilespmem:s31+$0xFFFFFFA0];
	v13 =	vperm.xlane v20, v4;
	v17 =	vperm.xlane v22, v4  }
0x2a1: {  	v14 =	vsel vm0, v16, v14;
	v7 =	vsel vm0, v7, v12;
	v12 =	vld [tilespmem:s31+$0xFFFFFFB0];
	(xrf1) =	vsort.dscd.msk.f32 $0xffff, v19, v1;
	v16, v20, _ =	vpop (xrf1)  }
0x2a2: {  	(xrf1) =	vsort.dscd.msk.f32 $0xffff, v7, v14;
	v7 =	vld [tilespmem:s31+$0x80];
	v17 =	vsel vm0, v20, v17;
	v13 =	vsel vm0, v16, v13  }
0x2a3: {  	v14 =	vld [tilespmem:s31+$0xFFFFFF90];
	(xrf1) =	vsort.dscd.msk.f32 $0xffff, v13, v17  }
0x2a4: {  	v18 =	vperm.xlane v18, v4;
	v17 =	vld [tilespmem:s31+$0x20];
	(xrf1) =	vsort.dscd.msk.f32 $0xffff, v15, v3;
	v15, v16, _ =	vpop (xrf1)  }
0x2a5: {  	(xrf1) =	vsort.dscd.msk.f32 $0xffff, v6, v2;
	v19, v20, _ =	vpop (xrf1);
	v6 =	vperm.xlane v21, v4  }
0x2a6: {  	v21 =	vld [tilespmem:s31+$0xFFFFFF10];
	(xrf1) =	vsort.dscd.msk.f32 $0xffff, v12, v3;
	v12, v13, _ =	vpop (xrf1)  }
0x2a7: {  	v28 =	vperm.xlane v31, v4;
	v22, v25, _ =	vpop (xrf1);
	(xrf1) =	vsort.dscd.msk.f32 $0xffff, v7, v0;
	v6 =	vsel vm0, v16, v6  }
0x2a8: {  	v27 =	vperm.xlane v60, v4;
	v7 =	vsel vm0, v15, v18;
	v16 =	vld [tilespmem:s31+$0xFFFFFF80];
	v18, v26, _ =	vpop (xrf1);
	(xrf1) =	vsort.dscd.msk.f32 $0xffff, v14, v1  }
0x2a9: {  	v14, v15, _ =	vpop (xrf1);
	(xrf1) =	vsort.dscd.msk.f32 $0xffff, v17, v2  }
0x2aa: {  	v17, v29, _ =	vpop (xrf1);
	(xrf1) =	vsort.dscd.msk.f32 $0xffff, v7, v6;
	v7 =	vsel vm0, v22, v28;
	v22 =	vsel vm0, v25, v27  }
0x2ab: {  	v25, v6, _ =	vpop (xrf1);
	(xrf1) =	vsort.dscd.msk.f32 $0xffff, v21, v1  }
0x2ac: {  	v21 =	vld [tilespmem:s31+$0xFFFFFF30];
	v27, v28, _ =	vpop (xrf1);
	(xrf1) =	vsort.dscd.msk.f32 $0xffff, v7, v22  }
0x2ad: {  	v22, v30, _ =	vpop (xrf1);
	(xrf1) =	vsort.dscd.msk.f32 $0xffff, v16, v0  }
0x2ae: {  	v63 =	vld [tilespmem:s31+$0x10]  }
0x2af: {  	v17 =	vperm.xlane v17, v4;
	v29 =	vperm.xlane v29, v4;
	v16, v31, _ =	vpop (xrf1)  }
0x2b0: {  	v44 =	vld [tilespmem:s31+$0x0];
	v45, v7, _ =	vpop (xrf1)  }
0x2b1: {  	v17 =	vsel vm0, v22, v17;
	v22 =	vsel vm0, v30, v29;
	v48, v47, _ =	vpop (xrf1);
	(xrf1) =	vsort.dscd.msk.f32 $0xffff, v21, v3  }
0x2b2: {  	v46 =	vld [tilespmem:s31+$0xFFFFFF20];
	v11 =	vperm.xlane v11, v4;
	v10 =	vperm.xlane v10, v4;
	v29 =	vmin.f32 v45, $8.000000000e+01;
	v30, v49, _ =	vpop (xrf1);
	(xrf1) =	vsort.dscd.msk.f32 $0xffff, v17, v22  }
0x2b3: {  	v16 =	vperm.xlane v16, v4;
	v29 =	vmul.f32 $1.442695020e+00, v29;
	v51, v50, _ =	vpop (xrf1);
	(xrf1) =	vsort.dscd.msk.f32 $0xffff, v63, v1  }
0x2b4: {  	v21 =	vperm.xlane v62, v4;
	v17 =	vperm.xlane v31, v4;
	v22, v31, _ =	vpop (xrf1)  }
0x2b5: {  	v9 =	vsel vm0, v9, v10;
	(erf) = vpow2.f32 v29;
	(xrf1) =	vsort.dscd.msk.f32 $0xffff, v44, v0;
	v52, v53, _ =	vpop (xrf1);
	v29 =	vperm.xlane v31, v4  }
0x2b6: {  	v8 =	vsel vm0, v8, v11;
	v10 =	vmin.f32 v25, $8.000000000e+01;
	v18 =	vsel vm0, v18, v21;
	v31, v54, _ =	vpop (xrf1)  }
0x2b7: {  	v10 =	vmul.f32 $1.442695020e+00, v10;
	v22 =	vperm.xlane v22, v4;
	(xrf1) =	vsort.dscd.msk.f32 $0xffff, v46, v2;
	v16 =	vsel vm0, v52, v16;
	v25, v55, _ =	vpop (xrf1)  }
0x2b8: {  	v11 =	vld [tilespmem:s31+$0xFFFFFF00];
	v17 =	vsel vm0, v53, v17;
	(xrf1) =	vsort.dscd.msk.f32 $0xffff, v9, v8;
	v9 =	vperm.xlane v61, v4;
	v21, v56, _ =	vpop (xrf1)  }
0x2b9: {  	s23 =	simm.s32 $0x700;
	(erf) = vpow2.f32 v10;
	(xrf1) =	vsort.dscd.msk.f32 $0xffff, v16, v17;
	v16 =	vsel vm0, v51, v22;
	v22 =	vsel vm0, v50, v29;
	v29, v40, _ =	vpop (xrf1)  }
0x2ba: {  	v17 =	vperm.xlane v54, v4;
	v31 =	vperm.xlane v31, v4;
	v57, v8, _ =	vpop (xrf1);
	(xrf1) =	vsort.dscd.msk.f32 $0xffff, v16, v22;
	v22 =	vld [tilespmem:s23+$0xB0]  }
0x2bb: {  	v9 =	vsel vm0, v26, v9;
	v16 =	vperm.xlane v23, v4;
	v23 =	vmin.f32 v57, $8.000000000e+01;
	v10, v26, _ =	vpop (xrf1)  }
0x2bc: {  	(xrf1) =	vsort.dscd.msk.f32 $0xffff, v18, v9;
	v18 =	vperm.xlane v27, v4;
	v9 =	vsel vm0, v10, v31  }
0x2bd: {  	v10 =	vsel vm0, v26, v17;
	(xrf1) =	vsort.dscd.msk.f32 $0xffff, v11, v0;
	v11 =	vmul.f32 $1.442695020e+00, v23;
	v17 =	vperm.xlane v24, v4  }
0x2be: {  	v24 =	vperm.xlane v30, v4;
	(xrf1) =	vsort.dscd.msk.f32 $0xffff, v9, v10;
	v9 =	vperm.xlane v28, v4;
	v10 =	vld [tilespmem:s23+$0xA0];
	v23 =	vpop (erf)  }
0x2bf: {  	(erf) = vpow2.f32 v11;
	v11 =	vperm.xlane v49, v4;
	v27, v28, _ =	vpop (xrf1);
	(xrf1) =	vsort.dscd.msk.f32 $0xffff, v22, v3  }
0x2c0: {  	v26 =	vld [tilespmem:s23+$0x90];
	v18 =	vsel vm0, v48, v18;
	v9 =	vsel vm0, v47, v9;
	v22, v30, _ =	vpop (xrf1)  }
0x2c1: {  	v24 =	vsel vm0, v25, v24;
	v11 =	vsel vm0, v55, v11;
	v25, v31, _ =	vpop (xrf1);
	(xrf1) =	vsort.dscd.msk.f32 $0xffff, v18, v9  }
0x2c2: {  	(xrf1) =	vsort.dscd.msk.f32 $0xffff, v24, v11  }
0x2c3: {  	v32 =	vld [tilespmem:s23+$0xFFFFFF90];
	v9 =	vsel vm0, v20, v17;
	v18, v20, _ =	vpop (xrf1);
	(xrf1) =	vsort.dscd.msk.f32 $0xffff, v10, v2  }
0x2c4: {  	v17 =	vld [tilespmem:s23+$0x30];
	v11 =	vsel vm0, v19, v16;
	v24 =	vperm.xlane v28, v4;
	v31 =	vperm.xlane v31, v4;
	v16 =	vpop (erf)  }
0x2c5: {  	v36 =	vld [tilespmem:s23+$0x80];
	v59 =	vperm.xlane v25, v4;
	v10, v28, _ =	vpop (xrf1);
	(xrf1) =	vsort.dscd.msk.f32 $0xffff, v26, v1;
	v26 =	vperm.xlane v22, v4  }
0x2c6: {  	v58 =	vld [tilespmem:s23+$0xFFFFFFA0];
	v22 =	vperm.xlane v27, v4;
	v20 =	vsel vm0, v20, v31;
	(xrf1) =	vsort.dscd.msk.f32 $0xffff, v11, v9;
	v11 =	vnsel vm0, $0x0, v16;
	v27, v16, _ =	vpop (xrf1)  }
0x2c7: {  	v60 =	vperm.xlane v30, v4;
	v19 =	vld [tilespmem:s23+$0xFFFFFFB0];
	v18 =	vsel vm0, v18, v59;
	v30, v61, _ =	vpop (xrf1);
	(xrf2) =	vadd.scan.msk.f32 $0xffff, v11  }
0x2c8: {  	v35 =	vld [tilespmem:s23+$0x20];
	v33 =	vsel vm0, v10, v22;
	(xrf1) =	vsort.dscd.msk.f32 $0xffff, v18, v20;
	v18 =	vmin.f32 v27, $8.000000000e+01;
	v22 =	vperm.xlane v29, v4;
	v10 =	vpop (erf)  }
0x2c9: {  	s16 =	simm.s32 $0x800;
	v37 =	vld [tilespmem:s23+$0xFFFFFF80];
	v21 =	vperm.xlane v21, v4;
	v9 =	vnsel vm0, $0x0, v23;
	(xrf1) =	vsort.dscd.msk.f32 $0xffff, v17, v3;
	v18 =	vmul.f32 $1.442695020e+00, v18;
	v20, v23, _ =	vpop (xrf1)  }
0x2ca: {  	s21 =	simm.s32 $0x810;
	s18 =	simm.s32 $0x808;
	s20 =	simm.s32 $0x838;
	v39 =	vld [tilespmem:s23+$0xFFFFFF10];
	v62 =	vperm.xlane v56, v4;
	v34 =	vsel vm0, v28, v24;
	v27 =	vperm.xlane v40, v4;
	(xrf2) =	vadd.scan.msk.f32 $0xffff, v9;
	v24, v63, _ =	vpop (xrf1)  }
0x2cb: {  	s17 =	simm.s32 $0x830;
	s15 =	simm.s32 $0x828;
	s19 =	simm.s32 $0x820;
	v25 =	vld [tilespmem:s23+$0xFFFFFF30];
	v17 =	vsel vm0, v61, v60;
	(xrf1) =	vsort.dscd.msk.f32 $0xffff, v58, v2;
	(erf) = vpow2.f32 v18;
	v29, v28, _ =	vpop (xrf1);
	v24 =	vsel vm0, v24, v21  }
0x2cc: {  	s22 =	simm.s32 $0x818;
	s24 =	simm.s32 $0xC;
	s14 =	simm.s32 $0x820;
	v31 =	vld [tilespmem:s23+$0xFFFFFF20];
	v10 =	vnsel vm0, $0x0, v10;
	(xrf1) =	vsort.dscd.msk.f32 $0xffff, v19, v3;
	v38 =	vsel vm0, v63, v62;
	v29 =	vsel vm0, v29, v22;
	v22, v19, _ =	vpop (xrf1)  }
.LBB2_6:
0x2cd: {  	(xrf1) =	vsort.dscd.msk.f32 $0xffff, v36, v0;
	v36, v40, _ =	vpop (xrf1)  }
0x2ce: {  	s24 =	sadd.s32 $0x4, s24;
	v21 =	vsel vm0, v30, v26;
	s14 =	sadd.s32 $0x20, s14;
	v18 =	vmov v16;
	v30 =	vperm.xlane v40, v4  }
0x2cf: {  	p0 =	slt.u32 s24, $0x7C;
	v26 =	vperm.xlane v36, v4;
	(xrf1) =	vsort.dscd.msk.f32 $0xffff, v32, v1;
	s26 =	sadd.s32 $0x10, s14;
	s28 =	sadd.s32 $0x18, s14;
	v32, v16, _ =	vpop (xrf1)  }
0x2d0: {  	s25 =	sadd.s32 $0x8, s14;
	v36 =	vld [tilespmem:s23+$0x10];
	v40, v41, _ =	vpop (xrf1);
	v32 =	vmin.f32 v32, $8.000000000e+01;
	(xrf2) =	vadd.scan.msk.f32 $0xffff, v10  }
0x2d1: {  	(xrf1) =	vsort.dscd.msk.f32 $0xffff, v35, v2;
	v35, v42, _ =	vpop (xrf1);
	v32 =	vmul.f32 $1.442695020e+00, v32  }
0x2d2: {  	v43 =	vld [tilespmem:s23+$0xFFFFFF00];
	v26 =	vsel vm0, v35, v26;
	v35 =	vsel vm0, v42, v30;
	(xrf1) =	vsort.dscd.msk.f32 $0xffff, v33, v34;
	v30, _, _ =	vpop (xrf2)  }
0x2d3: {  	(xrf1) =	vsort.dscd.msk.f32 $0xffff, v39, v1;
	v33, v34, _ =	vpop (xrf1);
	v39 =	vbroadcast v30, $0xF  }
0x2d4: {  	v42 =	vld [tilespmem:s23+$0x0];
	v44 =	vpop (erf)  }
0x2d5: {  	(xrf1) =	vsort.dscd.msk.f32 $0xffff, v24, v38;
	v38, v30, _ =	vpop (xrf1);
	v24 =	vnsel vm0, $0x0, v44;
	(erf) = vrcp.f32 v39  }
0x2d6: {  	v39 =	vperm.xlane v40, v4;
	v40 =	vperm.xlane v41, v4;
	v38 =	vmin.f32 v38, $8.000000000e+01;
	v41, _, _ =	vpop (xrf2)  }
0x2d7: {  	(xrf1) =	vsort.dscd.msk.f32 $0xffff, v37, v0;
	v37, v44, _ =	vpop (xrf1);
	v38 =	vmul.f32 $1.442695020e+00, v38;
	v41 =	vbroadcast v41, $0xF  }
0x2d8: {  	v45, v46, _ =	vpop (xrf1);
	v37 =	vsel vm0, v37, v39;
	v39 =	vsel vm0, v44, v40;
	(xrf2) =	vadd.scan.msk.f32 $0xffff, v24  }
0x2d9: {  	v40 =	vperm.xlane v46, v4;
	(xrf1) =	vsort.dscd.msk.f32 $0xffff, v25, v3;
	v25, v44, _ =	vpop (xrf1)  }
0x2da: {  	(xrf1) =	vsort.dscd.msk.f32 $0xffff, v26, v35;
	v26 =	vperm.xlane v13, v4;
	v35, _, _ =	vpop (xrf2);
	v13 =	vmov v23  }
0x2db: {  	v23 =	vperm.xlane v34, v4;
	v34, v46, _ =	vpop (xrf1);
	(xrf1) =	vsort.dscd.msk.f32 $0xffff, v36, v1;
	(erf) = vrcp.f32 v41  }
0x2dc: {  	v34 =	vperm.xlane v34, v4;
	v49 =	vperm.xlane v46, v4;
	v41, v46, _ =	vpop (xrf1)  }
0x2dd: {  	v50 =	vperm.xlane v12, v4;
	v12 =	vmov v20;
	v47, v48, _ =	vpop (xrf1);
	(xrf1) =	vsort.dscd.msk.f32 $0xffff, v42, v0;
	(erf) = vpow2.f32 v38  }
0x2de: {  	v20 =	vsel vm0, v25, v34;
	v25 =	vperm.xlane v33, v4;
	(xrf1) =	vsort.dscd.msk.f32 $0xffff, v31, v2;
	v31 =	vbroadcast v35, $0xF;
	v33 =	vpop (erf)  }
0x2df: {  	v14 =	vsel vm0, v14, v50;
	v34 =	vperm.xlane v48, v4;
	v35 =	vsel vm0, v44, v49;
	v36, v38, _ =	vpop (xrf1)  }
0x2e0: {  	v23 =	vsel vm0, v46, v23;
	v46 =	vsel vm0, v15, v26;
	v25 =	vsel vm0, v41, v25;
	v41, v42, _ =	vpop (xrf1)  }
0x2e1: {  	s23 =	sadd.s32 $0x200, s23;
	v26 =	vperm.xlane v47, v4;
	v38 =	vsel vm0, v38, v40;
	v40, v44, _ =	vpop (xrf1);
	(xrf1) =	vsort.dscd.msk.f32 $0xffff, v14, v46;
	(erf) = vrcp.f32 v31  }
0x2e2: {  	v11 =	vmul.f32 v33, v11;
	v14 =	vmov v22;
	v31 =	vld [tilespmem:s23+$0xA0];
	(xrf1) =	vsort.dscd.msk.f32 $0xffff, v25, v23;
	v23 =	vor.u32 s22, v5;
	v15, _, _ =	vpop (xrf2);
	s22 =	smov.u32 s20;
	s20 =	smov.u32 s28  }
0x2e3: {  	v33 =	vperm.xlane v45, v4;
	v46 =	vor.u32 s21, v5;
	s21 =	smov.u32 s17;
	s17 =	smov.u32 s26;
	v22 =	vld [tilespmem:s23+$0xB0];
	v25, v45, _ =	vpop (xrf1);
	v49 =	vbroadcast v15, $0xF  }
0x2e4: {  	v47 =	vld [tilespmem:s23+$0x30];
	(xrf1) =	vsort.dscd.msk.f32 $0xffff, v20, v35;
	v20 =	vsel vm0, v28, v27;
	v35 =	vmin.f32 v25, $8.000000000e+01;
	(erf) = vpow2.f32 v32;
	v25 =	vpop (erf)  }
0x2e5: {  	v15 =	vmov v19;
	v48 =	vld [tilespmem:s23+$0xFFFFFFB0];
	v28, v32, _ =	vpop (xrf1);
	(xrf1) =	vsort.dscd.msk.f32 $0xffff, v29, v20;
	v50 =	vmul.f32 v25, v9;
	(erf) = vrcp.f32 v49  }
0x2e6: {  	v25 =	vld [tilespmem:s23+$0xFFFFFF30];
	v9 =	vsel vm0, v28, v26;
	v49 =	vsel vm0, v32, v34;
	(xrf1) =	vsort.dscd.msk.f32 $0xffff, v43, v0;
	v26 =	vmul.f32 $1.442695020e+00, v35;
	v27 =	vpop (erf)  }
0x2e7: {  	v28 =	vld [tilespmem:s23+$0x90];
	v29, v32, _ =	vpop (xrf1);
	(xrf1) =	vsort.dscd.msk.f32 $0xffff, v9, v49;
	v9 =	vnsel vm0, $0x0, v27;
	[tilespmem:v23+s11+$0x0] =	vst.idx.msk $0xff, v50  }
0x2e8: {  	(xrf1) =	vsort.dscd.msk.f32 $0xffff, v22, v3;
	v19, v20, _ =	vpop (xrf1);
	(erf) = vpow2.f32 v26;
	[tilespmem:v46+s11+$0x0] =	vst.idx.msk $0xff, v11  }
0x2e9: {  	v27 =	vsel vm0, v36, v33;
	v11 =	vperm.xlane v32, v4;
	v22 =	vld [tilespmem:s23+$0xFFFFFFA0];
	v33, v34, _ =	vpop (xrf1);
	(xrf1) =	vsort.dscd.msk.f32 $0xffff, v37, v39  }
0x2ea: {  	v26 =	vperm.xlane v19, v4;
	v19 =	vperm.xlane v20, v4;
	v32 =	vld [tilespmem:s23+$0xFFFFFF90];
	(xrf1) =	vsort.dscd.msk.f32 $0xffff, v27, v38;
	v20 =	vpop (erf)  }
0x2eb: {  	v37 =	vperm.xlane v29, v4;
	v38 =	vor.u32 s16, v5;
	s16 =	smov.u32 s19;
	s19 =	smov.u32 s14;
	v36 =	vld [tilespmem:s23+$0x80];
	(xrf1) =	vsort.dscd.msk.f32 $0xffff, v31, v2;
	v29, v31, _ =	vpop (xrf1);
	[tilespmem:v23+s12+$0x0] =	vst.idx.msk $0xff, v7  }
0x2ec: {  	v39 =	vor.u32 s18, v5;
	s18 =	smov.u32 s15;
	s15 =	smov.u32 s25;
	v43 =	vperm.xlane v34, v4;
	v23 =	vperm.xlane v33, v4;
	v33, v34, _ =	vpop (xrf1);
	[tilespmem:v46+s12+$0x0] =	vst.idx.msk $0xff, v6  }
0x2ed: {  	v10 =	vmul.f32 v20, v10;
	v6 =	vmov v16;
	v35 =	vld [tilespmem:s23+$0x20];
	(xrf1) =	vsort.dscd.msk.f32 $0xffff, v28, v1;
	v33 =	vsel vm0, v33, v37;
	v27 =	vpop (erf)  }
0x2ee: {  	v7 =	vmov v30;
	v20 =	vsel vm0, v31, v43;
	v34 =	vsel vm0, v34, v11;
	v28 =	vpop (erf)  }
0x2ef: {  	v29 =	vsel vm0, v29, v23;
	v11 =	vnsel vm0, $0x0, v27;
	v31 =	vld [tilespmem:s23+$0xFFFFFF20];
	(xrf1) =	vsort.dscd.msk.f32 $0xffff, v21, v17;
	v17, v16, _ =	vpop (xrf1);
	v21 =	vmul.f32 v28, v24  }
0x2f0: {  	v30, v24, _ =	vpop (xrf1);
	v17 =	vmin.f32 v17, $8.000000000e+01;
	(xrf2) =	vadd.scan.msk.f32 $0xffff, v11;
	[tilespmem:v38+s11+$0x0] =	vst.idx.msk $0xff, v10  }
.Ltmp2:
0x2f1: {  	v42 =	vperm.xlane v42, v4;
	(xrf1) =	vsort.dscd.msk.f32 $0xffff, v29, v20;
	v17 =	vmul.f32 $1.442695020e+00, v17;
	v10 =	vpop (erf);
	[tilespmem:v39+s11+$0x0] =	vst.idx.msk $0xff, v21;
	(pc) =	sbr.rel @p0 .LBB2_6-.Ltmp2, $4  }
0x2f2: {  	v21 =	vperm.xlane v41, v4;
	v37 =	vld [tilespmem:s23+$0xFFFFFF80];
	(xrf1) =	vsort.dscd.msk.f32 $0xffff, v47, v3;
	v20, v23, _ =	vpop (xrf1);
	v10 =	vnsel vm0, $0x0, v10;
	[tilespmem:v38+s12+$0x0] =	vst.idx.msk $0xff, v8  }
0x2f3: {  	v40 =	vperm.xlane v40, v4;
	(xrf1) =	vsort.dscd.msk.f32 $0xffff, v22, v2;
	v22, v38, _ =	vpop (xrf1);
	(erf) = vpow2.f32 v17;
	[tilespmem:v39+s12+$0x0] =	vst.idx.msk $0xff, v18  }
0x2f4: {  	v27 =	vperm.xlane v44, v4;
	v17 =	vsel vm0, v24, v19;
	v18, v28, _ =	vpop (xrf1);
	v24 =	vsel vm0, v22, v21;
	(xrf2) =	vadd.scan.msk.f32 $0xffff, v9  }
0x2f5: {  	v8 =	vmov v45;
	v38 =	vsel vm0, v38, v42;
	v39 =	vld [tilespmem:s23+$0xFFFFFF10];
	(xrf1) =	vsort.dscd.msk.f32 $0xffff, v48, v3;
	v29 =	vsel vm0, v18, v40;
	v22, v19, _ =	vpop (xrf1)  }
0x2f6: {  	(xrf1) =	vsort.dscd.msk.f32 $0xffff, v36, v0  }
0x2f7: {  	(xrf2) =	vadd.scan.msk.f32 $0xffff, v10  }
0x2f8: {  	v21, v49, _ =	vpop (xrf1);
	(xrf1) =	vsort.dscd.msk.f32 $0xffff, v32, v1  }
0x2f9: {  	v50, v18, _ =	vpop (xrf1);
	(xrf1) =	vsort.dscd.msk.f32 $0xffff, v35, v2  }
0x2fa: {  	v40, v41, _ =	vpop (xrf1);
	(xrf1) =	vsort.dscd.msk.f32 $0xffff, v33, v34  }
0x2fb: {  	v51, v42, _ =	vpop (xrf1);
	(xrf1) =	vsort.dscd.msk.f32 $0xffff, v39, v1  }
0x2fc: {  	v53 =	vld [tilespmem:s23+$0x10];
	v36 =	vperm.xlane v49, v4;
	(xrf1) =	vsort.dscd.msk.f32 $0xffff, v24, v38;
	v43, v44, _ =	vpop (xrf1)  }
0x2fd: {  	v45 =	vld [tilespmem:s23+$0x0];
	v55 =	vperm.xlane v21, v4;
	v54 =	vpop (erf);
	(xrf1) =	vsort.dscd.msk.f32 $0xffff, v37, v0  }
0x2fe: {  	v52, _, _ =	vpop (xrf2);
	v36 =	vsel vm0, v42, v36;
	v24 =	vnsel vm0, $0x0, v54;
	(xrf1) =	vsort.dscd.msk.f32 $0xffff, v25, v3  }
0x2ff: {  	v35 =	vsel vm0, v51, v55;
	v56, v21, _ =	vpop (xrf1);
	(xrf2) =	vadd.scan.msk.f32 $0xffff, v24  }
0x300: {  	v57, _, _ =	vpop (xrf2);
	(xrf1) =	vsort.dscd.msk.f32 $0xffff, v35, v36  }
0x301: {  	v13 =	vperm.xlane v13, v4;
	v12 =	vperm.xlane v12, v4;
	v25, v39, _ =	vpop (xrf1);
	(xrf1) =	vsort.dscd.msk.f32 $0xffff, v53, v1  }
0x302: {  	v35, v36, _ =	vpop (xrf1);
	(xrf1) =	vsort.dscd.msk.f32 $0xffff, v45, v0  }
0x303: {  	v12 =	vsel vm0, v14, v12;
	v13 =	vsel vm0, v15, v13;
	v60, _, _ =	vpop (xrf2);
	(xrf1) =	vsort.dscd.msk.f32 $0xffff, v31, v2  }
0x304: {  	v43 =	vperm.xlane v43, v4;
	v59, v58, _ =	vpop (xrf1);
	(xrf1) =	vsort.dscd.msk.f32 $0xffff, v12, v13;
	v12 =	vmin.f32 v50, $8.000000000e+01  }
0x305: {  	v14, v15, _ =	vpop (xrf1);
	v32 =	vmul.f32 $1.442695020e+00, v12;
	v12 =	vbroadcast v52, $0xF  }
0x306: {  	v38 =	vbroadcast v57, $0xF;
	v13, v31, _ =	vpop (xrf1)  }
0x307: {  	v62 =	vperm.xlane v44, v4;
	v61, v46, _ =	vpop (xrf1);
	(erf) = vrcp.f32 v12;
	v12 =	vmin.f32 v56, $8.000000000e+01  }
0x308: {  	v47, v48, _ =	vpop (xrf1);
	v50 =	vmul.f32 $1.442695020e+00, v12;
	v12 =	vsel vm0, v13, v43  }
0x309: {  	v13 =	vperm.xlane v14, v4;
	v14 =	vperm.xlane v15, v4;
	v15 =	vsel vm0, v31, v62;
	v44, v49, _ =	vpop (xrf1)  }
0x30a: {  	v54 =	vbroadcast v60, $0xF;
	(erf) = vrcp.f32 v38;
	v38, v43, _ =	vpop (xrf1)  }
0x30b: {  	v31, _, _ =	vpop (xrf2);
	(erf) = vpow2.f32 v50;
	v14 =	vsel vm0, v58, v14  }
0x30c: {  	(xrf1) =	vsort.dscd.msk.f32 $0xffff, v12, v15;
	v13 =	vsel vm0, v59, v13;
	(erf) = vrcp.f32 v54;
	v31 =	vbroadcast v31, $0xF;
	v15, v12, _ =	vpop (xrf1)  }
0x30d: {  	(xrf1) =	vsort.dscd.msk.f32 $0xffff, v13, v14;
	v13 =	vsel vm0, v28, v27;
	v27 =	vperm.xlane v61, v4;
	v55, v56, _ =	vpop (xrf1);
	v15 =	vmin.f32 v15, $8.000000000e+01  }
0x30e: {  	(erf) = vpow2.f32 v32;
	v14, v28, _ =	vpop (xrf1)  }
0x30f: {  	v57 =	vld [tilespmem:s23+$0xFFFFFF00];
	(xrf1) =	vsort.dscd.msk.f32 $0xffff, v29, v13;
	(erf) = vrcp.f32 v31;
	v31 =	vperm.xlane v41, v4;
	v32, v33, _ =	vpop (xrf1)  }
0x310: {  	v63 =	vperm.xlane v40, v4;
	v13 =	vmul.f32 $1.442695020e+00, v15;
	v15, v29, _ =	vpop (xrf1)  }
0x311: {  	v34 =	vsel vm0, v55, v27;
	v27 =	vpop (erf)  }
0x312: {  	v25 =	vsel vm0, v25, v63;
	v59, v60, _ =	vpop (xrf1)  }
0x313: {  	v58 =	vperm.xlane v46, v4;
	v63 =	vsel vm0, v39, v31;
	(erf) = vpow2.f32 v13;
	v31 =	vpop (erf)  }
0x314: {  	v36 =	vperm.xlane v36, v4;
	v35 =	vperm.xlane v35, v4;
	(xrf1) =	vsort.dscd.msk.f32 $0xffff, v57, v0;
	v61, v51, _ =	vpop (xrf1)  }
0x315: {  	v40 =	vsel vm0, v56, v58;
	v62, v13, _ =	vpop (xrf1)  }
0x316: {  	v36 =	vsel vm0, v48, v36;
	v35 =	vsel vm0, v47, v35;
	(xrf1) =	vsort.dscd.msk.f32 $0xffff, v34, v40;
	v47 =	vpop (erf);
	v45 =	vmin.f32 v62, $8.000000000e+01  }
0x317: {  	v30 =	vsel vm0, v30, v26;
	(xrf1) =	vsort.dscd.msk.f32 $0xffff, v25, v63;
	v15 =	vperm.xlane v15, v4;
	v26 =	vpop (erf);
	v25 =	vmul.f32 $1.442695020e+00, v45  }
0x318: {  	v48 =	vpop (erf)  }
0x319: {  	(xrf1) =	vsort.dscd.msk.f32 $0xffff, v35, v36;
	v15 =	vsel vm0, v59, v15;
	(erf) = vpow2.f32 v25;
	v25 =	vperm.xlane v29, v4;
	v29 =	vpop (erf)  }
0x31a: {  	(xrf1) =	vsort.dscd.msk.f32 $0xffff, v30, v17;
	v30 =	vperm.xlane v28, v4;
	v17 =	vnsel vm0, $0x0, v48;
	v35, v36, _ =	vpop (xrf1)  }
0x31b: {  	v50 =	vperm.xlane v49, v4;
	v14 =	vperm.xlane v14, v4;
	(xrf2) =	vadd.scan.msk.f32 $0xffff, v17;
	v25 =	vsel vm0, v60, v25;
	v37, v39, _ =	vpop (xrf1)  }
0x31c: {  	v28 =	vnsel vm0, $0x0, v47;
	v30 =	vsel vm0, v51, v30;
	v51 =	vperm.xlane v44, v4;
	(xrf1) =	vsort.dscd.msk.f32 $0xffff, v15, v25;
	v15 =	vpop (erf)  }
0x31d: {  	v14 =	vsel vm0, v61, v14;
	(xrf2) =	vadd.scan.msk.f32 $0xffff, v28;
	v25 =	vnsel vm0, $0x0, v15;
	v15, v52, _ =	vpop (xrf1)  }
0x31e: {  	(xrf1) =	vsort.dscd.msk.f32 $0xffff, v14, v30;
	v14 =	vsel vm0, v15, v51;
	v15 =	vsel vm0, v52, v50  }
0x31f: {  	(xrf1) =	vsort.dscd.msk.f32 $0xffff, v14, v15  }
0x320: {  	(xrf2) =	vadd.scan.msk.f32 $0xffff, v25;
	_ =	sdelay $0x1  }
0x321: {  	v30, v53, _ =	vpop (xrf1)  }
0x322: {  	v15 =	vperm.xlane v23, v4;
	v23 =	vperm.xlane v20, v4;
	v14 =	vpop (erf)  }
0x323: {  	v40, v41, _ =	vpop (xrf1);
	v20 =	vnsel vm0, $0x0, v14  }
0x324: {  	v22 =	vsel vm0, v22, v23;
	v15 =	vsel vm0, v19, v15;
	v54, _, _ =	vpop (xrf2);
	(xrf2) =	vadd.scan.msk.f32 $0xffff, v20  }
0x325: {  	(xrf1) =	vsort.dscd.msk.f32 $0xffff, v22, v15;
	v19, v14, _ =	vpop (xrf1)  }
0x326: {  	v56, _, _ =	vpop (xrf2)  }
0x327: {  	v22, v23, _ =	vpop (xrf1)  }
0x328: {  	v42 =	vbroadcast v54, $0xF;
	v19 =	vmin.f32 v19, $8.000000000e+01;
	v55, v15, _ =	vpop (xrf1)  }
0x329: {  	v38 =	vperm.xlane v38, v4;
	v43 =	vperm.xlane v43, v4;
	v58, _, _ =	vpop (xrf2)  }
0x32a: {  	v45 =	vbroadcast v56, $0xF;
	(erf) = vrcp.f32 v42;
	v44 =	vmin.f32 v55, $8.000000000e+01;
	v60, v59, _ =	vpop (xrf1)  }
0x32b: {  	v61 =	vmul.f32 $1.442695020e+00, v19;
	v57 =	vmul.f32 $1.442695020e+00, v44;
	v63, v62, _ =	vpop (xrf1)  }
0x32c: {  	v30 =	vsel vm0, v30, v38;
	(erf) = vrcp.f32 v45;
	v44 =	vbroadcast v58, $0xF;
	v52, v19, _ =	vpop (xrf1)  }
0x32d: {  	v55 =	vperm.xlane v22, v4;
	(erf) = vpow2.f32 v57;
	v54 =	vmin.f32 v52, $8.000000000e+01  }
0x32e: {  	v34 =	vsel vm0, v53, v43;
	(erf) = vrcp.f32 v44;
	v51, _, _ =	vpop (xrf2);
	v22 =	vmul.f32 $1.442695020e+00, v54  }
0x32f: {  	(xrf1) =	vsort.dscd.msk.f32 $0xffff, v30, v34;
	v53 =	vbroadcast v51, $0xF  }
0x330: {  	(erf) = vpow2.f32 v61  }
0x331: {  	(erf) = vrcp.f32 v53  }
0x332: {  	v23 =	vperm.xlane v23, v4;
	(erf) = vpow2.f32 v22  }
0x333: {  	v30 =	vperm.xlane v32, v4;
	v56 =	vperm.xlane v33, v4;
	v57, v22, _ =	vpop (xrf1)  }
0x334: {  	v38 =	vsel vm0, v60, v55;
	v23 =	vsel vm0, v59, v23;
	v34 =	vpop (erf);
	v33 =	vmin.f32 v57, $8.000000000e+01  }
0x335: {  	v30 =	vsel vm0, v35, v30;
	v32 =	vsel vm0, v36, v56;
	(xrf1) =	vsort.dscd.msk.f32 $0xffff, v38, v23;
	v43 =	vpop (erf);
	v23 =	vmul.f32 $1.442695020e+00, v33  }
0x336: {  	(xrf1) =	vsort.dscd.msk.f32 $0xffff, v30, v32;
	v58 =	vpop (erf)  }
0x337: {  	v35 =	vpop (erf);
	(erf) = vpow2.f32 v23;
	_ =	sdelay $0x1  }
0x338: {  	v23 =	vpop (erf)  }
0x339: {  	v23 =	vnsel vm0, $0x0, v23;
	v32 =	vpop (erf)  }
0x33a: {  	v30 =	vnsel vm0, $0x0, v58;
	(xrf2) =	vadd.scan.msk.f32 $0xffff, v23;
	v60 =	vpop (erf)  }
0x33b: {  	v59 =	vperm.xlane v62, v4;
	v61 =	vperm.xlane v63, v4;
	(xrf2) =	vadd.scan.msk.f32 $0xffff, v30;
	v36 =	vnsel vm0, $0x0, v60  }
0x33c: {  	v39 =	vperm.xlane v39, v4;
	v37 =	vperm.xlane v37, v4;
	v63, v62, _ =	vpop (xrf1);
	(xrf2) =	vadd.scan.msk.f32 $0xffff, v36  }
0x33d: {  	v38 =	vsel vm0, v63, v61;
	v33 =	vsel vm0, v62, v59  }
0x33e: {  	v47 =	vsel vm0, v40, v37;
	v48 =	vsel vm0, v41, v39;
	(xrf1) =	vsort.dscd.msk.f32 $0xffff, v38, v33  }
0x33f: {  	(xrf1) =	vsort.dscd.msk.f32 $0xffff, v47, v48;
	v49 =	vpop (erf)  }
0x340: {  	v33 =	vnsel vm0, $0x0, v49  }
0x341: {  	(xrf2) =	vadd.scan.msk.f32 $0xffff, v33  }
0x342: {  	v50, v38, _ =	vpop (xrf1)  }
0x343: {  	v52, v41, _ =	vpop (xrf1)  }
0x344: {  	v51, _, _ =	vpop (xrf2)  }
0x345: {  	v40 =	vmin.f32 v52, $8.000000000e+01;
	v39 =	vbroadcast v51, $0xF;
	v53, _, _ =	vpop (xrf2)  }
0x346: {  	v54 =	vmul.f32 $1.442695020e+00, v40;
	v42 =	vbroadcast v53, $0xF;
	v55, _, _ =	vpop (xrf2)  }
0x347: {  	(erf) = vrcp.f32 v39;
	v40 =	vbroadcast v55, $0xF  }
0x348: {  	v37 =	vmin.f32 v50, $8.000000000e+01;
	(erf) = vrcp.f32 v42  }
0x349: {  	v37 =	vmul.f32 $1.442695020e+00, v37;
	(erf) = vpow2.f32 v54  }
0x34a: {  	(erf) = vrcp.f32 v40  }
0x34b: {  	v56, _, _ =	vpop (xrf2);
	(erf) = vpow2.f32 v37  }
0x34c: {  	v57, v40, _ =	vpop (xrf1)  }
0x34d: {  	v39 =	vbroadcast v56, $0xF;
	v37 =	vmin.f32 v57, $8.000000000e+01;
	v59, v58, _ =	vpop (xrf1)  }
0x34e: {  	v37 =	vmul.f32 $1.442695020e+00, v37;
	v42 =	vmin.f32 v59, $8.000000000e+01  }
0x34f: {  	(erf) = vrcp.f32 v39;
	v60 =	vmul.f32 $1.442695020e+00, v42  }
0x350: {  	v61 =	vpop (erf);
	(erf) = vpow2.f32 v37  }
0x351: {  	v52 =	vor.u32 s22, v5;
	v62 =	vpop (erf);
	(erf) = vpow2.f32 v60  }
0x352: {  	v63 =	vpop (erf)  }
0x353: {  	v54 =	vor.u32 s21, v5;
	v53 =	vpop (erf)  }
0x354: {  	v9 =	vmul.f32 v31, v9;
	v55 =	vpop (erf)  }
0x355: {  	v11 =	vmul.f32 v27, v11;
	v31 =	vnsel vm0, $0x0, v55  }
0x356: {  	[tilespmem:v52+s11+$0x0] =	vst.idx.msk $0xff, v9;
	v9 =	vor.u32 s16, v5;
	v27 =	vnsel vm0, $0x0, v63;
	(xrf2) =	vadd.scan.msk.f32 $0xffff, v31  }
0x357: {  	[tilespmem:v52+s12+$0x0] =	vst.idx.msk $0xff, v7;
	(xrf2) =	vadd.scan.msk.f32 $0xffff, v27  }
0x358: {  	[tilespmem:v54+s11+$0x0] =	vst.idx.msk $0xff, v11;
	v11 =	vor.u32 s18, v5;
	v56 =	vpop (erf)  }
0x359: {  	[tilespmem:v54+s12+$0x0] =	vst.idx.msk $0xff, v6;
	v6 =	vmul.f32 v26, v10;
	v7 =	vpop (erf)  }
0x35a: {  	v24 =	vmul.f32 v29, v24;
	v26 =	vor.u32 s20, v5;
	v7 =	vnsel vm0, $0x0, v7;
	v10 =	vpop (erf)  }
0x35b: {  	[tilespmem:v9+s11+$0x0] =	vst.idx.msk $0xff, v6;
	v6 =	vor.u32 s17, v5;
	(xrf2) =	vadd.scan.msk.f32 $0xffff, v7;
	v10 =	vnsel vm0, $0x0, v10  }
0x35c: {  	[tilespmem:v9+s12+$0x0] =	vst.idx.msk $0xff, v8;
	(xrf2) =	vadd.scan.msk.f32 $0xffff, v10  }
0x35d: {  	v8 =	vmul.f32 v43, v28;
	[tilespmem:v11+s11+$0x0] =	vst.idx.msk $0xff, v24  }
0x35e: {  	v9 =	vmul.f32 v34, v17;
	[tilespmem:v11+s12+$0x0] =	vst.idx.msk $0xff, v16  }
0x35f: {  	v11 =	vor.u32 s19, v5;
	[tilespmem:v26+s11+$0x0] =	vst.idx.msk $0xff, v8  }
0x360: {  	v8 =	vor.u32 s15, v5;
	[tilespmem:v6+s11+$0x0] =	vst.idx.msk $0xff, v9;
	v16, _, _ =	vpop (xrf2)  }
0x361: {  	s14 =	sadd.s32 $0x20, s14;
	[tilespmem:v6+s12+$0x0] =	vst.idx.msk $0xff, v18;
	v6 =	vmul.f32 v32, v20;
	v9 =	vbroadcast v16, $0xF;
	v16, _, _ =	vpop (xrf2)  }
0x362: {  	s22 =	sadd.s32 $0x18, s14;
	v17 =	vmul.f32 v35, v25;
	v16 =	vbroadcast v16, $0xF  }
0x363: {  	s23 =	sadd.s32 $0x10, s14;
	[tilespmem:v26+s12+$0x0] =	vst.idx.msk $0xff, v21;
	v18 =	vor.u32 s22, v5;
	(erf) = vrcp.f32 v9  }
0x364: {  	[tilespmem:v11+s11+$0x0] =	vst.idx.msk $0xff, v17;
	v9 =	vor.u32 s23, v5;
	(erf) = vrcp.f32 v16  }
0x365: {  	[tilespmem:v8+s11+$0x0] =	vst.idx.msk $0xff, v6;
	v6, _, _ =	vpop (xrf2)  }
0x366: {  	[tilespmem:v11+s12+$0x0] =	vst.idx.msk $0xff, v12;
	v11 =	vmul.f32 v62, v30;
	v6 =	vbroadcast v6, $0xF;
	v12, _, _ =	vpop (xrf2)  }
0x367: {  	s24 =	sadd.s32 $0x8, s14;
	[tilespmem:v8+s12+$0x0] =	vst.idx.msk $0xff, v13;
	v8 =	vmul.f32 v61, v23;
	v13 =	vor.u32 s14, v5;
	v12 =	vbroadcast v12, $0xF  }
0x368: {  	[tilespmem:v18+s11+$0x0] =	vst.idx.msk $0xff, v11;
	v11 =	vor.u32 s24, v5;
	(erf) = vrcp.f32 v6;
	v6 =	vmul.f32 v53, v36  }
0x369: {  	s14 =	sadd.s32 $0x20, s14;
	[tilespmem:v9+s11+$0x0] =	vst.idx.msk $0xff, v8;
	v8 =	vmul.f32 v56, v33;
	(erf) = vrcp.f32 v12  }
0x36a: {  	s25 =	sadd.s32 $0x18, s14;
	[tilespmem:v18+s12+$0x0] =	vst.idx.msk $0xff, v15  }
0x36b: {  	s26 =	sadd.s32 $0x10, s14;
	[tilespmem:v9+s12+$0x0] =	vst.idx.msk $0xff, v14;
	v9 =	vor.u32 s25, v5  }
0x36c: {  	v12 =	vor.u32 s26, v5;
	[tilespmem:v13+s11+$0x0] =	vst.idx.msk $0xff, v6;
	v6 =	vpop (erf)  }
0x36d: {  	[tilespmem:v11+s11+$0x0] =	vst.idx.msk $0xff, v8;
	v8 =	vpop (erf);
	v6 =	vmul.f32 v6, v31  }
0x36e: {  	[tilespmem:v13+s12+$0x0] =	vst.idx.msk $0xff, v19;
	v8 =	vmul.f32 v8, v27  }
0x36f: {  	s28 =	sadd.s32 $0x8, s14;
	[tilespmem:v11+s12+$0x0] =	vst.idx.msk $0xff, v22;
	v11 =	vor.u32 s14, v5  }
0x370: {  	[tilespmem:v9+s11+$0x0] =	vst.idx.msk $0xff, v8;
	v8 =	vor.u32 s28, v5  }
0x371: {  	[tilespmem:v12+s11+$0x0] =	vst.idx.msk $0xff, v6;
	v6 =	vpop (erf)  }
0x372: {  	[tilespmem:v12+s12+$0x0] =	vst.idx.msk $0xff, v38;
	v6 =	vmul.f32 v6, v7;
	v7 =	vpop (erf)  }
0x373: {  	[tilespmem:v9+s12+$0x0] =	vst.idx.msk $0xff, v41;
	v7 =	vmul.f32 v7, v10  }
0x374: {  	[tilespmem:v11+s11+$0x0] =	vst.idx.msk $0xff, v6  }
0x375: {  	[tilespmem:v8+s11+$0x0] =	vst.idx.msk $0xff, v7  }
0x376: {  	[tilespmem:v11+s12+$0x0] =	vst.idx.msk $0xff, v40  }
0x377: {  	[tilespmem:v8+s12+$0x0] =	vst.idx.msk $0xff, v58  }
0x378: {  	[tilespmem:s2], [sflag:$0x1] =	stream.linear.gather [hbm4b:s6+s2], $0x4000, $0x38;
	[tilespmem:$0x6000] =	vst v63  }
0x379: {  	_ =	swait.ge [sflag:s10], $0x4000  }
0x37a: {  	[sflag:s10] =	ssyncset.done $0x0  }
0x37b: {  	s29 =	simm.s32 $0x100;
	[sflag:s10] =	ssyncadd.s32 $0xFFFFC000  }
0x37c: {  	v6 =	vld [tilespmem:s29+$0xB0];
	_ =	sdelay $0x1  }
0x37d: {  	v7 =	vld [tilespmem:s29+$0xA0];
	_ =	sdelay $0x2  }
0x37e: {  	(xrf1) =	vsort.dscd.msk.f32 $0xffff, v6, v3;
	_ =	sdelay $0x1  }
0x37f: {  	v6 =	vld [tilespmem:s29+$0x90];
	(xrf1) =	vsort.dscd.msk.f32 $0xffff, v7, v2  }
0x380: {  	v7 =	vld [tilespmem:s29+$0x30]  }
0x381: {  	v8 =	vld [tilespmem:s29+$0xFFFFFFA0]  }
0x382: {  	v9 =	vld [tilespmem:s29+$0xFFFFFFB0];
	_ =	sdelay $0x1  }
0x383: {  	v10 =	vld [tilespmem:s29+$0x80];
	(xrf1) =	vsort.dscd.msk.f32 $0xffff, v6, v1  }
0x384: {  	v6 =	vld [tilespmem:s29+$0xFFFFFF90];
	(xrf1) =	vsort.dscd.msk.f32 $0xffff, v7, v3  }
0x385: {  	(xrf1) =	vsort.dscd.msk.f32 $0xffff, v8, v2  }
0x386: {  	v7 =	vld [tilespmem:s29+$0x20];
	(xrf1) =	vsort.dscd.msk.f32 $0xffff, v9, v3  }
0x387: {  	v8 =	vld [tilespmem:s29+$0xFFFFFF10]  }
0x388: {  	v9 =	vld [tilespmem:s29+$0xFFFFFF80];
	(xrf1) =	vsort.dscd.msk.f32 $0xffff, v10, v0  }
0x389: {  	(xrf1) =	vsort.dscd.msk.f32 $0xffff, v6, v1  }
0x38a: {  	v11 =	vld [tilespmem:s29+$0xFFFFFF30];
	v6, v10, _ =	vpop (xrf1)  }
0x38b: {  	(xrf1) =	vsort.dscd.msk.f32 $0xffff, v7, v2;
	v7 =	vperm.xlane v10, v4  }
0x38c: {  	v12 =	vld [tilespmem:s29+$0x10];
	(xrf1) =	vsort.dscd.msk.f32 $0xffff, v8, v1;
	v6 =	vperm.xlane v6, v4;
	v8, v10, _ =	vpop (xrf1)  }
0x38d: {  	(xrf1) =	vsort.dscd.msk.f32 $0xffff, v9, v0;
	v7 =	vsel vm0, v10, v7  }
0x38e: {  	v13 =	vld [tilespmem:s29+$0x0];
	v6 =	vsel vm0, v8, v6  }
0x38f: {  	(xrf1) =	vsort.dscd.msk.f32 $0xffff, v11, v3  }
0x390: {  	(xrf1) =	vsort.dscd.msk.f32 $0xffff, v6, v7  }
0x391: {  	(xrf1) =	vsort.dscd.msk.f32 $0xffff, v12, v1;
	v6, v7, _ =	vpop (xrf1)  }
0x392: {  	v9, v10, _ =	vpop (xrf1)  }
0x393: {  	v8 =	vld [tilespmem:s29+$0xFFFFFF20];
	(xrf1) =	vsort.dscd.msk.f32 $0xffff, v13, v0;
	v11, v12, _ =	vpop (xrf1)  }
0x394: {  	v13, v14, _ =	vpop (xrf1)  }
0x395: {  	v13 =	vperm.xlane v13, v4  }
0x396: {  	v16, v17, _ =	vpop (xrf1);
	v14 =	vperm.xlane v14, v4  }
0x397: {  	v7 =	vperm.xlane v7, v4;
	v6 =	vperm.xlane v6, v4;
	v18, v19, _ =	vpop (xrf1);
	v11 =	vsel vm0, v11, v13  }
0x398: {  	v15 =	vld [tilespmem:s29+$0xFFFFFF00];
	(xrf1) =	vsort.dscd.msk.f32 $0xffff, v8, v2;
	v12 =	vsel vm0, v12, v14;
	v14 =	vperm.xlane v18, v4  }
0x399: {  	s30 =	simm.s32 $0x300;
	v6 =	vsel vm0, v16, v6;
	v7 =	vsel vm0, v17, v7;
	v8 =	vperm.xlane v19, v4;
	v13, v19, _ =	vpop (xrf1)  }
0x39a: {  	v16 =	vld [tilespmem:s30+$0xB0];
	(xrf1) =	vsort.dscd.msk.f32 $0xffff, v6, v7;
	v17, v18, _ =	vpop (xrf1)  }
0x39b: {  	v6 =	vperm.xlane v10, v4;
	(xrf1) =	vsort.dscd.msk.f32 $0xffff, v11, v12;
	v10, v11, _ =	vpop (xrf1)  }
0x39c: {  	v7 =	vld [tilespmem:s30+$0xA0];
	v10 =	vsel vm0, v10, v14  }
0x39d: {  	v9 =	vperm.xlane v9, v4;
	(xrf1) =	vsort.dscd.msk.f32 $0xffff, v15, v0;
	v8 =	vsel vm0, v11, v8;
	v11 =	vld [tilespmem:s30+$0x90];
	v12, v14, _ =	vpop (xrf1)  }
0x39e: {  	(xrf1) =	vsort.dscd.msk.f32 $0xffff, v10, v8;
	v15, v20, _ =	vpop (xrf1)  }
0x39f: {  	v6 =	vsel vm0, v19, v6;
	v9 =	vsel vm0, v13, v9;
	v8 =	vld [tilespmem:s30+$0x30];
	(xrf1) =	vsort.dscd.msk.f32 $0xffff, v16, v3;
	v10, v13, _ =	vpop (xrf1)  }
0x3a0: {  	v16 =	vld [tilespmem:s30+$0xFFFFFFA0];
	(xrf1) =	vsort.dscd.msk.f32 $0xffff, v9, v6;
	v6 =	vperm.xlane v10, v4;
	v9 =	vperm.xlane v13, v4  }
0x3a1: {  	v10 =	vld [tilespmem:s30+$0xFFFFFFB0];
	(xrf1) =	vsort.dscd.msk.f32 $0xffff, v7, v2;
	v7, v13, _ =	vpop (xrf1)  }
0x3a2: {  	(xrf1) =	vsort.dscd.msk.f32 $0xffff, v11, v1;
	v9 =	vsel vm0, v13, v9;
	v6 =	vsel vm0, v7, v6  }
0x3a3: {  	(xrf1) =	vsort.dscd.msk.f32 $0xffff, v6, v9  }
0x3a4: {  	v7 =	vld [tilespmem:s30+$0x80];
	(xrf1) =	vsort.dscd.msk.f32 $0xffff, v8, v3  }
0x3a5: {  	v6 =	vld [tilespmem:s30+$0xFFFFFF90];
	(xrf1) =	vsort.dscd.msk.f32 $0xffff, v16, v2  }
0x3a6: {  	v8 =	vld [tilespmem:s30+$0x20];
	(xrf1) =	vsort.dscd.msk.f32 $0xffff, v10, v3;
	v10 =	vperm.xlane v12, v4  }
0x3a7: {  	v9 =	vperm.xlane v14, v4  }
0x3a8: {  	v13 =	vld [tilespmem:s30+$0xFFFFFF10];
	v11, v12, _ =	vpop (xrf1)  }
0x3a9: {  	v14 =	vld [tilespmem:s30+$0xFFFFFF80];
	(xrf1) =	vsort.dscd.msk.f32 $0xffff, v7, v0;
	v7, v16, _ =	vpop (xrf1);
	v9 =	vsel vm0, v12, v9  }
0x3aa: {  	(xrf1) =	vsort.dscd.msk.f32 $0xffff, v6, v1;
	v6 =	vsel vm0, v11, v10;
	v10, v11, _ =	vpop (xrf1)  }
0x3ab: {  	(xrf1) =	vsort.dscd.msk.f32 $0xffff, v8, v2;
	v19, v21, _ =	vpop (xrf1)  }
0x3ac: {  	(xrf1) =	vsort.dscd.msk.f32 $0xffff, v6, v9;
	v9, v8, _ =	vpop (xrf1)  }
0x3ad: {  	(xrf1) =	vsort.dscd.msk.f32 $0xffff, v13, v1;
	v6, v13, _ =	vpop (xrf1)  }
0x3ae: {  	v12 =	vld [tilespmem:s30+$0xFFFFFF30];
	(xrf1) =	vsort.dscd.msk.f32 $0xffff, v14, v0;
	v13 =	vperm.xlane v13, v4;
	v14, v23, _ =	vpop (xrf1)  }
0x3af: {  	v6 =	vperm.xlane v6, v4;
	v24, v25, _ =	vpop (xrf1)  }
0x3b0: {  	v22 =	vld [tilespmem:s30+$0x10];
	v13 =	vsel vm0, v25, v13  }
0x3b1: {  	v6 =	vsel vm0, v24, v6  }
0x3b2: {  	v26 =	vld [tilespmem:s30+$0x0];
	v24, v25, _ =	vpop (xrf1)  }
0x3b3: {  	(xrf1) =	vsort.dscd.msk.f32 $0xffff, v12, v3;
	v12, v27, _ =	vpop (xrf1)  }
0x3b4: {  	(xrf1) =	vsort.dscd.msk.f32 $0xffff, v6, v13;
	v6, v13, _ =	vpop (xrf1)  }
0x3b5: {  	(xrf1) =	vsort.dscd.msk.f32 $0xffff, v22, v1;
	v22 =	vld [tilespmem:s30+$0xFFFFFF20];
	v28, v29, _ =	vpop (xrf1)  }
0x3b6: {  	v17 =	vperm.xlane v17, v4;
	v18 =	vperm.xlane v18, v4;
	v30, v31, _ =	vpop (xrf1)  }
0x3b7: {  	(xrf1) =	vsort.dscd.msk.f32 $0xffff, v26, v0;
	v26 =	vperm.xlane v30, v4;
	v31 =	vperm.xlane v31, v4  }
0x3b8: {  	v25 =	vperm.xlane v25, v4;
	v24 =	vperm.xlane v24, v4;
	v30, v57, _ =	vpop (xrf1)  }
0x3b9: {  	v17 =	vsel vm0, v19, v17;
	v19 =	vld [tilespmem:s30+$0xFFFFFF00];
	v18 =	vsel vm0, v21, v18;
	v59, v58, _ =	vpop (xrf1);
	v26 =	vsel vm0, v28, v26  }
0x3ba: {  	s31 =	simm.s32 $0x500;
	(xrf1) =	vsort.dscd.msk.f32 $0xffff, v22, v2;
	v24 =	vsel vm0, v30, v24;
	v25 =	vsel vm0, v57, v25;
	v22, v28, _ =	vpop (xrf1)  }
0x3bb: {  	v21 =	vperm.xlane v23, v4;
	v29 =	vsel vm0, v29, v31;
	(xrf1) =	vsort.dscd.msk.f32 $0xffff, v24, v25;
	v24 =	vld [tilespmem:s31+$0xB0];
	v31, v60, _ =	vpop (xrf1)  }
0x3bc: {  	v30 =	vperm.xlane v58, v4;
	v25 =	vperm.xlane v59, v4;
	(xrf1) =	vsort.dscd.msk.f32 $0xffff, v26, v29;
	v62, v61, _ =	vpop (xrf1)  }
0x3bd: {  	v14 =	vperm.xlane v14, v4;
	(xrf1) =	vsort.dscd.msk.f32 $0xffff, v17, v18;
	v23, v26, _ =	vpop (xrf1)  }
0x3be: {  	v17 =	vld [tilespmem:s31+$0xA0];
	(xrf1) =	vsort.dscd.msk.f32 $0xffff, v19, v0;
	v18 =	vsel vm0, v23, v25;
	v23 =	vsel vm0, v26, v30  }
0x3bf: {  	v13 =	vperm.xlane v13, v4;
	v6 =	vperm.xlane v6, v4;
	(xrf1) =	vsort.dscd.msk.f32 $0xffff, v18, v23  }
0x3c0: {  	v12 =	vsel vm0, v12, v14;
	v14 =	vsel vm0, v27, v21;
	v19 =	vld [tilespmem:s31+$0x90];
	(xrf1) =	vsort.dscd.msk.f32 $0xffff, v24, v3  }
0x3c1: {  	v13 =	vsel vm0, v28, v13;
	v6 =	vsel vm0, v22, v6;
	v18, v21, _ =	vpop (xrf1);
	(xrf1) =	vsort.dscd.msk.f32 $0xffff, v12, v14  }
0x3c2: {  	v23, v24, _ =	vpop (xrf1);
	(xrf1) =	vsort.dscd.msk.f32 $0xffff, v6, v13  }
0x3c3: {  	v12 =	vperm.xlane v15, v4;
	v14 =	vperm.xlane v20, v4;
	v15 =	vld [tilespmem:s31+$0x30];
	v20, v22, _ =	vpop (xrf1);
	(xrf1) =	vsort.dscd.msk.f32 $0xffff, v17, v2  }
0x3c4: {  	v6 =	vld [tilespmem:s31+$0xFFFFFFA0];
	v13 =	vperm.xlane v20, v4;
	v17 =	vperm.xlane v22, v4  }
0x3c5: {  	v14 =	vsel vm0, v16, v14;
	v7 =	vsel vm0, v7, v12;
	v12 =	vld [tilespmem:s31+$0xFFFFFFB0];
	(xrf1) =	vsort.dscd.msk.f32 $0xffff, v19, v1;
	v16, v20, _ =	vpop (xrf1)  }
0x3c6: {  	(xrf1) =	vsort.dscd.msk.f32 $0xffff, v7, v14;
	v7 =	vld [tilespmem:s31+$0x80];
	v17 =	vsel vm0, v20, v17;
	v13 =	vsel vm0, v16, v13  }
0x3c7: {  	v14 =	vld [tilespmem:s31+$0xFFFFFF90];
	(xrf1) =	vsort.dscd.msk.f32 $0xffff, v13, v17  }
0x3c8: {  	v18 =	vperm.xlane v18, v4;
	v17 =	vld [tilespmem:s31+$0x20];
	(xrf1) =	vsort.dscd.msk.f32 $0xffff, v15, v3;
	v15, v16, _ =	vpop (xrf1)  }
0x3c9: {  	(xrf1) =	vsort.dscd.msk.f32 $0xffff, v6, v2;
	v19, v20, _ =	vpop (xrf1);
	v6 =	vperm.xlane v21, v4  }
0x3ca: {  	v21 =	vld [tilespmem:s31+$0xFFFFFF10];
	(xrf1) =	vsort.dscd.msk.f32 $0xffff, v12, v3;
	v12, v13, _ =	vpop (xrf1)  }
0x3cb: {  	v28 =	vperm.xlane v31, v4;
	v22, v25, _ =	vpop (xrf1);
	(xrf1) =	vsort.dscd.msk.f32 $0xffff, v7, v0;
	v6 =	vsel vm0, v16, v6  }
0x3cc: {  	v27 =	vperm.xlane v60, v4;
	v7 =	vsel vm0, v15, v18;
	v16 =	vld [tilespmem:s31+$0xFFFFFF80];
	v18, v26, _ =	vpop (xrf1);
	(xrf1) =	vsort.dscd.msk.f32 $0xffff, v14, v1  }
0x3cd: {  	v14, v15, _ =	vpop (xrf1);
	(xrf1) =	vsort.dscd.msk.f32 $0xffff, v17, v2  }
0x3ce: {  	v17, v29, _ =	vpop (xrf1);
	(xrf1) =	vsort.dscd.msk.f32 $0xffff, v7, v6;
	v7 =	vsel vm0, v22, v28;
	v22 =	vsel vm0, v25, v27  }
0x3cf: {  	v25, v6, _ =	vpop (xrf1);
	(xrf1) =	vsort.dscd.msk.f32 $0xffff, v21, v1  }
0x3d0: {  	v21 =	vld [tilespmem:s31+$0xFFFFFF30];
	v27, v28, _ =	vpop (xrf1);
	(xrf1) =	vsort.dscd.msk.f32 $0xffff, v7, v22  }
0x3d1: {  	v22, v30, _ =	vpop (xrf1);
	(xrf1) =	vsort.dscd.msk.f32 $0xffff, v16, v0  }
0x3d2: {  	v63 =	vld [tilespmem:s31+$0x10]  }
0x3d3: {  	v17 =	vperm.xlane v17, v4;
	v29 =	vperm.xlane v29, v4;
	v16, v31, _ =	vpop (xrf1)  }
0x3d4: {  	v44 =	vld [tilespmem:s31+$0x0];
	v45, v7, _ =	vpop (xrf1)  }
0x3d5: {  	v17 =	vsel vm0, v22, v17;
	v22 =	vsel vm0, v30, v29;
	v48, v47, _ =	vpop (xrf1);
	(xrf1) =	vsort.dscd.msk.f32 $0xffff, v21, v3  }
0x3d6: {  	v46 =	vld [tilespmem:s31+$0xFFFFFF20];
	v11 =	vperm.xlane v11, v4;
	v10 =	vperm.xlane v10, v4;
	v29 =	vmin.f32 v45, $8.000000000e+01;
	v30, v49, _ =	vpop (xrf1);
	(xrf1) =	vsort.dscd.msk.f32 $0xffff, v17, v22  }
0x3d7: {  	v21 =	vperm.xlane v62, v4;
	v29 =	vmul.f32 $1.442695020e+00, v29;
	v51, v50, _ =	vpop (xrf1);
	(xrf1) =	vsort.dscd.msk.f32 $0xffff, v63, v1  }
0x3d8: {  	v16 =	vperm.xlane v16, v4;
	v17 =	vperm.xlane v31, v4;
	v22, v31, _ =	vpop (xrf1)  }
0x3d9: {  	v9 =	vsel vm0, v9, v10;
	(erf) = vpow2.f32 v29;
	(xrf1) =	vsort.dscd.msk.f32 $0xffff, v44, v0;
	v52, v53, _ =	vpop (xrf1);
	v29 =	vperm.xlane v31, v4  }
0x3da: {  	v8 =	vsel vm0, v8, v11;
	v10 =	vmin.f32 v25, $8.000000000e+01;
	v18 =	vsel vm0, v18, v21;
	v31, v54, _ =	vpop (xrf1)  }
0x3db: {  	v10 =	vmul.f32 $1.442695020e+00, v10;
	v22 =	vperm.xlane v22, v4;
	(xrf1) =	vsort.dscd.msk.f32 $0xffff, v46, v2;
	v16 =	vsel vm0, v52, v16;
	v25, v55, _ =	vpop (xrf1)  }
0x3dc: {  	v11 =	vld [tilespmem:s31+$0xFFFFFF00];
	v17 =	vsel vm0, v53, v17;
	(xrf1) =	vsort.dscd.msk.f32 $0xffff, v9, v8;
	v9 =	vperm.xlane v61, v4;
	v56, v21, _ =	vpop (xrf1)  }
0x3dd: {  	s23 =	simm.s32 $0x700;
	(erf) = vpow2.f32 v10;
	(xrf1) =	vsort.dscd.msk.f32 $0xffff, v16, v17;
	v16 =	vsel vm0, v51, v22;
	v22 =	vsel vm0, v50, v29;
	v29, v40, _ =	vpop (xrf1)  }
0x3de: {  	v17 =	vperm.xlane v54, v4;
	v31 =	vperm.xlane v31, v4;
	v57, v8, _ =	vpop (xrf1);
	(xrf1) =	vsort.dscd.msk.f32 $0xffff, v16, v22;
	v22 =	vld [tilespmem:s23+$0xB0]  }
0x3df: {  	v9 =	vsel vm0, v26, v9;
	v16 =	vperm.xlane v23, v4;
	v23 =	vmin.f32 v57, $8.000000000e+01;
	v10, v26, _ =	vpop (xrf1)  }
0x3e0: {  	(xrf1) =	vsort.dscd.msk.f32 $0xffff, v18, v9;
	v18 =	vperm.xlane v27, v4;
	v9 =	vsel vm0, v10, v31  }
0x3e1: {  	v10 =	vsel vm0, v26, v17;
	(xrf1) =	vsort.dscd.msk.f32 $0xffff, v11, v0;
	v11 =	vmul.f32 $1.442695020e+00, v23;
	v17 =	vperm.xlane v24, v4  }
0x3e2: {  	v24 =	vperm.xlane v30, v4;
	(xrf1) =	vsort.dscd.msk.f32 $0xffff, v9, v10;
	v9 =	vperm.xlane v28, v4;
	v10 =	vld [tilespmem:s23+$0xA0];
	v23 =	vpop (erf)  }
0x3e3: {  	(erf) = vpow2.f32 v11;
	v11 =	vperm.xlane v49, v4;
	v27, v28, _ =	vpop (xrf1);
	(xrf1) =	vsort.dscd.msk.f32 $0xffff, v22, v3  }
0x3e4: {  	v26 =	vld [tilespmem:s23+$0x90];
	v18 =	vsel vm0, v48, v18;
	v9 =	vsel vm0, v47, v9;
	v22, v30, _ =	vpop (xrf1)  }
0x3e5: {  	v24 =	vsel vm0, v25, v24;
	v11 =	vsel vm0, v55, v11;
	v25, v31, _ =	vpop (xrf1);
	(xrf1) =	vsort.dscd.msk.f32 $0xffff, v18, v9  }
0x3e6: {  	(xrf1) =	vsort.dscd.msk.f32 $0xffff, v24, v11  }
0x3e7: {  	v32 =	vld [tilespmem:s23+$0xFFFFFF90];
	v9 =	vsel vm0, v20, v17;
	v18, v20, _ =	vpop (xrf1);
	(xrf1) =	vsort.dscd.msk.f32 $0xffff, v10, v2  }
0x3e8: {  	v17 =	vld [tilespmem:s23+$0x30];
	v11 =	vsel vm0, v19, v16;
	v24 =	vperm.xlane v28, v4;
	v16 =	vpop (erf)  }
0x3e9: {  	v36 =	vld [tilespmem:s23+$0x80];
	v59 =	vperm.xlane v25, v4;
	v31 =	vperm.xlane v31, v4;
	v10, v28, _ =	vpop (xrf1);
	(xrf1) =	vsort.dscd.msk.f32 $0xffff, v26, v1  }
0x3ea: {  	v58 =	vld [tilespmem:s23+$0xFFFFFFA0];
	v26 =	vperm.xlane v22, v4;
	v22 =	vperm.xlane v27, v4;
	(xrf1) =	vsort.dscd.msk.f32 $0xffff, v11, v9;
	v11 =	vnsel vm0, $0x0, v16;
	v27, v16, _ =	vpop (xrf1)  }
0x3eb: {  	v60 =	vperm.xlane v30, v4;
	v19 =	vld [tilespmem:s23+$0xFFFFFFB0];
	v20 =	vsel vm0, v20, v31;
	v18 =	vsel vm0, v18, v59;
	v30, v61, _ =	vpop (xrf1);
	(xrf2) =	vadd.scan.msk.f32 $0xffff, v11  }
0x3ec: {  	v35 =	vld [tilespmem:s23+$0x20];
	v33 =	vsel vm0, v10, v22;
	(xrf1) =	vsort.dscd.msk.f32 $0xffff, v18, v20;
	v18 =	vmin.f32 v27, $8.000000000e+01;
	v22 =	vperm.xlane v56, v4;
	v10 =	vpop (erf)  }
0x3ed: {  	s16 =	simm.s32 $0xC00;
	v37 =	vld [tilespmem:s23+$0xFFFFFF80];
	v9 =	vnsel vm0, $0x0, v23;
	v20 =	vperm.xlane v21, v4;
	(xrf1) =	vsort.dscd.msk.f32 $0xffff, v17, v3;
	v18 =	vmul.f32 $1.442695020e+00, v18;
	v21, v23, _ =	vpop (xrf1)  }
0x3ee: {  	s21 =	simm.s32 $0xC10;
	s18 =	simm.s32 $0xC08;
	s20 =	simm.s32 $0xC38;
	v39 =	vld [tilespmem:s23+$0xFFFFFF10];
	v29 =	vperm.xlane v29, v4;
	v34 =	vsel vm0, v28, v24;
	v27 =	vperm.xlane v40, v4;
	(xrf2) =	vadd.scan.msk.f32 $0xffff, v9;
	v24, v62, _ =	vpop (xrf1)  }
0x3ef: {  	s17 =	simm.s32 $0xC30;
	s15 =	simm.s32 $0xC28;
	s19 =	simm.s32 $0xC20;
	v25 =	vld [tilespmem:s23+$0xFFFFFF30];
	v17 =	vsel vm0, v61, v60;
	(xrf1) =	vsort.dscd.msk.f32 $0xffff, v58, v2;
	(erf) = vpow2.f32 v18;
	v63, v28, _ =	vpop (xrf1);
	v24 =	vsel vm0, v24, v22  }
0x3f0: {  	s22 =	simm.s32 $0xC18;
	s24 =	simm.s32 $0xC;
	s14 =	simm.s32 $0xC20;
	v31 =	vld [tilespmem:s23+$0xFFFFFF20];
	v10 =	vnsel vm0, $0x0, v10;
	(xrf1) =	vsort.dscd.msk.f32 $0xffff, v19, v3;
	v38 =	vsel vm0, v62, v20;
	v29 =	vsel vm0, v63, v29;
	v22, v19, _ =	vpop (xrf1)  }
.LBB2_8:
0x3f1: {  	(xrf1) =	vsort.dscd.msk.f32 $0xffff, v36, v0;
	v36, v40, _ =	vpop (xrf1)  }
0x3f2: {  	s24 =	sadd.s32 $0x4, s24;
	v20 =	vsel vm0, v30, v26;
	s14 =	sadd.s32 $0x20, s14;
	v18 =	vmov v16;
	v30 =	vperm.xlane v40, v4  }
0x3f3: {  	p0 =	slt.u32 s24, $0x7C;
	v26 =	vperm.xlane v36, v4;
	(xrf1) =	vsort.dscd.msk.f32 $0xffff, v32, v1;
	s26 =	sadd.s32 $0x10, s14;
	s28 =	sadd.s32 $0x18, s14;
	v32, v16, _ =	vpop (xrf1)  }
0x3f4: {  	s25 =	sadd.s32 $0x8, s14;
	v36 =	vld [tilespmem:s23+$0x10];
	v40, v41, _ =	vpop (xrf1);
	v32 =	vmin.f32 v32, $8.000000000e+01;
	(xrf2) =	vadd.scan.msk.f32 $0xffff, v10  }
0x3f5: {  	(xrf1) =	vsort.dscd.msk.f32 $0xffff, v35, v2;
	v35, v42, _ =	vpop (xrf1);
	v32 =	vmul.f32 $1.442695020e+00, v32  }
0x3f6: {  	v43 =	vld [tilespmem:s23+$0xFFFFFF00];
	v26 =	vsel vm0, v35, v26;
	v35 =	vsel vm0, v42, v30;
	(xrf1) =	vsort.dscd.msk.f32 $0xffff, v33, v34;
	v30, _, _ =	vpop (xrf2)  }
0x3f7: {  	(xrf1) =	vsort.dscd.msk.f32 $0xffff, v39, v1;
	v33, v34, _ =	vpop (xrf1);
	v39 =	vbroadcast v30, $0xF  }
0x3f8: {  	v42 =	vld [tilespmem:s23+$0x0];
	v44 =	vpop (erf)  }
0x3f9: {  	(xrf1) =	vsort.dscd.msk.f32 $0xffff, v24, v38;
	v38, v30, _ =	vpop (xrf1);
	v24 =	vnsel vm0, $0x0, v44;
	(erf) = vrcp.f32 v39  }
0x3fa: {  	v39 =	vperm.xlane v40, v4;
	v40 =	vperm.xlane v41, v4;
	v38 =	vmin.f32 v38, $8.000000000e+01;
	v41, _, _ =	vpop (xrf2)  }
0x3fb: {  	(xrf1) =	vsort.dscd.msk.f32 $0xffff, v37, v0;
	v37, v44, _ =	vpop (xrf1);
	v38 =	vmul.f32 $1.442695020e+00, v38;
	v41 =	vbroadcast v41, $0xF  }
0x3fc: {  	v45, v46, _ =	vpop (xrf1);
	v37 =	vsel vm0, v37, v39;
	v39 =	vsel vm0, v44, v40;
	(xrf2) =	vadd.scan.msk.f32 $0xffff, v24  }
0x3fd: {  	v40 =	vperm.xlane v46, v4;
	(xrf1) =	vsort.dscd.msk.f32 $0xffff, v25, v3;
	v25, v44, _ =	vpop (xrf1)  }
0x3fe: {  	(xrf1) =	vsort.dscd.msk.f32 $0xffff, v26, v35;
	v26 =	vperm.xlane v13, v4;
	v35, _, _ =	vpop (xrf2);
	v13 =	vmov v23  }
0x3ff: {  	v23 =	vperm.xlane v34, v4;
	v34, v46, _ =	vpop (xrf1);
	(xrf1) =	vsort.dscd.msk.f32 $0xffff, v36, v1;
	(erf) = vrcp.f32 v41  }
0x400: {  	v34 =	vperm.xlane v34, v4;
	v49 =	vperm.xlane v46, v4;
	v41, v46, _ =	vpop (xrf1)  }
0x401: {  	v50 =	vperm.xlane v12, v4;
	v12 =	vmov v21;
	v47, v48, _ =	vpop (xrf1);
	(xrf1) =	vsort.dscd.msk.f32 $0xffff, v42, v0;
	(erf) = vpow2.f32 v38  }
0x402: {  	v21 =	vsel vm0, v25, v34;
	v25 =	vperm.xlane v33, v4;
	(xrf1) =	vsort.dscd.msk.f32 $0xffff, v31, v2;
	v31 =	vbroadcast v35, $0xF;
	v33 =	vpop (erf)  }
0x403: {  	v14 =	vsel vm0, v14, v50;
	v34 =	vperm.xlane v48, v4;
	v35 =	vsel vm0, v44, v49;
	v36, v38, _ =	vpop (xrf1)  }
0x404: {  	v23 =	vsel vm0, v46, v23;
	v46 =	vsel vm0, v15, v26;
	v25 =	vsel vm0, v41, v25;
	v41, v42, _ =	vpop (xrf1)  }
0x405: {  	s23 =	sadd.s32 $0x200, s23;
	v26 =	vperm.xlane v47, v4;
	v38 =	vsel vm0, v38, v40;
	v40, v44, _ =	vpop (xrf1);
	(xrf1) =	vsort.dscd.msk.f32 $0xffff, v14, v46;
	(erf) = vrcp.f32 v31  }
0x406: {  	v11 =	vmul.f32 v33, v11;
	v14 =	vmov v22;
	v31 =	vld [tilespmem:s23+$0xA0];
	(xrf1) =	vsort.dscd.msk.f32 $0xffff, v25, v23;
	v23 =	vor.u32 s22, v5;
	v15, _, _ =	vpop (xrf2);
	s22 =	smov.u32 s20;
	s20 =	smov.u32 s28  }
0x407: {  	v33 =	vperm.xlane v45, v4;
	v46 =	vor.u32 s21, v5;
	s21 =	smov.u32 s17;
	s17 =	smov.u32 s26;
	v22 =	vld [tilespmem:s23+$0xB0];
	v25, v45, _ =	vpop (xrf1);
	v49 =	vbroadcast v15, $0xF  }
0x408: {  	v47 =	vld [tilespmem:s23+$0x30];
	(xrf1) =	vsort.dscd.msk.f32 $0xffff, v21, v35;
	v21 =	vsel vm0, v28, v27;
	v35 =	vmin.f32 v25, $8.000000000e+01;
	(erf) = vpow2.f32 v32;
	v25 =	vpop (erf)  }
0x409: {  	v15 =	vmov v19;
	v48 =	vld [tilespmem:s23+$0xFFFFFFB0];
	v28, v32, _ =	vpop (xrf1);
	(xrf1) =	vsort.dscd.msk.f32 $0xffff, v29, v21;
	v50 =	vmul.f32 v25, v9;
	(erf) = vrcp.f32 v49  }
0x40a: {  	v25 =	vld [tilespmem:s23+$0xFFFFFF30];
	v9 =	vsel vm0, v28, v26;
	v49 =	vsel vm0, v32, v34;
	(xrf1) =	vsort.dscd.msk.f32 $0xffff, v43, v0;
	v26 =	vmul.f32 $1.442695020e+00, v35;
	v27 =	vpop (erf)  }
0x40b: {  	v28 =	vld [tilespmem:s23+$0x90];
	v29, v32, _ =	vpop (xrf1);
	(xrf1) =	vsort.dscd.msk.f32 $0xffff, v9, v49;
	v9 =	vnsel vm0, $0x0, v27;
	[tilespmem:v23+s11+$0x0] =	vst.idx.msk $0xff, v50  }
0x40c: {  	(xrf1) =	vsort.dscd.msk.f32 $0xffff, v22, v3;
	v19, v21, _ =	vpop (xrf1);
	(erf) = vpow2.f32 v26;
	[tilespmem:v46+s11+$0x0] =	vst.idx.msk $0xff, v11  }
0x40d: {  	v27 =	vsel vm0, v36, v33;
	v11 =	vperm.xlane v32, v4;
	v22 =	vld [tilespmem:s23+$0xFFFFFFA0];
	v33, v34, _ =	vpop (xrf1);
	(xrf1) =	vsort.dscd.msk.f32 $0xffff, v37, v39  }
0x40e: {  	v26 =	vperm.xlane v19, v4;
	v19 =	vperm.xlane v21, v4;
	v32 =	vld [tilespmem:s23+$0xFFFFFF90];
	(xrf1) =	vsort.dscd.msk.f32 $0xffff, v27, v38;
	v21 =	vpop (erf)  }
0x40f: {  	v37 =	vperm.xlane v29, v4;
	v38 =	vor.u32 s16, v5;
	s16 =	smov.u32 s19;
	s19 =	smov.u32 s14;
	v36 =	vld [tilespmem:s23+$0x80];
	(xrf1) =	vsort.dscd.msk.f32 $0xffff, v31, v2;
	v29, v31, _ =	vpop (xrf1);
	[tilespmem:v23+s12+$0x0] =	vst.idx.msk $0xff, v7  }
0x410: {  	v39 =	vor.u32 s18, v5;
	s18 =	smov.u32 s15;
	s15 =	smov.u32 s25;
	v43 =	vperm.xlane v34, v4;
	v23 =	vperm.xlane v33, v4;
	v33, v34, _ =	vpop (xrf1);
	[tilespmem:v46+s12+$0x0] =	vst.idx.msk $0xff, v6  }
0x411: {  	v10 =	vmul.f32 v21, v10;
	v6 =	vmov v16;
	v35 =	vld [tilespmem:s23+$0x20];
	(xrf1) =	vsort.dscd.msk.f32 $0xffff, v28, v1;
	v33 =	vsel vm0, v33, v37;
	v27 =	vpop (erf)  }
0x412: {  	v7 =	vmov v30;
	v21 =	vsel vm0, v31, v43;
	v34 =	vsel vm0, v34, v11;
	v28 =	vpop (erf)  }
0x413: {  	v29 =	vsel vm0, v29, v23;
	v11 =	vnsel vm0, $0x0, v27;
	v31 =	vld [tilespmem:s23+$0xFFFFFF20];
	(xrf1) =	vsort.dscd.msk.f32 $0xffff, v20, v17;
	v17, v16, _ =	vpop (xrf1);
	v20 =	vmul.f32 v28, v24  }
0x414: {  	v30, v24, _ =	vpop (xrf1);
	v17 =	vmin.f32 v17, $8.000000000e+01;
	(xrf2) =	vadd.scan.msk.f32 $0xffff, v11;
	[tilespmem:v38+s11+$0x0] =	vst.idx.msk $0xff, v10  }
.Ltmp3:
0x415: {  	v42 =	vperm.xlane v42, v4;
	(xrf1) =	vsort.dscd.msk.f32 $0xffff, v29, v21;
	v17 =	vmul.f32 $1.442695020e+00, v17;
	v10 =	vpop (erf);
	[tilespmem:v39+s11+$0x0] =	vst.idx.msk $0xff, v20;
	(pc) =	sbr.rel @p0 .LBB2_8-.Ltmp3, $4  }
0x416: {  	v20 =	vperm.xlane v41, v4;
	v37 =	vld [tilespmem:s23+$0xFFFFFF80];
	(xrf1) =	vsort.dscd.msk.f32 $0xffff, v47, v3;
	v21, v23, _ =	vpop (xrf1);
	v10 =	vnsel vm0, $0x0, v10;
	[tilespmem:v38+s12+$0x0] =	vst.idx.msk $0xff, v8  }
0x417: {  	v40 =	vperm.xlane v40, v4;
	(xrf1) =	vsort.dscd.msk.f32 $0xffff, v22, v2;
	v22, v38, _ =	vpop (xrf1);
	(erf) = vpow2.f32 v17;
	[tilespmem:v39+s12+$0x0] =	vst.idx.msk $0xff, v18  }
0x418: {  	v27 =	vperm.xlane v44, v4;
	v17 =	vsel vm0, v24, v19;
	v18, v28, _ =	vpop (xrf1);
	v24 =	vsel vm0, v22, v20;
	(xrf2) =	vadd.scan.msk.f32 $0xffff, v9  }
0x419: {  	v8 =	vmov v45;
	v38 =	vsel vm0, v38, v42;
	v39 =	vld [tilespmem:s23+$0xFFFFFF10];
	(xrf1) =	vsort.dscd.msk.f32 $0xffff, v48, v3;
	v29 =	vsel vm0, v18, v40;
	v22, v19, _ =	vpop (xrf1)  }
0x41a: {  	(xrf1) =	vsort.dscd.msk.f32 $0xffff, v36, v0  }
0x41b: {  	v20, v53, _ =	vpop (xrf1);
	(xrf2) =	vadd.scan.msk.f32 $0xffff, v10  }
0x41c: {  	(xrf1) =	vsort.dscd.msk.f32 $0xffff, v32, v1;
	v54, v18, _ =	vpop (xrf1)  }
0x41d: {  	v40, v41, _ =	vpop (xrf1);
	(xrf1) =	vsort.dscd.msk.f32 $0xffff, v35, v2  }
0x41e: {  	v55, v42, _ =	vpop (xrf1)  }
0x41f: {  	(xrf1) =	vsort.dscd.msk.f32 $0xffff, v33, v34;
	v58, _, _ =	vpop (xrf2)  }
0x420: {  	(xrf1) =	vsort.dscd.msk.f32 $0xffff, v39, v1;
	v33, v34, _ =	vpop (xrf1)  }
0x421: {  	v56 =	vld [tilespmem:s23+$0x10];
	v57 =	vperm.xlane v20, v4;
	(xrf1) =	vsort.dscd.msk.f32 $0xffff, v24, v38;
	v52 =	vbroadcast v58, $0xF;
	v43 =	vpop (erf)  }
0x422: {  	v44 =	vld [tilespmem:s23+$0x0];
	v32 =	vperm.xlane v53, v4;
	(xrf1) =	vsort.dscd.msk.f32 $0xffff, v37, v0;
	v45, v20, _ =	vpop (xrf1)  }
0x423: {  	v35 =	vsel vm0, v55, v57;
	v24 =	vnsel vm0, $0x0, v43;
	(xrf1) =	vsort.dscd.msk.f32 $0xffff, v25, v3;
	(erf) = vrcp.f32 v52;
	v62, _, _ =	vpop (xrf2)  }
0x424: {  	v32 =	vsel vm0, v42, v32;
	(xrf2) =	vadd.scan.msk.f32 $0xffff, v24;
	v38, v42, _ =	vpop (xrf1)  }
0x425: {  	(xrf1) =	vsort.dscd.msk.f32 $0xffff, v35, v32;
	v25, v43, _ =	vpop (xrf1)  }
0x426: {  	v13 =	vperm.xlane v13, v4;
	v12 =	vperm.xlane v12, v4;
	(xrf1) =	vsort.dscd.msk.f32 $0xffff, v56, v1;
	v53, _, _ =	vpop (xrf2)  }
0x427: {  	v32, v35, _ =	vpop (xrf1);
	(xrf1) =	vsort.dscd.msk.f32 $0xffff, v44, v0  }
0x428: {  	v12 =	vsel vm0, v14, v12;
	v13 =	vsel vm0, v15, v13;
	v59, v46, _ =	vpop (xrf1);
	(xrf1) =	vsort.dscd.msk.f32 $0xffff, v31, v2  }
0x429: {  	v60, v47, _ =	vpop (xrf1);
	(xrf1) =	vsort.dscd.msk.f32 $0xffff, v12, v13  }
0x42a: {  	v61 =	vmin.f32 v54, $8.000000000e+01;
	v33 =	vperm.xlane v33, v4;
	v14, v15, _ =	vpop (xrf1)  }
0x42b: {  	v63 =	vmul.f32 $1.442695020e+00, v61;
	v34 =	vperm.xlane v34, v4;
	v37, v48, _ =	vpop (xrf1)  }
0x42c: {  	v61 =	vsel vm0, v28, v27;
	v54 =	vmin.f32 v45, $8.000000000e+01;
	v13 =	vbroadcast v62, $0xF;
	v27 =	vpop (erf)  }
0x42d: {  	v56 =	vperm.xlane v59, v4;
	v57 =	vperm.xlane v46, v4;
	v34 =	vsel vm0, v47, v34;
	v45, v49, _ =	vpop (xrf1)  }
0x42e: {  	v50 =	vmul.f32 $1.442695020e+00, v54;
	v36 =	vbroadcast v53, $0xF;
	v55 =	vsel vm0, v60, v33;
	v33, v44, _ =	vpop (xrf1)  }
0x42f: {  	(erf) = vrcp.f32 v13;
	(xrf1) =	vsort.dscd.msk.f32 $0xffff, v55, v34;
	v13 =	vsel vm0, v32, v56;
	v59 =	vsel vm0, v35, v57;
	v58, _, _ =	vpop (xrf2)  }
0x430: {  	(erf) = vpow2.f32 v50;
	(xrf1) =	vsort.dscd.msk.f32 $0xffff, v13, v59;
	v34, v12, _ =	vpop (xrf1)  }
0x431: {  	(erf) = vrcp.f32 v36;
	(xrf1) =	vsort.dscd.msk.f32 $0xffff, v29, v61;
	v60 =	vbroadcast v58, $0xF;
	v35, v39, _ =	vpop (xrf1)  }
0x432: {  	v47 =	vld [tilespmem:s23+$0xFFFFFF00];
	(erf) = vpow2.f32 v63;
	v28, v32, _ =	vpop (xrf1)  }
0x433: {  	v40 =	vperm.xlane v40, v4;
	v62 =	vmin.f32 v34, $8.000000000e+01;
	(erf) = vrcp.f32 v60;
	v34, v46, _ =	vpop (xrf1)  }
0x434: {  	v54 =	vperm.xlane v41, v4;
	v14 =	vperm.xlane v14, v4;
	v52, v53, _ =	vpop (xrf1)  }
0x435: {  	v15 =	vperm.xlane v15, v4;
	v63 =	vmul.f32 $1.442695020e+00, v62;
	v56, v55, _ =	vpop (xrf1)  }
0x436: {  	v25 =	vperm.xlane v25, v4;
	v57 =	vperm.xlane v43, v4;
	v59, v58, _ =	vpop (xrf1)  }
0x437: {  	(xrf1) =	vsort.dscd.msk.f32 $0xffff, v47, v0;
	v14 =	vsel vm0, v35, v14;
	v15 =	vsel vm0, v39, v15;
	(erf) = vpow2.f32 v63;
	v60, v13, _ =	vpop (xrf1)  }
0x438: {  	v38 =	vsel vm0, v38, v40;
	v61 =	vsel vm0, v42, v54;
	(xrf1) =	vsort.dscd.msk.f32 $0xffff, v14, v15;
	v31 =	vpop (erf);
	v62 =	vmin.f32 v60, $8.000000000e+01  }
0x439: {  	v25 =	vsel vm0, v37, v25;
	v63 =	vsel vm0, v48, v57;
	(xrf1) =	vsort.dscd.msk.f32 $0xffff, v38, v61;
	v40 =	vpop (erf);
	v14 =	vmul.f32 $1.442695020e+00, v62  }
0x43a: {  	v42 =	vsel vm0, v30, v26;
	(xrf1) =	vsort.dscd.msk.f32 $0xffff, v25, v63;
	v26 =	vpop (erf)  }
0x43b: {  	v48 =	vperm.xlane v53, v4;
	v51 =	vpop (erf);
	(erf) = vpow2.f32 v14  }
0x43c: {  	v47 =	vperm.xlane v52, v4;
	(xrf1) =	vsort.dscd.msk.f32 $0xffff, v42, v17;
	v52 =	vperm.xlane v28, v4;
	v17 =	vnsel vm0, $0x0, v51;
	v29 =	vpop (erf)  }
0x43d: {  	v53 =	vperm.xlane v32, v4;
	v25 =	vsel vm0, v55, v48;
	v28 =	vnsel vm0, $0x0, v40;
	v32, v36, _ =	vpop (xrf1);
	(xrf2) =	vadd.scan.msk.f32 $0xffff, v17  }
0x43e: {  	v55 =	vperm.xlane v49, v4;
	v37, v38, _ =	vpop (xrf1);
	(xrf2) =	vadd.scan.msk.f32 $0xffff, v28;
	v14 =	vsel vm0, v56, v47;
	v56 =	vperm.xlane v45, v4  }
0x43f: {  	v15 =	vsel vm0, v59, v52;
	v30 =	vsel vm0, v58, v53;
	v58, v57, _ =	vpop (xrf1);
	(xrf1) =	vsort.dscd.msk.f32 $0xffff, v14, v25  }
0x440: {  	v54 =	vpop (erf);
	v59 =	vsel vm0, v57, v55;
	(xrf1) =	vsort.dscd.msk.f32 $0xffff, v15, v30;
	v14 =	vsel vm0, v58, v56  }
0x441: {  	v25 =	vnsel vm0, $0x0, v54;
	(xrf1) =	vsort.dscd.msk.f32 $0xffff, v14, v59  }
0x442: {  	(xrf2) =	vadd.scan.msk.f32 $0xffff, v25;
	_ =	sdelay $0x1  }
0x443: {  	v61 =	vperm.xlane v23, v4;
	v62 =	vperm.xlane v21, v4;
	v60 =	vpop (erf)  }
0x444: {  	v63, v35, _ =	vpop (xrf1);
	v21 =	vnsel vm0, $0x0, v60  }
0x445: {  	v22 =	vsel vm0, v22, v62;
	v15 =	vsel vm0, v19, v61;
	v39, v40, _ =	vpop (xrf1);
	(xrf2) =	vadd.scan.msk.f32 $0xffff, v21  }
0x446: {  	(xrf1) =	vsort.dscd.msk.f32 $0xffff, v22, v15;
	v51, v14, _ =	vpop (xrf1)  }
0x447: {  	v52, v23, _ =	vpop (xrf1)  }
0x448: {  	v53, _, _ =	vpop (xrf2)  }
0x449: {  	v54, v15, _ =	vpop (xrf1)  }
0x44a: {  	v33 =	vperm.xlane v33, v4;
	v19 =	vmin.f32 v51, $8.000000000e+01;
	v41 =	vbroadcast v53, $0xF;
	v55, _, _ =	vpop (xrf2)  }
0x44b: {  	v44 =	vperm.xlane v44, v4;
	v42 =	vmin.f32 v54, $8.000000000e+01;
	v43 =	vbroadcast v55, $0xF;
	v57, _, _ =	vpop (xrf2)  }
0x44c: {  	v56 =	vmul.f32 $1.442695020e+00, v42;
	(erf) = vrcp.f32 v41;
	v59, v58, _ =	vpop (xrf1)  }
0x44d: {  	(erf) = vrcp.f32 v43;
	v42 =	vbroadcast v57, $0xF;
	v62, v61, _ =	vpop (xrf1)  }
0x44e: {  	v60 =	vmul.f32 $1.442695020e+00, v19;
	(erf) = vpow2.f32 v56;
	v49, v19, _ =	vpop (xrf1)  }
0x44f: {  	v30 =	vsel vm0, v63, v33;
	v35 =	vsel vm0, v35, v44;
	(erf) = vrcp.f32 v42;
	v63, _, _ =	vpop (xrf2)  }
0x450: {  	(xrf1) =	vsort.dscd.msk.f32 $0xffff, v30, v35;
	(erf) = vpow2.f32 v60;
	v51 =	vmin.f32 v49, $8.000000000e+01;
	v33 =	vbroadcast v63, $0xF  }
0x451: {  	v53 =	vmul.f32 $1.442695020e+00, v51  }
0x452: {  	v52 =	vperm.xlane v52, v4;
	(erf) = vrcp.f32 v33  }
0x453: {  	v23 =	vperm.xlane v23, v4;
	(erf) = vpow2.f32 v53  }
0x454: {  	v50 =	vperm.xlane v34, v4;
	v34, v22, _ =	vpop (xrf1)  }
0x455: {  	v35 =	vsel vm0, v59, v52;
	v23 =	vsel vm0, v58, v23;
	v34 =	vmin.f32 v34, $8.000000000e+01;
	v42 =	vpop (erf)  }
0x456: {  	v54 =	vperm.xlane v46, v4;
	(xrf1) =	vsort.dscd.msk.f32 $0xffff, v35, v23;
	v55 =	vmul.f32 $1.442695020e+00, v34;
	v43 =	vpop (erf)  }
0x457: {  	v56 =	vpop (erf)  }
0x458: {  	v30 =	vsel vm0, v32, v50;
	v33 =	vsel vm0, v36, v54;
	v34 =	vpop (erf);
	(erf) = vpow2.f32 v55  }
0x459: {  	(xrf1) =	vsort.dscd.msk.f32 $0xffff, v30, v33;
	v57 =	vpop (erf)  }
0x45a: {  	v23 =	vnsel vm0, $0x0, v57  }
0x45b: {  	v30 =	vnsel vm0, $0x0, v56;
	(xrf2) =	vadd.scan.msk.f32 $0xffff, v23;
	v32 =	vpop (erf)  }
0x45c: {  	(xrf2) =	vadd.scan.msk.f32 $0xffff, v30;
	v59 =	vpop (erf)  }
0x45d: {  	v58 =	vperm.xlane v61, v4;
	v60 =	vperm.xlane v62, v4;
	v35 =	vnsel vm0, $0x0, v59  }
0x45e: {  	v38 =	vperm.xlane v38, v4;
	v37 =	vperm.xlane v37, v4;
	v62, v61, _ =	vpop (xrf1);
	(xrf2) =	vadd.scan.msk.f32 $0xffff, v35  }
0x45f: {  	v36 =	vsel vm0, v62, v60;
	v33 =	vsel vm0, v61, v58  }
0x460: {  	v40 =	vsel vm0, v40, v38;
	v63 =	vsel vm0, v39, v37;
	(xrf1) =	vsort.dscd.msk.f32 $0xffff, v36, v33  }
0x461: {  	(xrf1) =	vsort.dscd.msk.f32 $0xffff, v63, v40;
	v41 =	vpop (erf)  }
0x462: {  	v33 =	vnsel vm0, $0x0, v41  }
0x463: {  	(xrf2) =	vadd.scan.msk.f32 $0xffff, v33  }
0x464: {  	v44, v37, _ =	vpop (xrf1)  }
0x465: {  	v45, _, _ =	vpop (xrf2)  }
0x466: {  	v47, _, _ =	vpop (xrf2)  }
0x467: {  	v46, v40, _ =	vpop (xrf1)  }
0x468: {  	v38 =	vbroadcast v45, $0xF;
	v41 =	vbroadcast v47, $0xF;
	v39 =	vmin.f32 v46, $8.000000000e+01;
	v49, _, _ =	vpop (xrf2)  }
0x469: {  	v48 =	vmul.f32 $1.442695020e+00, v39;
	v39 =	vbroadcast v49, $0xF  }
0x46a: {  	(erf) = vrcp.f32 v38  }
0x46b: {  	v36 =	vmin.f32 v44, $8.000000000e+01;
	(erf) = vrcp.f32 v41  }
0x46c: {  	v36 =	vmul.f32 $1.442695020e+00, v36;
	(erf) = vpow2.f32 v48  }
0x46d: {  	v50, _, _ =	vpop (xrf2);
	(erf) = vrcp.f32 v39  }
0x46e: {  	(erf) = vpow2.f32 v36;
	v51, v39, _ =	vpop (xrf1)  }
0x46f: {  	v52, v44, _ =	vpop (xrf1)  }
0x470: {  	v38 =	vbroadcast v50, $0xF;
	v36 =	vmin.f32 v51, $8.000000000e+01;
	v41 =	vmin.f32 v52, $8.000000000e+01  }
0x471: {  	v36 =	vmul.f32 $1.442695020e+00, v36  }
0x472: {  	(erf) = vrcp.f32 v38;
	v53 =	vmul.f32 $1.442695020e+00, v41  }
0x473: {  	v41 =	vpop (erf);
	(erf) = vpow2.f32 v36  }
0x474: {  	v56 =	vor.u32 s22, v5;
	v54 =	vpop (erf);
	(erf) = vpow2.f32 v53  }
0x475: {  	v57 =	vor.u32 s21, v5;
	v55 =	vpop (erf)  }
0x476: {  	v46 =	vpop (erf)  }
0x477: {  	v9 =	vmul.f32 v31, v9;
	v58 =	vpop (erf)  }
0x478: {  	v11 =	vmul.f32 v27, v11;
	v31 =	vnsel vm0, $0x0, v58  }
0x479: {  	[tilespmem:v56+s11+$0x0] =	vst.idx.msk $0xff, v9;
	v59 =	vor.u32 s16, v5;
	(xrf2) =	vadd.scan.msk.f32 $0xffff, v31  }
0x47a: {  	[tilespmem:v57+s11+$0x0] =	vst.idx.msk $0xff, v11;
	v27 =	vnsel vm0, $0x0, v55  }
0x47b: {  	v60 =	vor.u32 s18, v5;
	[tilespmem:v56+s12+$0x0] =	vst.idx.msk $0xff, v7;
	v61 =	vpop (erf);
	(xrf2) =	vadd.scan.msk.f32 $0xffff, v27  }
0x47c: {  	[tilespmem:v57+s12+$0x0] =	vst.idx.msk $0xff, v6;
	v6 =	vmul.f32 v26, v10;
	v7 =	vpop (erf)  }
0x47d: {  	v24 =	vmul.f32 v29, v24;
	v63 =	vor.u32 s20, v5;
	v7 =	vnsel vm0, $0x0, v7;
	v62 =	vpop (erf)  }
0x47e: {  	[tilespmem:v59+s11+$0x0] =	vst.idx.msk $0xff, v6;
	v6 =	vor.u32 s17, v5;
	(xrf2) =	vadd.scan.msk.f32 $0xffff, v7;
	v10 =	vnsel vm0, $0x0, v62  }
0x47f: {  	(xrf2) =	vadd.scan.msk.f32 $0xffff, v10  }
0x480: {  	v29 =	vmul.f32 v43, v28;
	[tilespmem:v60+s11+$0x0] =	vst.idx.msk $0xff, v24  }
0x481: {  	v42 =	vmul.f32 v42, v17;
	[tilespmem:v60+s12+$0x0] =	vst.idx.msk $0xff, v16  }
0x482: {  	[tilespmem:v63+s11+$0x0] =	vst.idx.msk $0xff, v29;
	v47 =	vor.u32 s15, v5  }
0x483: {  	[tilespmem:v6+s11+$0x0] =	vst.idx.msk $0xff, v42;
	v45, _, _ =	vpop (xrf2)  }
0x484: {  	s14 =	sadd.s32 $0x20, s14;
	v43 =	vor.u32 s19, v5;
	[tilespmem:v6+s12+$0x0] =	vst.idx.msk $0xff, v18;
	v6 =	vmul.f32 v32, v21;
	v48 =	vbroadcast v45, $0xF  }
0x485: {  	s25 =	sadd.s32 $0x18, s14;
	[tilespmem:v63+s12+$0x0] =	vst.idx.msk $0xff, v20;
	v49, _, _ =	vpop (xrf2)  }
0x486: {  	s26 =	sadd.s32 $0x10, s14;
	[tilespmem:v59+s12+$0x0] =	vst.idx.msk $0xff, v8;
	v51 =	vor.u32 s25, v5;
	v16 =	vbroadcast v49, $0xF;
	(erf) = vrcp.f32 v48  }
0x487: {  	v50 =	vmul.f32 v34, v25;
	[tilespmem:v47+s11+$0x0] =	vst.idx.msk $0xff, v6;
	v52 =	vor.u32 s26, v5  }
0x488: {  	[tilespmem:v47+s12+$0x0] =	vst.idx.msk $0xff, v13;
	(erf) = vrcp.f32 v16;
	v6, _, _ =	vpop (xrf2)  }
0x489: {  	[tilespmem:v43+s11+$0x0] =	vst.idx.msk $0xff, v50;
	v53 =	vmul.f32 v54, v30;
	v6 =	vbroadcast v6, $0xF;
	v54, _, _ =	vpop (xrf2)  }
0x48a: {  	s28 =	sadd.s32 $0x8, s14;
	v56 =	vor.u32 s14, v5;
	[tilespmem:v43+s12+$0x0] =	vst.idx.msk $0xff, v12;
	v55 =	vmul.f32 v41, v23;
	v12 =	vbroadcast v54, $0xF  }
0x48b: {  	v57 =	vor.u32 s28, v5;
	[tilespmem:v51+s11+$0x0] =	vst.idx.msk $0xff, v53;
	(erf) = vrcp.f32 v6;
	v6 =	vmul.f32 v46, v35  }
0x48c: {  	s14 =	sadd.s32 $0x20, s14;
	[tilespmem:v52+s11+$0x0] =	vst.idx.msk $0xff, v55;
	(erf) = vrcp.f32 v12  }
0x48d: {  	s30 =	sadd.s32 $0x10, s14;
	[tilespmem:v51+s12+$0x0] =	vst.idx.msk $0xff, v15  }
0x48e: {  	s29 =	sadd.s32 $0x18, s14;
	v60 =	vor.u32 s30, v5;
	[tilespmem:v52+s12+$0x0] =	vst.idx.msk $0xff, v14;
	v58 =	vmul.f32 v61, v33  }
0x48f: {  	v59 =	vor.u32 s29, v5;
	[tilespmem:v56+s11+$0x0] =	vst.idx.msk $0xff, v6;
	v6 =	vpop (erf)  }
0x490: {  	[tilespmem:v57+s11+$0x0] =	vst.idx.msk $0xff, v58;
	v6 =	vmul.f32 v6, v31  }
0x491: {  	[tilespmem:v57+s12+$0x0] =	vst.idx.msk $0xff, v22;
	v61 =	vpop (erf)  }
0x492: {  	s31 =	sadd.s32 $0x8, s14;
	v62 =	vor.u32 s14, v5;
	[tilespmem:v56+s12+$0x0] =	vst.idx.msk $0xff, v19;
	v8 =	vmul.f32 v61, v27  }
0x493: {  	v63 =	vor.u32 s31, v5;
	[tilespmem:v60+s11+$0x0] =	vst.idx.msk $0xff, v6  }
0x494: {  	[tilespmem:v59+s11+$0x0] =	vst.idx.msk $0xff, v8;
	v6 =	vpop (erf)  }
0x495: {  	[tilespmem:v60+s12+$0x0] =	vst.idx.msk $0xff, v37;
	v6 =	vmul.f32 v6, v7;
	v7 =	vpop (erf)  }
0x496: {  	[tilespmem:v59+s12+$0x0] =	vst.idx.msk $0xff, v40;
	v7 =	vmul.f32 v7, v10  }
0x497: {  	[tilespmem:v62+s11+$0x0] =	vst.idx.msk $0xff, v6  }
0x498: {  	[tilespmem:v63+s11+$0x0] =	vst.idx.msk $0xff, v7  }
0x499: {  	[tilespmem:v62+s12+$0x0] =	vst.idx.msk $0xff, v39  }
0x49a: {  	[tilespmem:v63+s12+$0x0] =	vst.idx.msk $0xff, v44  }
0x49b: {  	[hbm4b:s7+s2] =	stream.linear.scatter [tilespmem:s11], [sflag:$0x1], $0x1000, $0x38;
	[tilespmem:$0x6000] =	vst v63  }
0x49c: {  	s13 =	sadd.s32 $0x1, s13;
	_ =	swait.ge [sflag:s10], $0x1000  }
0x49d: {  	p0 =	sne.s32 s13, s9;
	[sflag:s10] =	ssyncset.done $0x0  }
.Ltmp4:
0x49e: {  	[sflag:s10] =	ssyncadd.s32 $0xFFFFF000;
	(pc) =	sbr.rel @p0 .LBB2_1-.Ltmp4, $4  }
0x49f: {  	[hbm4b:s8+s2] =	stream.linear.scatter [tilespmem:s12], [sflag:$0x1], $0x1000, $0x38;
	[tilespmem:$0x6000] =	vst v63  }
0x4a0: {  	_ =	swait.ge [sflag:s10], $0x1000  }
0x4a1: {  	[sflag:s10] =	ssyncset.done $0x0  }
0x4a2: {  	[sflag:s10] =	ssyncadd.s32 $0xFFFFF000  }
0x4a3: {  	_ =	sfence.sel $0x180000  }
0x4a4: {  	[bflag:$0x0] =	sbarrier.arrive $0xFFFF  }
0x4a5: {  	p0 =	sne.s32 s1, $0x0;
	_ =	strace $0x90000047  }
0x4a6: {  	s0 =	sadd.s32 @!p0 $0x100000, s0;
	[bflag:$0x2] =	sbarrier.arrive $0xFFFF  }
0x4a7: {  	[sflag:s0] =	ssyncadd.tile.s32 @!p0 $0x1;
	_ =	shalt  }
.Lfunc_end2:
_tile_overlayer_lowered:
.L_overlay_start_2:
0x4a8: {  	(tag) =	ssettag $0x2  }
0x4a9: {  	s0 =	rddreg [dreg:$0x0];
	s2 =	stileid.u32  }
0x4aa: {  	s1 =	rddreg [dreg:$0x1];
	p0 =	sne.s32 s2, $0x0  }
0x4ab: {  	s3 =	rddreg [dreg:$0x2];
	[bflag:$0x3] =	sbarrier.arrive $0xFFFF;
	s2 =	simm.s32 @!p0 $0x1C01  }
0x4ac: {  	[timem:s3], [sflag:s2] =	dma.local @!p0 [hbm:s0], s1  }
0x4ad: {  	s0 =	simm.s32 @!p0 $0x1  }
0x4ae: {  	_ =	swait.ge @!p0 [sflag:s0], s1  }
0x4af: {  	s1 =	ssub.s32 @!p0 $0x0, s1;
	[sflag:s0] =	ssyncset.done @!p0 $0x0  }
0x4b0: {  	[sflag:s0] =	ssyncadd.s32 @!p0 s1  }
0x4b1: {  	[bflag:$0x3] =	sbarrier.arrive $0xFFFF  }
0x4b2: {  	_ =	shalt  }

</sc_bundles>
